<compile_context>
chip_gen: v7x
topology: tpu7x:2x2x1
jax: 0.10.2.dev20260603
libtpu: 0.0.44.dev20260713+nightly
codegen_flags: <defaults>
</compile_context>

<pallas_src>
import functools

import jax
import jax.numpy as jnp
from jax import lax
from jax.experimental import pallas as pl
from jax.experimental.pallas import tpu as pltpu
from jax.experimental.pallas import tpu_sc as plsc

F = 16
SPC = 16
NC = 2
NW = NC * SPC
CHUNK = 128
CH2 = 2048


def _propagate_h(hs, hsT, sr, dr, ss, ds, zer, np_, er, nr_ch, ns):
  band = np_ // SPC

  mesh = plsc.VectorSubcoreMesh(core_axis_name="c", subcore_axis_name="s")

  @functools.partial(
      pl.kernel,
      mesh=mesh,
      out_type=[
          jax.ShapeDtypeStruct((F, np_), jnp.float32),
          jax.ShapeDtypeStruct((F, np_), jnp.float32),
          jax.ShapeDtypeStruct((np_, F), jnp.float32),
          jax.ShapeDtypeStruct((np_, F), jnp.float32),
      ],
      scratch_types=[
          pltpu.VMEM((np_,), jnp.float32),
          pltpu.VMEM((np_,), jnp.float32),
          pltpu.VMEM((2 * CH2,), jnp.int32),
          pltpu.VMEM((2 * CH2,), jnp.int32),
          pltpu.VMEM((ns, CHUNK), jnp.int32),
          pltpu.VMEM((ns, CHUNK), jnp.int32),
          pltpu.VMEM((3, CHUNK, F), jnp.float32),
          pltpu.VMEM_SHARED((np_, F), jnp.float32),
          pltpu.SemaphoreType.DMA,
          pltpu.SemaphoreType.DMA,
          pltpu.SemaphoreType.DMA,
      ],
      compiler_params=pltpu.CompilerParams(
          use_tc_tiling_on_sc=False, needs_layout_passes=False),
  )
  def k(hs_hbm, hsT_hbm, sr_hbm, dr_hbm, ss_hbm, ds_hbm, zer_hbm,
        pcaT_hbm, pcbT_hbm, pra_hbm, prb_hbm,
        ht, acc, sv, dv, sv2, dv2, rb, accs, sem, gsem, ssem):
    c = lax.axis_index("c")
    s = lax.axis_index("s")

    t1 = pltpu.async_copy(hsT_hbm.at[s], ht, sem)
    t2 = pltpu.async_copy(ss_hbm.at[c, s], sv2, sem)
    t3 = pltpu.async_copy(ds_hbm.at[c, s], dv2, sem)

    def zbody(i, carry):
      for u in range(8):
        acc[pl.ds((i * 8 + u) * F, F)] = jnp.zeros((F,), jnp.float32)
      return carry

    lax.fori_loop(0, np_ // F // 8, zbody, 0)
    pltpu.sync_copy(zer_hbm, accs.at[pl.ds(s * band, band)])
    t1.wait()
    t2.wait()
    t3.wait()
    plsc.subcore_barrier()

    srj = sr_hbm.at[c]
    drj = dr_hbm.at[c]
    pltpu.async_copy(srj.at[pl.ds(0, CH2)], sv.at[pl.ds(0, CH2)], sem)
    pltpu.async_copy(drj.at[pl.ds(0, CH2)], dv.at[pl.ds(0, CH2)], sem)
    pltpu.async_copy(hs_hbm.at[sv2.at[0]], rb.at[0], gsem)

    def chunk(j, carry):
      off = lax.rem(j, 2) * CH2
      nxt = CH2 - off
      pltpu.make_async_copy(
          srj.at[pl.ds(j * CH2, CH2)], sv.at[pl.ds(off, CH2)], sem).wait()
      pltpu.make_async_copy(
          drj.at[pl.ds(j * CH2, CH2)], dv.at[pl.ds(off, CH2)], sem).wait()

      @pl.when(j + 1 < nr_ch)
      def _():
        pltpu.async_copy(
            srj.at[pl.ds((j + 1) * CH2, CH2)], sv.at[pl.ds(nxt, CH2)], sem)
        pltpu.async_copy(
            drj.at[pl.ds((j + 1) * CH2, CH2)], dv.at[pl.ds(nxt, CH2)], sem)

      @pl.when(j < ns)
      def _():
        cur = lax.rem(j, 3)

        @pl.when(j >= 2)
        def _():
          pltpu.make_async_copy(
              hs_hbm.at[pl.ds(0, CHUNK)], rb.at[0], ssem).wait()

        pltpu.make_async_copy(
            hs_hbm.at[pl.ds(0, CHUNK)], rb.at[0], gsem).wait()
        pltpu.async_copy(rb.at[cur], accs.at[dv2.at[j]], ssem, add=True)

        @pl.when(j + 1 < ns)
        def _():
          pltpu.async_copy(
              hs_hbm.at[sv2.at[j + 1]], rb.at[lax.rem(j + 1, 3)], gsem)

      @plsc.parallel_loop(0, CH2 // F, step=1, unroll=16)
      def inner(v):
        p = off + v * F
        s16 = sv[pl.ds(p, F)]
        d16 = dv[pl.ds(p, F)]
        vals = plsc.load_gather(ht, [s16])
        plsc.addupdate_scatter(acc, [d16], vals)

      return carry

    lax.fori_loop(0, nr_ch, chunk, 0)

    pltpu.make_async_copy(hs_hbm.at[pl.ds(0, CHUNK)], rb.at[0], ssem).wait()
    pltpu.make_async_copy(hs_hbm.at[pl.ds(0, CHUNK)], rb.at[0], ssem).wait()
    plsc.subcore_barrier()

    @pl.when(c == 0)
    def _():
      pltpu.sync_copy(acc, pcaT_hbm.at[s])
      pltpu.sync_copy(accs.at[pl.ds(s * band, band)],
                      pra_hbm.at[pl.ds(s * band, band)])

    @pl.when(c == 1)
    def _():
      pltpu.sync_copy(acc, pcbT_hbm.at[s])
      pltpu.sync_copy(accs.at[pl.ds(s * band, band)],
                      prb_hbm.at[pl.ds(s * band, band)])

  return k(hs, hsT, sr, dr, ss, ds, zer)


def _degrees(didx2, np_, ch_w):
  rps = np_ // SPC

  mesh = plsc.VectorSubcoreMesh(core_axis_name="c", subcore_axis_name="s")

  @functools.partial(
      pl.kernel,
      mesh=mesh,
      out_type=[
          jax.ShapeDtypeStruct((np_,), jnp.float32),
          jax.ShapeDtypeStruct((np_,), jnp.float32),
      ],
      scratch_types=[
          pltpu.VMEM_SHARED((np_,), jnp.float32),
          pltpu.VMEM((ch_w, CHUNK), jnp.int32),
          pltpu.VMEM((rps,), jnp.float32),
          pltpu.SemaphoreType.DMA,
      ],
      compiler_params=pltpu.CompilerParams(use_tc_tiling_on_sc=False),
  )
  def k(didx_hbm, da_hbm, db_hbm, accd, dv, buf, sem):
    c = lax.axis_index("c")
    s = lax.axis_index("s")
    w = c * SPC + s
    r0 = s * rps
    for i in range(rps // F):
      buf[pl.ds(i * F, F)] = jnp.full((F,), 1.0, jnp.float32)
    pltpu.sync_copy(buf, accd.at[pl.ds(r0, rps)])
    pltpu.sync_copy(didx_hbm.at[pl.ds(w * ch_w, ch_w)], dv)
    plsc.subcore_barrier()

    def body(j, carry):
      pltpu.async_copy(buf.at[pl.ds(0, CHUNK)], accd.at[dv.at[j]], sem,
                       add=True)
      return carry

    lax.fori_loop(0, ch_w, body, 0)

    def drain(j, carry):
      pltpu.make_async_copy(
          didx_hbm.at[pl.ds(0, CHUNK)], dv.at[0], sem).wait()
      return carry

    lax.fori_loop(0, ch_w, drain, 0)

    plsc.subcore_barrier()

    @pl.when(c == 0)
    def _():
      pltpu.sync_copy(accd.at[pl.ds(r0, rps)], da_hbm.at[pl.ds(r0, rps)])

    @pl.when(c == 1)
    def _():
      pltpu.sync_copy(accd.at[pl.ds(r0, rps)], db_hbm.at[pl.ds(r0, rps)])

  return k(didx2)


def _tc_prep(da, db, x, w1, np_):

  def body(da_ref, db_ref, x_ref, w1_ref, dinv_ref, hsT_ref, hs_ref):
    deg = da_ref[...] + db_ref[...] - 1.0
    dinv = lax.rsqrt(deg)
    hT = lax.dot_general(
        w1_ref[...], x_ref[...],
        dimension_numbers=(((0,), (1,)), ((), ())),
        preferred_element_type=jnp.float32)
    hsT = dinv * hT
    dinv_ref[...] = dinv
    hsT_ref[...] = hsT
    hs_ref[...] = hsT.T

  return pl.pallas_call(
      body,
      out_shape=[
          jax.ShapeDtypeStruct((1, np_), jnp.float32),
          jax.ShapeDtypeStruct((F, np_), jnp.float32),
          jax.ShapeDtypeStruct((np_, F), jnp.float32),
      ],
  )(da, db, x, w1)


def _tc_layer(dinv, pcaT, pcbT, pra, prb, hsT, b1c, w2pT, np_):

  def body(dinv_ref, pa_ref, pb_ref, ra_ref, rb_ref, hsp_ref, b1_ref, w2t_ref,
           out_ref, outr_ref):
    tot = (pa_ref[...] + pb_ref[...] + hsp_ref[...]
           + (ra_ref[...] + rb_ref[...]).T)
    t = dinv_ref[...] * tot + b1_ref[...]
    h2 = jnp.maximum(t, 0.0)
    hs2T = dinv_ref[...] * jnp.dot(
        w2t_ref[...], h2, preferred_element_type=jnp.float32)
    out_ref[...] = hs2T
    outr_ref[...] = hs2T.T

  return pl.pallas_call(
      body,
      out_shape=[
          jax.ShapeDtypeStruct((F, np_), jnp.float32),
          jax.ShapeDtypeStruct((np_, F), jnp.float32),
      ],
  )(dinv, pcaT, pcbT, pra, prb, hsT, b1c, w2pT)


def _tc_final(dinv, qaT, qbT, qra, qrb, hs2T, b2c, np_, c_):

  def body(dinv_ref, qa_ref, qb_ref, ra_ref, rb_ref, hsp_ref, b2_ref, out_ref):
    tot = (qa_ref[...] + qb_ref[...] + hsp_ref[...]
           + (ra_ref[...] + rb_ref[...]).T)
    t = dinv_ref[...] * tot + b2_ref[...]
    r = jnp.maximum(t, 0.0)
    row = lax.broadcasted_iota(jnp.int32, (F, np_), 0)
    valid = row < c_
    rm = jnp.where(valid, r, jnp.float32(-1e30))
    m = jnp.max(rm, axis=0, keepdims=True)
    e = jnp.where(valid, jnp.exp(rm - m), 0.0)
    ssum = jnp.sum(e, axis=0, keepdims=True)
    res = rm - m - jnp.log(ssum)
    out_ref[...] = res.T

  return pl.pallas_call(
      body,
      out_shape=jax.ShapeDtypeStruct((np_, F), jnp.float32),
  )(dinv, qaT, qbT, qra, qrb, hs2T, b2c)


def kernel(x, edge_index, W1, b1, W2, b2):
  n, d = x.shape
  h = W1.shape[1]
  c_ = W2.shape[1]
  assert h == F
  e = edge_index.shape[1]

  np_ = ((n + 255) // 256) * 256
  nch = -(-e // (NC * CH2))
  ep = NC * nch * CH2
  ch_w = ep // (NW * CHUNK)

  src = edge_index[0]
  dst = edge_index[1]
  pad = jnp.full((ep - e,), n, dtype=jnp.int32)
  sidx = jnp.concatenate([src, pad])
  didx = jnp.concatenate([dst, pad])

  xp = jnp.pad(x, ((0, np_ - n), (0, 0)))

  half = nch * CH2
  ns = (nch * 46) // 100
  nr_ch = nch - ns
  assert ns <= nr_ch
  er = nr_ch * CH2
  sh = sidx.reshape(NC, half)
  dh = didx.reshape(NC, half)
  sr = sh[:, :er]
  dr = dh[:, :er]
  ss = sh[:, er:].reshape(NC, SPC, ns, CHUNK)
  ds = dh[:, er:].reshape(NC, SPC, ns, CHUNK)
  zer = jnp.zeros((np_ // SPC, F), jnp.float32)

  da, db = _degrees(didx.reshape(NW * ch_w, CHUNK), np_, ch_w)
  dinv, hsT, hs = _tc_prep(da.reshape(1, np_), db.reshape(1, np_), xp, W1, np_)
  paT, pbT, pra, prb = _propagate_h(hs, hsT, sr, dr, ss, ds, zer,
                                    np_, er, nr_ch, ns)
  w2pT = jnp.pad(W2, ((0, 0), (0, F - c_))).T
  hs2T, hs2 = _tc_layer(dinv, paT, pbT, pra, prb, hsT, b1.reshape(F, 1),
                        w2pT, np_)
  qaT, qbT, qra, qrb = _propagate_h(hs2, hs2T, sr, dr, ss, ds, zer,
                                    np_, er, nr_ch, ns)
  b2c = jnp.pad(b2, (0, F - c_)).reshape(F, 1)
  out = _tc_final(dinv, qaT, qbT, qra, qrb, hs2T, b2c, np_, c_)
  return out[:n, :c_]

# --- scband reference (transcript-rebuilt; emitter-appended) ---
"""Pipeline reference for scband-gcn-88802743812231 (READ-ONLY COPY).

The authoritative reference and input builder live on the scoring server;
editing this copy changes nothing except your own understanding.
"""

import jax, jax.numpy as jnp
import numpy as np

N = 10000
E = 320000
D = 128
H = 16
C = 10


def setup_inputs(seed: int = 0) -> dict:
    key = jax.random.key(seed)
    k1, k2, k3, k4, k5, k6 = jax.random.split(key, 6)
    x = jax.random.normal(k1, (N, D), dtype=jnp.float32)
    edge_index = jax.random.randint(k2, (2, E), 0, N, dtype=jnp.int32)
    W1 = jax.random.normal(k3, (D, H), dtype=jnp.float32) * (1.0 / np.sqrt(D))
    b1 = jnp.zeros((H,), dtype=jnp.float32)
    W2 = jax.random.normal(k4, (H, C), dtype=jnp.float32) * (1.0 / np.sqrt(H))
    b2 = jnp.zeros((C,), dtype=jnp.float32)
    return {"x": x, "edge_index": edge_index, "W1": W1, "b1": b1, "W2": W2, "b2": b2}


def _gcn_conv(x, W, b, src, dst, n):
    # GCNConv: add self-loops, symmetric normalization D^{-1/2} A D^{-1/2} (x W) + b
    loop = jnp.arange(n, dtype=src.dtype)
    src2 = jnp.concatenate([src, loop])
    dst2 = jnp.concatenate([dst, loop])
    deg = jax.ops.segment_sum(jnp.ones_like(dst2, dtype=x.dtype), dst2, num_segments=n)
    dinv = jnp.where(deg > 0, 1.0 / jnp.sqrt(deg), 0.0)
    norm = dinv[src2] * dinv[dst2]
    h = x @ W
    msgs = norm[:, None] * jnp.take(h, src2, axis=0)
    out = jax.ops.segment_sum(msgs, dst2, num_segments=n)
    return out + b


def reference(x, edge_index, W1, b1, W2, b2):
    src = edge_index[0]
    dst = edge_index[1]
    n = x.shape[0]
    h = _gcn_conv(x, W1, b1, src, dst, n)
    h = jax.nn.relu(h)
    # dropout is identity in eval mode (training=False)
    h = _gcn_conv(h, W2, b2, src, dst, n)
    h = jax.nn.relu(h)
    return jax.nn.log_softmax(h, axis=1)

if __name__ == "__main__":
    import jax
    _d = setup_inputs()
    print(jax.jit(kernel)(*tuple(_d.values())))

</pallas_src>

<mosaic_0001>
#map = affine_map<(d0, d1) -> (0, 0)>
#map1 = affine_map<(d0, d1) -> (0, 0, 0, 0)>
module attributes {stable_mosaic.version = 14 : i64} {
  func.func @k(%arg0: i32, %arg1: i32, %arg2: memref<10240x16xf32, #tpu.memory_space<hbm>>, %arg3: memref<16x10240xf32, #tpu.memory_space<hbm>>, %arg4: memref<2x88064xi32, #tpu.memory_space<hbm>>, %arg5: memref<2x88064xi32, #tpu.memory_space<hbm>>, %arg6: memref<2x16x36x128xi32, #tpu.memory_space<hbm>>, %arg7: memref<2x16x36x128xi32, #tpu.memory_space<hbm>>, %arg8: memref<640x16xf32, #tpu.memory_space<hbm>>, %arg9: memref<16x10240xf32, #tpu.memory_space<hbm>>, %arg10: memref<16x10240xf32, #tpu.memory_space<hbm>>, %arg11: memref<10240x16xf32, #tpu.memory_space<hbm>>, %arg12: memref<10240x16xf32, #tpu.memory_space<hbm>>, %arg13: memref<10240xf32, #tpu.memory_space<vmem>>, %arg14: memref<10240xf32, #tpu.memory_space<vmem>>, %arg15: memref<4096xi32, #tpu.memory_space<vmem>>, %arg16: memref<4096xi32, #tpu.memory_space<vmem>>, %arg17: memref<36x128xi32, #tpu.memory_space<vmem>>, %arg18: memref<36x128xi32, #tpu.memory_space<vmem>>, %arg19: memref<3x128x16xf32, #tpu.memory_space<vmem>>, %arg20: memref<10240x16xf32, #tpu.memory_space<vmem_shared>>, %arg21: memref<!tpu.dma_semaphore, #tpu.memory_space<semaphore_mem>>, %arg22: memref<!tpu.dma_semaphore, #tpu.memory_space<semaphore_mem>>, %arg23: memref<!tpu.dma_semaphore, #tpu.memory_space<semaphore_mem>>) attributes {dimension_semantics = [#tpu.dimension_semantics<core_parallel>, #tpu.dimension_semantics<subcore_parallel>], iteration_bounds = array<i64: 2, 16>, scalar_prefetch = 0 : i64, scratch_operands = 11 : i64, tpu.core_type = #tpu.core_type<sc_vector_subcore>, window_params = [{transform_indices = #map}, {transform_indices = #map}, {transform_indices = #map}, {transform_indices = #map}, {transform_indices = #map1}, {transform_indices = #map1}, {transform_indices = #map}, {transform_indices = #map}, {transform_indices = #map}, {transform_indices = #map}, {transform_indices = #map}]} {
    %dma_start3A = arith.constant 0 : i32
    %dma_start3A_0 = tpu.memref_slice %arg3[%arg1, %dma_start3A] : memref<16x10240xf32, #tpu.memory_space<hbm>> -> memref<1x10240xf32, #tpu.memory_space<hbm>>
    %dma_start3A_1 = tpu.memref_squeeze %dma_start3A_0 : memref<1x10240xf32, #tpu.memory_space<hbm>> -> memref<10240xf32, #tpu.memory_space<hbm>>
    %dma_start3A_2 = arith.constant 0 : i32
    %dma_start3A_3 = tpu.memref_slice %arg3[%arg1, %dma_start3A_2] : memref<16x10240xf32, #tpu.memory_space<hbm>> -> memref<1x10240xf32, #tpu.memory_space<hbm>>
    %dma_start3A_4 = tpu.memref_squeeze %dma_start3A_3 : memref<1x10240xf32, #tpu.memory_space<hbm>> -> memref<10240xf32, #tpu.memory_space<hbm>>
    tpu.enqueue_dma source(%dma_start3A_4 : memref<10240xf32, #tpu.memory_space<hbm>>) target(%arg13 : memref<10240xf32, #tpu.memory_space<vmem>>) target_semaphore(%arg21 : memref<!tpu.dma_semaphore, #tpu.memory_space<semaphore_mem>>)
    %dma_start3A_5 = arith.constant 0 : i32
    %dma_start3A_6 = arith.constant 0 : i32
    %dma_start3A_7 = tpu.memref_slice %arg6[%arg0, %arg1, %dma_start3A_5, %dma_start3A_6] : memref<2x16x36x128xi32, #tpu.memory_space<hbm>> -> memref<1x1x36x128xi32, #tpu.memory_space<hbm>>
    %dma_start3A_8 = tpu.memref_squeeze %dma_start3A_7 : memref<1x1x36x128xi32, #tpu.memory_space<hbm>> -> memref<36x128xi32, #tpu.memory_space<hbm>>
    %dma_start3A_9 = arith.constant 0 : i32
    %dma_start3A_10 = arith.constant 0 : i32
    %dma_start3A_11 = tpu.memref_slice %arg6[%arg0, %arg1, %dma_start3A_9, %dma_start3A_10] : memref<2x16x36x128xi32, #tpu.memory_space<hbm>> -> memref<1x1x36x128xi32, #tpu.memory_space<hbm>>
    %dma_start3A_12 = tpu.memref_squeeze %dma_start3A_11 : memref<1x1x36x128xi32, #tpu.memory_space<hbm>> -> memref<36x128xi32, #tpu.memory_space<hbm>>
    tpu.enqueue_dma source(%dma_start3A_12 : memref<36x128xi32, #tpu.memory_space<hbm>>) target(%arg17 : memref<36x128xi32, #tpu.memory_space<vmem>>) target_semaphore(%arg21 : memref<!tpu.dma_semaphore, #tpu.memory_space<semaphore_mem>>)
    %dma_start3A_13 = arith.constant 0 : i32
    %dma_start3A_14 = arith.constant 0 : i32
    %dma_start3A_15 = tpu.memref_slice %arg7[%arg0, %arg1, %dma_start3A_13, %dma_start3A_14] : memref<2x16x36x128xi32, #tpu.memory_space<hbm>> -> memref<1x1x36x128xi32, #tpu.memory_space<hbm>>
    %dma_start3A_16 = tpu.memref_squeeze %dma_start3A_15 : memref<1x1x36x128xi32, #tpu.memory_space<hbm>> -> memref<36x128xi32, #tpu.memory_space<hbm>>
    %dma_start3A_17 = arith.constant 0 : i32
    %dma_start3A_18 = arith.constant 0 : i32
    %dma_start3A_19 = tpu.memref_slice %arg7[%arg0, %arg1, %dma_start3A_17, %dma_start3A_18] : memref<2x16x36x128xi32, #tpu.memory_space<hbm>> -> memref<1x1x36x128xi32, #tpu.memory_space<hbm>>
    %dma_start3A_20 = tpu.memref_squeeze %dma_start3A_19 : memref<1x1x36x128xi32, #tpu.memory_space<hbm>> -> memref<36x128xi32, #tpu.memory_space<hbm>>
    tpu.enqueue_dma source(%dma_start3A_20 : memref<36x128xi32, #tpu.memory_space<hbm>>) target(%arg18 : memref<36x128xi32, #tpu.memory_space<vmem>>) target_semaphore(%arg21 : memref<!tpu.dma_semaphore, #tpu.memory_space<semaphore_mem>>)
    %scan3A = arith.constant 0 : i32
    %scan3A_21 = arith.constant 0 : i32
    %scan3A_22 = arith.constant 80 : i32
    %scan3A_23 = arith.addi %scan3A_21, %scan3A_22 : i32
    %scan3A_24 = arith.constant 1 : i32
    scf.for %scan3A_132 = %scan3A_21 to %scan3A_23 step %scan3A_24  : i32 {
      %broadcast_in_dim3A = arith.constant 0.000000e+00 : f32
      %broadcast_in_dim3A_133 = vector.broadcast %broadcast_in_dim3A : f32 to vector<16xf32>
      %mul3A_134 = arith.constant 8 : i32
      %mul3A_135 = arith.muli %scan3A_132, %mul3A_134 : i32
      %add3A = arith.constant 0 : i32
      %add3A_136 = arith.addi %mul3A_135, %add3A : i32
      %mul3A_137 = arith.constant 16 : i32
      %mul3A_138 = arith.muli %add3A_136, %mul3A_137 : i32
      %swap3A = arith.index_cast %mul3A_138 : i32 to index
      %swap3A_139 = tpu.vector_load %arg14[%swap3A] {strides = array<i32>} : memref<10240xf32, #tpu.memory_space<vmem>>, vector<16xf32>,
      tpu.vector_store %arg14[%swap3A], %broadcast_in_dim3A_133 {strides = array<i32>} : memref<10240xf32, #tpu.memory_space<vmem>>, vector<16xf32>,
      %broadcast_in_dim3A_140 = arith.constant 0.000000e+00 : f32
      %broadcast_in_dim3A_141 = vector.broadcast %broadcast_in_dim3A_140 : f32 to vector<16xf32>
      %mul3A_142 = arith.constant 8 : i32
      %mul3A_143 = arith.muli %scan3A_132, %mul3A_142 : i32
      %add3A_144 = arith.constant 1 : i32
      %add3A_145 = arith.addi %mul3A_143, %add3A_144 : i32
      %mul3A_146 = arith.constant 16 : i32
      %mul3A_147 = arith.muli %add3A_145, %mul3A_146 : i32
      %swap3A_148 = arith.index_cast %mul3A_147 : i32 to index
      %swap3A_149 = tpu.vector_load %arg14[%swap3A_148] {strides = array<i32>} : memref<10240xf32, #tpu.memory_space<vmem>>, vector<16xf32>,
      tpu.vector_store %arg14[%swap3A_148], %broadcast_in_dim3A_141 {strides = array<i32>} : memref<10240xf32, #tpu.memory_space<vmem>>, vector<16xf32>,
      %broadcast_in_dim3A_150 = arith.constant 0.000000e+00 : f32
      %broadcast_in_dim3A_151 = vector.broadcast %broadcast_in_dim3A_150 : f32 to vector<16xf32>
      %mul3A_152 = arith.constant 8 : i32
      %mul3A_153 = arith.muli %scan3A_132, %mul3A_152 : i32
      %add3A_154 = arith.constant 2 : i32
      %add3A_155 = arith.addi %mul3A_153, %add3A_154 : i32
      %mul3A_156 = arith.constant 16 : i32
      %mul3A_157 = arith.muli %add3A_155, %mul3A_156 : i32
      %swap3A_158 = arith.index_cast %mul3A_157 : i32 to index
      %swap3A_159 = tpu.vector_load %arg14[%swap3A_158] {strides = array<i32>} : memref<10240xf32, #tpu.memory_space<vmem>>, vector<16xf32>,
      tpu.vector_store %arg14[%swap3A_158], %broadcast_in_dim3A_151 {strides = array<i32>} : memref<10240xf32, #tpu.memory_space<vmem>>, vector<16xf32>,
      %broadcast_in_dim3A_160 = arith.constant 0.000000e+00 : f32
      %broadcast_in_dim3A_161 = vector.broadcast %broadcast_in_dim3A_160 : f32 to vector<16xf32>
      %mul3A_162 = arith.constant 8 : i32
      %mul3A_163 = arith.muli %scan3A_132, %mul3A_162 : i32
      %add3A_164 = arith.constant 3 : i32
      %add3A_165 = arith.addi %mul3A_163, %add3A_164 : i32
      %mul3A_166 = arith.constant 16 : i32
      %mul3A_167 = arith.muli %add3A_165, %mul3A_166 : i32
      %swap3A_168 = arith.index_cast %mul3A_167 : i32 to index
      %swap3A_169 = tpu.vector_load %arg14[%swap3A_168] {strides = array<i32>} : memref<10240xf32, #tpu.memory_space<vmem>>, vector<16xf32>,
      tpu.vector_store %arg14[%swap3A_168], %broadcast_in_dim3A_161 {strides = array<i32>} : memref<10240xf32, #tpu.memory_space<vmem>>, vector<16xf32>,
      %broadcast_in_dim3A_170 = arith.constant 0.000000e+00 : f32
      %broadcast_in_dim3A_171 = vector.broadcast %broadcast_in_dim3A_170 : f32 to vector<16xf32>
      %mul3A_172 = arith.constant 8 : i32
      %mul3A_173 = arith.muli %scan3A_132, %mul3A_172 : i32
      %add3A_174 = arith.constant 4 : i32
      %add3A_175 = arith.addi %mul3A_173, %add3A_174 : i32
      %mul3A_176 = arith.constant 16 : i32
      %mul3A_177 = arith.muli %add3A_175, %mul3A_176 : i32
      %swap3A_178 = arith.index_cast %mul3A_177 : i32 to index
      %swap3A_179 = tpu.vector_load %arg14[%swap3A_178] {strides = array<i32>} : memref<10240xf32, #tpu.memory_space<vmem>>, vector<16xf32>,
      tpu.vector_store %arg14[%swap3A_178], %broadcast_in_dim3A_171 {strides = array<i32>} : memref<10240xf32, #tpu.memory_space<vmem>>, vector<16xf32>,
      %broadcast_in_dim3A_180 = arith.constant 0.000000e+00 : f32
      %broadcast_in_dim3A_181 = vector.broadcast %broadcast_in_dim3A_180 : f32 to vector<16xf32>
      %mul3A_182 = arith.constant 8 : i32
      %mul3A_183 = arith.muli %scan3A_132, %mul3A_182 : i32
      %add3A_184 = arith.constant 5 : i32
      %add3A_185 = arith.addi %mul3A_183, %add3A_184 : i32
      %mul3A_186 = arith.constant 16 : i32
      %mul3A_187 = arith.muli %add3A_185, %mul3A_186 : i32
      %swap3A_188 = arith.index_cast %mul3A_187 : i32 to index
      %swap3A_189 = tpu.vector_load %arg14[%swap3A_188] {strides = array<i32>} : memref<10240xf32, #tpu.memory_space<vmem>>, vector<16xf32>,
      tpu.vector_store %arg14[%swap3A_188], %broadcast_in_dim3A_181 {strides = array<i32>} : memref<10240xf32, #tpu.memory_space<vmem>>, vector<16xf32>,
      %broadcast_in_dim3A_190 = arith.constant 0.000000e+00 : f32
      %broadcast_in_dim3A_191 = vector.broadcast %broadcast_in_dim3A_190 : f32 to vector<16xf32>
      %mul3A_192 = arith.constant 8 : i32
      %mul3A_193 = arith.muli %scan3A_132, %mul3A_192 : i32
      %add3A_194 = arith.constant 6 : i32
      %add3A_195 = arith.addi %mul3A_193, %add3A_194 : i32
      %mul3A_196 = arith.constant 16 : i32
      %mul3A_197 = arith.muli %add3A_195, %mul3A_196 : i32
      %swap3A_198 = arith.index_cast %mul3A_197 : i32 to index
      %swap3A_199 = tpu.vector_load %arg14[%swap3A_198] {strides = array<i32>} : memref<10240xf32, #tpu.memory_space<vmem>>, vector<16xf32>,
      tpu.vector_store %arg14[%swap3A_198], %broadcast_in_dim3A_191 {strides = array<i32>} : memref<10240xf32, #tpu.memory_space<vmem>>, vector<16xf32>,
      %broadcast_in_dim3A_200 = arith.constant 0.000000e+00 : f32
      %broadcast_in_dim3A_201 = vector.broadcast %broadcast_in_dim3A_200 : f32 to vector<16xf32>
      %mul3A_202 = arith.constant 8 : i32
      %mul3A_203 = arith.muli %scan3A_132, %mul3A_202 : i32
      %add3A_204 = arith.constant 7 : i32
      %add3A_205 = arith.addi %mul3A_203, %add3A_204 : i32
      %mul3A_206 = arith.constant 16 : i32
      %mul3A_207 = arith.muli %add3A_205, %mul3A_206 : i32
      %swap3A_208 = arith.index_cast %mul3A_207 : i32 to index
      %swap3A_209 = tpu.vector_load %arg14[%swap3A_208] {strides = array<i32>} : memref<10240xf32, #tpu.memory_space<vmem>>, vector<16xf32>,
      tpu.vector_store %arg14[%swap3A_208], %broadcast_in_dim3A_201 {strides = array<i32>} : memref<10240xf32, #tpu.memory_space<vmem>>, vector<16xf32>,
    }
    %scan3A_25 = arith.constant 80 : i32
    %mul3A = arith.constant 640 : i32
    %mul3A_26 = arith.muli %arg1, %mul3A : i32
    "tpu.region"() ({
      %run_scoped3A = tpu.sem_alloc : memref<!tpu.dma_semaphore, #tpu.memory_space<semaphore_mem>>
      %dma_start3A_132 = arith.constant 0 : i32
      %dma_start3A_133 = tpu.memref_slice %arg20[%mul3A_26, %dma_start3A_132] : memref<10240x16xf32, #tpu.memory_space<vmem_shared>> -> memref<640x16xf32, #tpu.memory_space<vmem_shared>>
      tpu.enqueue_dma source(%arg8 : memref<640x16xf32, #tpu.memory_space<hbm>>) target(%dma_start3A_133 : memref<640x16xf32, #tpu.memory_space<vmem_shared>>) target_semaphore(%run_scoped3A : memref<!tpu.dma_semaphore, #tpu.memory_space<semaphore_mem>>)
      %dma_wait3A_134 = arith.constant 0 : i32
      %dma_wait3A_135 = tpu.memref_slice %arg20[%mul3A_26, %dma_wait3A_134] : memref<10240x16xf32, #tpu.memory_space<vmem_shared>> -> memref<640x16xf32, #tpu.memory_space<vmem_shared>>
      tpu.wait_dma2 semaphore(%run_scoped3A : memref<!tpu.dma_semaphore, #tpu.memory_space<semaphore_mem>>) src(%arg8 : memref<640x16xf32, #tpu.memory_space<hbm>>) dst(%dma_wait3A_135 : memref<640x16xf32, #tpu.memory_space<vmem_shared>>)
      tpu.yield
    }) : () -> ()
    %dma_wait3A = arith.constant 0 : i32
    %dma_wait3A_27 = tpu.memref_slice %arg3[%arg1, %dma_wait3A] : memref<16x10240xf32, #tpu.memory_space<hbm>> -> memref<1x10240xf32, #tpu.memory_space<hbm>>
    %dma_wait3A_28 = tpu.memref_squeeze %dma_wait3A_27 : memref<1x10240xf32, #tpu.memory_space<hbm>> -> memref<10240xf32, #tpu.memory_space<hbm>>
    %dma_wait3A_29 = arith.constant 0 : i32
    %dma_wait3A_30 = tpu.memref_slice %arg3[%arg1, %dma_wait3A_29] : memref<16x10240xf32, #tpu.memory_space<hbm>> -> memref<1x10240xf32, #tpu.memory_space<hbm>>
    %dma_wait3A_31 = tpu.memref_squeeze %dma_wait3A_30 : memref<1x10240xf32, #tpu.memory_space<hbm>> -> memref<10240xf32, #tpu.memory_space<hbm>>
    tpu.wait_dma2 semaphore(%arg21 : memref<!tpu.dma_semaphore, #tpu.memory_space<semaphore_mem>>) src(%dma_wait3A_31 : memref<10240xf32, #tpu.memory_space<hbm>>) dst(%arg13 : memref<10240xf32, #tpu.memory_space<vmem>>)
    %dma_wait3A_32 = arith.constant 0 : i32
    %dma_wait3A_33 = arith.constant 0 : i32
    %dma_wait3A_34 = tpu.memref_slice %arg6[%arg0, %arg1, %dma_wait3A_32, %dma_wait3A_33] : memref<2x16x36x128xi32, #tpu.memory_space<hbm>> -> memref<1x1x36x128xi32, #tpu.memory_space<hbm>>
    %dma_wait3A_35 = tpu.memref_squeeze %dma_wait3A_34 : memref<1x1x36x128xi32, #tpu.memory_space<hbm>> -> memref<36x128xi32, #tpu.memory_space<hbm>>
    %dma_wait3A_36 = arith.constant 0 : i32
    %dma_wait3A_37 = arith.constant 0 : i32
    %dma_wait3A_38 = tpu.memref_slice %arg6[%arg0, %arg1, %dma_wait3A_36, %dma_wait3A_37] : memref<2x16x36x128xi32, #tpu.memory_space<hbm>> -> memref<1x1x36x128xi32, #tpu.memory_space<hbm>>
    %dma_wait3A_39 = tpu.memref_squeeze %dma_wait3A_38 : memref<1x1x36x128xi32, #tpu.memory_space<hbm>> -> memref<36x128xi32, #tpu.memory_space<hbm>>
    tpu.wait_dma2 semaphore(%arg21 : memref<!tpu.dma_semaphore, #tpu.memory_space<semaphore_mem>>) src(%dma_wait3A_39 : memref<36x128xi32, #tpu.memory_space<hbm>>) dst(%arg17 : memref<36x128xi32, #tpu.memory_space<vmem>>)
    %dma_wait3A_40 = arith.constant 0 : i32
    %dma_wait3A_41 = arith.constant 0 : i32
    %dma_wait3A_42 = tpu.memref_slice %arg7[%arg0, %arg1, %dma_wait3A_40, %dma_wait3A_41] : memref<2x16x36x128xi32, #tpu.memory_space<hbm>> -> memref<1x1x36x128xi32, #tpu.memory_space<hbm>>
    %dma_wait3A_43 = tpu.memref_squeeze %dma_wait3A_42 : memref<1x1x36x128xi32, #tpu.memory_space<hbm>> -> memref<36x128xi32, #tpu.memory_space<hbm>>
    %dma_wait3A_44 = arith.constant 0 : i32
    %dma_wait3A_45 = arith.constant 0 : i32
    %dma_wait3A_46 = tpu.memref_slice %arg7[%arg0, %arg1, %dma_wait3A_44, %dma_wait3A_45] : memref<2x16x36x128xi32, #tpu.memory_space<hbm>> -> memref<1x1x36x128xi32, #tpu.memory_space<hbm>>
    %dma_wait3A_47 = tpu.memref_squeeze %dma_wait3A_46 : memref<1x1x36x128xi32, #tpu.memory_space<hbm>> -> memref<36x128xi32, #tpu.memory_space<hbm>>
    tpu.wait_dma2 semaphore(%arg21 : memref<!tpu.dma_semaphore, #tpu.memory_space<semaphore_mem>>) src(%dma_wait3A_47 : memref<36x128xi32, #tpu.memory_space<hbm>>) dst(%arg18 : memref<36x128xi32, #tpu.memory_space<vmem>>)
    %barrier3A = arith.constant 0 : index
    tpu.barrier barrier_id(%barrier3A)
    %dma_start3A_48 = arith.constant 0 : i32
    %dma_start3A_49 = tpu.memref_slice %arg15[%dma_start3A_48] : memref<4096xi32, #tpu.memory_space<vmem>> -> memref<2048xi32, #tpu.memory_space<vmem>>
    %dma_start3A_50 = arith.constant 0 : i32
    %dma_start3A_51 = tpu.memref_slice %arg4[%arg0, %dma_start3A_50] : memref<2x88064xi32, #tpu.memory_space<hbm>> -> memref<1x88064xi32, #tpu.memory_space<hbm>>
    %dma_start3A_52 = tpu.memref_squeeze %dma_start3A_51 : memref<1x88064xi32, #tpu.memory_space<hbm>> -> memref<88064xi32, #tpu.memory_space<hbm>>
    %dma_start3A_53 = arith.constant 0 : i32
    %dma_start3A_54 = tpu.memref_slice %dma_start3A_52[%dma_start3A_53] : memref<88064xi32, #tpu.memory_space<hbm>> -> memref<2048xi32, #tpu.memory_space<hbm>>
    %dma_start3A_55 = arith.constant 0 : i32
    %dma_start3A_56 = tpu.memref_slice %arg15[%dma_start3A_55] : memref<4096xi32, #tpu.memory_space<vmem>> -> memref<2048xi32, #tpu.memory_space<vmem>>
    %dma_start3A_57 = arith.constant 0 : i32
    %dma_start3A_58 = tpu.memref_slice %arg4[%arg0, %dma_start3A_57] : memref<2x88064xi32, #tpu.memory_space<hbm>> -> memref<1x88064xi32, #tpu.memory_space<hbm>>
    %dma_start3A_59 = tpu.memref_squeeze %dma_start3A_58 : memref<1x88064xi32, #tpu.memory_space<hbm>> -> memref<88064xi32, #tpu.memory_space<hbm>>
    %dma_start3A_60 = arith.constant 0 : i32
    %dma_start3A_61 = tpu.memref_slice %dma_start3A_59[%dma_start3A_60] : memref<88064xi32, #tpu.memory_space<hbm>> -> memref<2048xi32, #tpu.memory_space<hbm>>
    tpu.enqueue_dma source(%dma_start3A_61 : memref<2048xi32, #tpu.memory_space<hbm>>) target(%dma_start3A_56 : memref<2048xi32, #tpu.memory_space<vmem>>) target_semaphore(%arg21 : memref<!tpu.dma_semaphore, #tpu.memory_space<semaphore_mem>>)
    %dma_start3A_62 = arith.constant 0 : i32
    %dma_start3A_63 = tpu.memref_slice %arg16[%dma_start3A_62] : memref<4096xi32, #tpu.memory_space<vmem>> -> memref<2048xi32, #tpu.memory_space<vmem>>
    %dma_start3A_64 = arith.constant 0 : i32
    %dma_start3A_65 = tpu.memref_slice %arg5[%arg0, %dma_start3A_64] : memref<2x88064xi32, #tpu.memory_space<hbm>> -> memref<1x88064xi32, #tpu.memory_space<hbm>>
    %dma_start3A_66 = tpu.memref_squeeze %dma_start3A_65 : memref<1x88064xi32, #tpu.memory_space<hbm>> -> memref<88064xi32, #tpu.memory_space<hbm>>
    %dma_start3A_67 = arith.constant 0 : i32
    %dma_start3A_68 = tpu.memref_slice %dma_start3A_66[%dma_start3A_67] : memref<88064xi32, #tpu.memory_space<hbm>> -> memref<2048xi32, #tpu.memory_space<hbm>>
    %dma_start3A_69 = arith.constant 0 : i32
    %dma_start3A_70 = tpu.memref_slice %arg16[%dma_start3A_69] : memref<4096xi32, #tpu.memory_space<vmem>> -> memref<2048xi32, #tpu.memory_space<vmem>>
    %dma_start3A_71 = arith.constant 0 : i32
    %dma_start3A_72 = tpu.memref_slice %arg5[%arg0, %dma_start3A_71] : memref<2x88064xi32, #tpu.memory_space<hbm>> -> memref<1x88064xi32, #tpu.memory_space<hbm>>
    %dma_start3A_73 = tpu.memref_squeeze %dma_start3A_72 : memref<1x88064xi32, #tpu.memory_space<hbm>> -> memref<88064xi32, #tpu.memory_space<hbm>>
    %dma_start3A_74 = arith.constant 0 : i32
    %dma_start3A_75 = tpu.memref_slice %dma_start3A_73[%dma_start3A_74] : memref<88064xi32, #tpu.memory_space<hbm>> -> memref<2048xi32, #tpu.memory_space<hbm>>
    tpu.enqueue_dma source(%dma_start3A_75 : memref<2048xi32, #tpu.memory_space<hbm>>) target(%dma_start3A_70 : memref<2048xi32, #tpu.memory_space<vmem>>) target_semaphore(%arg21 : memref<!tpu.dma_semaphore, #tpu.memory_space<semaphore_mem>>)
    %dma_start3A_76 = arith.constant 0 : i32
    %dma_start3A_77 = arith.constant 0 : i32
    %dma_start3A_78 = arith.constant 0 : i32
    %dma_start3A_79 = arith.constant 0 : i32
    %dma_start3A_80 = tpu.memref_slice %arg19[%dma_start3A_77, %dma_start3A_78, %dma_start3A_79] : memref<3x128x16xf32, #tpu.memory_space<vmem>> -> memref<1x128x16xf32, #tpu.memory_space<vmem>>
    %dma_start3A_81 = tpu.memref_squeeze %dma_start3A_80 : memref<1x128x16xf32, #tpu.memory_space<vmem>> -> memref<128x16xf32, #tpu.memory_space<vmem>>
    %dma_start3A_82 = arith.constant 0 : i32
    %dma_start3A_83 = tpu.memref_slice %arg17[%dma_start3A_76, %dma_start3A_82] : memref<36x128xi32, #tpu.memory_space<vmem>> -> memref<1x128xi32, #tpu.memory_space<vmem>>
    %dma_start3A_84 = tpu.memref_squeeze %dma_start3A_83 : memref<1x128xi32, #tpu.memory_space<vmem>> -> memref<128xi32, #tpu.memory_space<vmem>>
    %dma_start3A_85 = arith.constant 0 : i32
    %dma_start3A_86 = arith.constant 0 : i32
    %dma_start3A_87 = tpu.memref_slice %arg2[%dma_start3A_85, %dma_start3A_86] : memref<10240x16xf32, #tpu.memory_space<hbm>> -> memref<10240x16xf32, #tpu.memory_space<hbm>>
    tpu.enqueue_indirect_dma source(%dma_start3A_87 : memref<10240x16xf32, #tpu.memory_space<hbm>>) target(%dma_start3A_81 : memref<128x16xf32, #tpu.memory_space<vmem>>) offsets(%dma_start3A_84 : memref<128xi32, #tpu.memory_space<vmem>>) semaphore(%arg22 : memref<!tpu.dma_semaphore, #tpu.memory_space<semaphore_mem>>)
    %scan3A_88 = arith.constant 0 : i32
    %scan3A_89 = arith.constant 0 : i32
    %scan3A_90 = arith.constant 43 : i32
    %scan3A_91 = arith.addi %scan3A_89, %scan3A_90 : i32
    %scan3A_92 = arith.constant 1 : i32
    scf.for %scan3A_132 = %scan3A_89 to %scan3A_91 step %scan3A_92  : i32 {
      %rem3A = arith.constant 2 : i32
      %rem3A_133 = arith.remsi %scan3A_132, %rem3A : i32
      %mul3A_134 = arith.constant 2048 : i32
      %mul3A_135 = arith.muli %rem3A_133, %mul3A_134 : i32
      %sub3A = arith.constant 2048 : i32
      %sub3A_136 = arith.subi %sub3A, %mul3A_135 : i32
      %mul3A_137 = arith.constant 2048 : i32
      %mul3A_138 = arith.muli %scan3A_132, %mul3A_137 : i32
      %dma_wait3A_139 = tpu.memref_slice %arg15[%mul3A_135] : memref<4096xi32, #tpu.memory_space<vmem>> -> memref<2048xi32, #tpu.memory_space<vmem>>
      %dma_wait3A_140 = arith.constant 0 : i32
      %dma_wait3A_141 = tpu.memref_slice %arg4[%arg0, %dma_wait3A_140] : memref<2x88064xi32, #tpu.memory_space<hbm>> -> memref<1x88064xi32, #tpu.memory_space<hbm>>
      %dma_wait3A_142 = tpu.memref_squeeze %dma_wait3A_141 : memref<1x88064xi32, #tpu.memory_space<hbm>> -> memref<88064xi32, #tpu.memory_space<hbm>>
      %dma_wait3A_143 = tpu.memref_slice %dma_wait3A_142[%mul3A_138] : memref<88064xi32, #tpu.memory_space<hbm>> -> memref<2048xi32, #tpu.memory_space<hbm>>
      %dma_wait3A_144 = tpu.memref_slice %arg15[%mul3A_135] : memref<4096xi32, #tpu.memory_space<vmem>> -> memref<2048xi32, #tpu.memory_space<vmem>>
      %dma_wait3A_145 = arith.constant 0 : i32
      %dma_wait3A_146 = tpu.memref_slice %arg4[%arg0, %dma_wait3A_145] : memref<2x88064xi32, #tpu.memory_space<hbm>> -> memref<1x88064xi32, #tpu.memory_space<hbm>>
      %dma_wait3A_147 = tpu.memref_squeeze %dma_wait3A_146 : memref<1x88064xi32, #tpu.memory_space<hbm>> -> memref<88064xi32, #tpu.memory_space<hbm>>
      %dma_wait3A_148 = tpu.memref_slice %dma_wait3A_147[%mul3A_138] : memref<88064xi32, #tpu.memory_space<hbm>> -> memref<2048xi32, #tpu.memory_space<hbm>>
      tpu.wait_dma2 semaphore(%arg21 : memref<!tpu.dma_semaphore, #tpu.memory_space<semaphore_mem>>) src(%dma_wait3A_148 : memref<2048xi32, #tpu.memory_space<hbm>>) dst(%dma_wait3A_144 : memref<2048xi32, #tpu.memory_space<vmem>>)
      %mul3A_149 = arith.constant 2048 : i32
      %mul3A_150 = arith.muli %scan3A_132, %mul3A_149 : i32
      %dma_wait3A_151 = tpu.memref_slice %arg16[%mul3A_135] : memref<4096xi32, #tpu.memory_space<vmem>> -> memref<2048xi32, #tpu.memory_space<vmem>>
      %dma_wait3A_152 = arith.constant 0 : i32
      %dma_wait3A_153 = tpu.memref_slice %arg5[%arg0, %dma_wait3A_152] : memref<2x88064xi32, #tpu.memory_space<hbm>> -> memref<1x88064xi32, #tpu.memory_space<hbm>>
      %dma_wait3A_154 = tpu.memref_squeeze %dma_wait3A_153 : memref<1x88064xi32, #tpu.memory_space<hbm>> -> memref<88064xi32, #tpu.memory_space<hbm>>
      %dma_wait3A_155 = tpu.memref_slice %dma_wait3A_154[%mul3A_150] : memref<88064xi32, #tpu.memory_space<hbm>> -> memref<2048xi32, #tpu.memory_space<hbm>>
      %dma_wait3A_156 = tpu.memref_slice %arg16[%mul3A_135] : memref<4096xi32, #tpu.memory_space<vmem>> -> memref<2048xi32, #tpu.memory_space<vmem>>
      %dma_wait3A_157 = arith.constant 0 : i32
      %dma_wait3A_158 = tpu.memref_slice %arg5[%arg0, %dma_wait3A_157] : memref<2x88064xi32, #tpu.memory_space<hbm>> -> memref<1x88064xi32, #tpu.memory_space<hbm>>
      %dma_wait3A_159 = tpu.memref_squeeze %dma_wait3A_158 : memref<1x88064xi32, #tpu.memory_space<hbm>> -> memref<88064xi32, #tpu.memory_space<hbm>>
      %dma_wait3A_160 = tpu.memref_slice %dma_wait3A_159[%mul3A_150] : memref<88064xi32, #tpu.memory_space<hbm>> -> memref<2048xi32, #tpu.memory_space<hbm>>
      tpu.wait_dma2 semaphore(%arg21 : memref<!tpu.dma_semaphore, #tpu.memory_space<semaphore_mem>>) src(%dma_wait3A_160 : memref<2048xi32, #tpu.memory_space<hbm>>) dst(%dma_wait3A_156 : memref<2048xi32, #tpu.memory_space<vmem>>)
      %add3A = arith.constant 1 : i32
      %add3A_161 = arith.addi %scan3A_132, %add3A : i32
      %lt3A = arith.constant 43 : i32
      %lt3A_162 = arith.cmpi slt, %add3A_161, %lt3A : i32
      %convert_element_type3A_163 = arith.extui %lt3A_162 : i1 to i32
      %cond3A_164 = arith.constant 0 : i32
      %cond3A_165 = arith.cmpi ne, %convert_element_type3A_163, %cond3A_164 : i32
      scf.if %cond3A_165 {
        %add3A_173 = arith.constant 1 : i32
        %add3A_174 = arith.addi %scan3A_132, %add3A_173 : i32
        %mul3A_175 = arith.constant 2048 : i32
        %mul3A_176 = arith.muli %add3A_174, %mul3A_175 : i32
        %dma_start3A_177 = tpu.memref_slice %arg15[%sub3A_136] : memref<4096xi32, #tpu.memory_space<vmem>> -> memref<2048xi32, #tpu.memory_space<vmem>>
        %dma_start3A_178 = arith.constant 0 : i32
        %dma_start3A_179 = tpu.memref_slice %arg4[%arg0, %dma_start3A_178] : memref<2x88064xi32, #tpu.memory_space<hbm>> -> memref<1x88064xi32, #tpu.memory_space<hbm>>
        %dma_start3A_180 = tpu.memref_squeeze %dma_start3A_179 : memref<1x88064xi32, #tpu.memory_space<hbm>> -> memref<88064xi32, #tpu.memory_space<hbm>>
        %dma_start3A_181 = tpu.memref_slice %dma_start3A_180[%mul3A_176] : memref<88064xi32, #tpu.memory_space<hbm>> -> memref<2048xi32, #tpu.memory_space<hbm>>
        %dma_start3A_182 = tpu.memref_slice %arg15[%sub3A_136] : memref<4096xi32, #tpu.memory_space<vmem>> -> memref<2048xi32, #tpu.memory_space<vmem>>
        %dma_start3A_183 = arith.constant 0 : i32
        %dma_start3A_184 = tpu.memref_slice %arg4[%arg0, %dma_start3A_183] : memref<2x88064xi32, #tpu.memory_space<hbm>> -> memref<1x88064xi32, #tpu.memory_space<hbm>>
        %dma_start3A_185 = tpu.memref_squeeze %dma_start3A_184 : memref<1x88064xi32, #tpu.memory_space<hbm>> -> memref<88064xi32, #tpu.memory_space<hbm>>
        %dma_start3A_186 = tpu.memref_slice %dma_start3A_185[%mul3A_176] : memref<88064xi32, #tpu.memory_space<hbm>> -> memref<2048xi32, #tpu.memory_space<hbm>>
        tpu.enqueue_dma source(%dma_start3A_186 : memref<2048xi32, #tpu.memory_space<hbm>>) target(%dma_start3A_182 : memref<2048xi32, #tpu.memory_space<vmem>>) target_semaphore(%arg21 : memref<!tpu.dma_semaphore, #tpu.memory_space<semaphore_mem>>)
        %add3A_187 = arith.constant 1 : i32
        %add3A_188 = arith.addi %scan3A_132, %add3A_187 : i32
        %mul3A_189 = arith.constant 2048 : i32
        %mul3A_190 = arith.muli %add3A_188, %mul3A_189 : i32
        %dma_start3A_191 = tpu.memref_slice %arg16[%sub3A_136] : memref<4096xi32, #tpu.memory_space<vmem>> -> memref<2048xi32, #tpu.memory_space<vmem>>
        %dma_start3A_192 = arith.constant 0 : i32
        %dma_start3A_193 = tpu.memref_slice %arg5[%arg0, %dma_start3A_192] : memref<2x88064xi32, #tpu.memory_space<hbm>> -> memref<1x88064xi32, #tpu.memory_space<hbm>>
        %dma_start3A_194 = tpu.memref_squeeze %dma_start3A_193 : memref<1x88064xi32, #tpu.memory_space<hbm>> -> memref<88064xi32, #tpu.memory_space<hbm>>
        %dma_start3A_195 = tpu.memref_slice %dma_start3A_194[%mul3A_190] : memref<88064xi32, #tpu.memory_space<hbm>> -> memref<2048xi32, #tpu.memory_space<hbm>>
        %dma_start3A_196 = tpu.memref_slice %arg16[%sub3A_136] : memref<4096xi32, #tpu.memory_space<vmem>> -> memref<2048xi32, #tpu.memory_space<vmem>>
        %dma_start3A_197 = arith.constant 0 : i32
        %dma_start3A_198 = tpu.memref_slice %arg5[%arg0, %dma_start3A_197] : memref<2x88064xi32, #tpu.memory_space<hbm>> -> memref<1x88064xi32, #tpu.memory_space<hbm>>
        %dma_start3A_199 = tpu.memref_squeeze %dma_start3A_198 : memref<1x88064xi32, #tpu.memory_space<hbm>> -> memref<88064xi32, #tpu.memory_space<hbm>>
        %dma_start3A_200 = tpu.memref_slice %dma_start3A_199[%mul3A_190] : memref<88064xi32, #tpu.memory_space<hbm>> -> memref<2048xi32, #tpu.memory_space<hbm>>
        tpu.enqueue_dma source(%dma_start3A_200 : memref<2048xi32, #tpu.memory_space<hbm>>) target(%dma_start3A_196 : memref<2048xi32, #tpu.memory_space<vmem>>) target_semaphore(%arg21 : memref<!tpu.dma_semaphore, #tpu.memory_space<semaphore_mem>>)
      } else {
      }
      %lt3A_166 = arith.constant 36 : i32
      %lt3A_167 = arith.cmpi slt, %scan3A_132, %lt3A_166 : i32
      %convert_element_type3A_168 = arith.extui %lt3A_167 : i1 to i32
      %cond3A_169 = arith.constant 0 : i32
      %cond3A_170 = arith.cmpi ne, %convert_element_type3A_168, %cond3A_169 : i32
      scf.if %cond3A_170 {
        %rem3A_173 = arith.constant 3 : i32
        %rem3A_174 = arith.remsi %scan3A_132, %rem3A_173 : i32
        %ge3A = arith.constant 2 : i32
        %ge3A_175 = arith.cmpi sge, %scan3A_132, %ge3A : i32
        %convert_element_type3A_176 = arith.extui %ge3A_175 : i1 to i32
        %cond3A_177 = arith.constant 0 : i32
        %cond3A_178 = arith.cmpi ne, %convert_element_type3A_176, %cond3A_177 : i32
        scf.if %cond3A_178 {
          %dma_wait3A_211 = arith.constant 0 : i32
          %dma_wait3A_212 = arith.constant 0 : i32
          %dma_wait3A_213 = arith.constant 0 : i32
          %dma_wait3A_214 = tpu.memref_slice %arg19[%dma_wait3A_211, %dma_wait3A_212, %dma_wait3A_213] : memref<3x128x16xf32, #tpu.memory_space<vmem>> -> memref<1x128x16xf32, #tpu.memory_space<vmem>>
          %dma_wait3A_215 = tpu.memref_squeeze %dma_wait3A_214 : memref<1x128x16xf32, #tpu.memory_space<vmem>> -> memref<128x16xf32, #tpu.memory_space<vmem>>
          %dma_wait3A_216 = arith.constant 0 : i32
          %dma_wait3A_217 = arith.constant 0 : i32
          %dma_wait3A_218 = tpu.memref_slice %arg2[%dma_wait3A_216, %dma_wait3A_217] : memref<10240x16xf32, #tpu.memory_space<hbm>> -> memref<128x16xf32, #tpu.memory_space<hbm>>
          %dma_wait3A_219 = arith.constant 0 : i32
          %dma_wait3A_220 = arith.constant 0 : i32
          %dma_wait3A_221 = tpu.memref_slice %arg19[%dma_wait3A_211, %dma_wait3A_219, %dma_wait3A_220] : memref<3x128x16xf32, #tpu.memory_space<vmem>> -> memref<1x128x16xf32, #tpu.memory_space<vmem>>
          %dma_wait3A_222 = tpu.memref_squeeze %dma_wait3A_221 : memref<1x128x16xf32, #tpu.memory_space<vmem>> -> memref<128x16xf32, #tpu.memory_space<vmem>>
          %dma_wait3A_223 = arith.constant 0 : i32
          %dma_wait3A_224 = arith.constant 0 : i32
          %dma_wait3A_225 = tpu.memref_slice %arg2[%dma_wait3A_223, %dma_wait3A_224] : memref<10240x16xf32, #tpu.memory_space<hbm>> -> memref<128x16xf32, #tpu.memory_space<hbm>>
          tpu.wait_dma2 semaphore(%arg23 : memref<!tpu.dma_semaphore, #tpu.memory_space<semaphore_mem>>) src(%dma_wait3A_225 : memref<128x16xf32, #tpu.memory_space<hbm>>) dst(%dma_wait3A_222 : memref<128x16xf32, #tpu.memory_space<vmem>>)
        } else {
        }
        %dma_wait3A_179 = arith.constant 0 : i32
        %dma_wait3A_180 = arith.constant 0 : i32
        %dma_wait3A_181 = arith.constant 0 : i32
        %dma_wait3A_182 = tpu.memref_slice %arg19[%dma_wait3A_179, %dma_wait3A_180, %dma_wait3A_181] : memref<3x128x16xf32, #tpu.memory_space<vmem>> -> memref<1x128x16xf32, #tpu.memory_space<vmem>>
        %dma_wait3A_183 = tpu.memref_squeeze %dma_wait3A_182 : memref<1x128x16xf32, #tpu.memory_space<vmem>> -> memref<128x16xf32, #tpu.memory_space<vmem>>
        %dma_wait3A_184 = arith.constant 0 : i32
        %dma_wait3A_185 = arith.constant 0 : i32
        %dma_wait3A_186 = tpu.memref_slice %arg2[%dma_wait3A_184, %dma_wait3A_185] : memref<10240x16xf32, #tpu.memory_space<hbm>> -> memref<128x16xf32, #tpu.memory_space<hbm>>
        %dma_wait3A_187 = arith.constant 0 : i32
        %dma_wait3A_188 = arith.constant 0 : i32
        %dma_wait3A_189 = tpu.memref_slice %arg19[%dma_wait3A_179, %dma_wait3A_187, %dma_wait3A_188] : memref<3x128x16xf32, #tpu.memory_space<vmem>> -> memref<1x128x16xf32, #tpu.memory_space<vmem>>
        %dma_wait3A_190 = tpu.memref_squeeze %dma_wait3A_189 : memref<1x128x16xf32, #tpu.memory_space<vmem>> -> memref<128x16xf32, #tpu.memory_space<vmem>>
        %dma_wait3A_191 = arith.constant 0 : i32
        %dma_wait3A_192 = arith.constant 0 : i32
        %dma_wait3A_193 = tpu.memref_slice %arg2[%dma_wait3A_191, %dma_wait3A_192] : memref<10240x16xf32, #tpu.memory_space<hbm>> -> memref<128x16xf32, #tpu.memory_space<hbm>>
        tpu.wait_dma2 semaphore(%arg22 : memref<!tpu.dma_semaphore, #tpu.memory_space<semaphore_mem>>) src(%dma_wait3A_193 : memref<128x16xf32, #tpu.memory_space<hbm>>) dst(%dma_wait3A_190 : memref<128x16xf32, #tpu.memory_space<vmem>>)
        %dma_start3A_194 = arith.constant 0 : i32
        %dma_start3A_195 = arith.constant 0 : i32
        %dma_start3A_196 = tpu.memref_slice %arg19[%rem3A_174, %dma_start3A_194, %dma_start3A_195] : memref<3x128x16xf32, #tpu.memory_space<vmem>> -> memref<1x128x16xf32, #tpu.memory_space<vmem>>
        %dma_start3A_197 = tpu.memref_squeeze %dma_start3A_196 : memref<1x128x16xf32, #tpu.memory_space<vmem>> -> memref<128x16xf32, #tpu.memory_space<vmem>>
        %dma_start3A_198 = arith.constant 0 : i32
        %dma_start3A_199 = tpu.memref_slice %arg18[%scan3A_132, %dma_start3A_198] : memref<36x128xi32, #tpu.memory_space<vmem>> -> memref<1x128xi32, #tpu.memory_space<vmem>>
        %dma_start3A_200 = tpu.memref_squeeze %dma_start3A_199 : memref<1x128xi32, #tpu.memory_space<vmem>> -> memref<128xi32, #tpu.memory_space<vmem>>
        %dma_start3A_201 = arith.constant 0 : i32
        %dma_start3A_202 = arith.constant 0 : i32
        %dma_start3A_203 = tpu.memref_slice %arg20[%dma_start3A_201, %dma_start3A_202] : memref<10240x16xf32, #tpu.memory_space<vmem_shared>> -> memref<10240x16xf32, #tpu.memory_space<vmem_shared>>
        tpu.enqueue_indirect_dma source(%dma_start3A_197 : memref<128x16xf32, #tpu.memory_space<vmem>>) target(%dma_start3A_203 : memref<10240x16xf32, #tpu.memory_space<vmem_shared>>) offsets(%dma_start3A_200 : memref<128xi32, #tpu.memory_space<vmem>>) semaphore(%arg23 : memref<!tpu.dma_semaphore, #tpu.memory_space<semaphore_mem>>) {add = true}
        %add3A_204 = arith.constant 1 : i32
        %add3A_205 = arith.addi %scan3A_132, %add3A_204 : i32
        %lt3A_206 = arith.constant 36 : i32
        %lt3A_207 = arith.cmpi slt, %add3A_205, %lt3A_206 : i32
        %convert_element_type3A_208 = arith.extui %lt3A_207 : i1 to i32
        %cond3A_209 = arith.constant 0 : i32
        %cond3A_210 = arith.cmpi ne, %convert_element_type3A_208, %cond3A_209 : i32
        scf.if %cond3A_210 {
          %add3A_211 = arith.constant 1 : i32
          %add3A_212 = arith.addi %scan3A_132, %add3A_211 : i32
          %add3A_213 = arith.constant 1 : i32
          %add3A_214 = arith.addi %scan3A_132, %add3A_213 : i32
          %rem3A_215 = arith.constant 3 : i32
          %rem3A_216 = arith.remsi %add3A_214, %rem3A_215 : i32
          %dma_start3A_217 = arith.constant 0 : i32
          %dma_start3A_218 = arith.constant 0 : i32
          %dma_start3A_219 = tpu.memref_slice %arg19[%rem3A_216, %dma_start3A_217, %dma_start3A_218] : memref<3x128x16xf32, #tpu.memory_space<vmem>> -> memref<1x128x16xf32, #tpu.memory_space<vmem>>
          %dma_start3A_220 = tpu.memref_squeeze %dma_start3A_219 : memref<1x128x16xf32, #tpu.memory_space<vmem>> -> memref<128x16xf32, #tpu.memory_space<vmem>>
          %dma_start3A_221 = arith.constant 0 : i32
          %dma_start3A_222 = tpu.memref_slice %arg17[%add3A_212, %dma_start3A_221] : memref<36x128xi32, #tpu.memory_space<vmem>> -> memref<1x128xi32, #tpu.memory_space<vmem>>
          %dma_start3A_223 = tpu.memref_squeeze %dma_start3A_222 : memref<1x128xi32, #tpu.memory_space<vmem>> -> memref<128xi32, #tpu.memory_space<vmem>>
          %dma_start3A_224 = arith.constant 0 : i32
          %dma_start3A_225 = arith.constant 0 : i32
          %dma_start3A_226 = tpu.memref_slice %arg2[%dma_start3A_224, %dma_start3A_225] : memref<10240x16xf32, #tpu.memory_space<hbm>> -> memref<10240x16xf32, #tpu.memory_space<hbm>>
          tpu.enqueue_indirect_dma source(%dma_start3A_226 : memref<10240x16xf32, #tpu.memory_space<hbm>>) target(%dma_start3A_220 : memref<128x16xf32, #tpu.memory_space<vmem>>) offsets(%dma_start3A_223 : memref<128xi32, #tpu.memory_space<vmem>>) semaphore(%arg22 : memref<!tpu.dma_semaphore, #tpu.memory_space<semaphore_mem>>)
        } else {
        }
      } else {
      }
      %parallel_loop3A = arith.constant 0 : i32
      %parallel_loop3A_171 = arith.constant 128 : i32
      %parallel_loop3A_172 = arith.constant 1 : i32
      scf.for %parallel_loop3A_173 = %parallel_loop3A to %parallel_loop3A_171 step %parallel_loop3A_172  : i32 {
        %parallel_loop3A_174 = arith.constant 16 : i32
        %parallel_loop3A_175 = arith.muli %parallel_loop3A_173, %parallel_loop3A_174 : i32
        %parallel_loop3A_176 = arith.addi %mul3A_135, %parallel_loop3A_175 : i32
        %parallel_loop3A_177 = arith.index_cast %parallel_loop3A_176 : i32 to index
        %parallel_loop3A_178 = tpu.vector_load %arg15[%parallel_loop3A_177] {strides = array<i32>} : memref<4096xi32, #tpu.memory_space<vmem>>, vector<16xi32>,
        %parallel_loop3A_179 = arith.index_cast %parallel_loop3A_176 : i32 to index
        %parallel_loop3A_180 = tpu.vector_load %arg16[%parallel_loop3A_179] {strides = array<i32>} : memref<4096xi32, #tpu.memory_space<vmem>>, vector<16xi32>,
        %parallel_loop3A_181 = tpu.vector_load_idx %arg13[%parallel_loop3A_178] : memref<10240xf32, #tpu.memory_space<vmem>>[vector<16xi32>], vector<16xf32>,
        tpu.vector_store_idx %arg14[%parallel_loop3A_180], %parallel_loop3A_181 {add = true} : memref<10240xf32, #tpu.memory_space<vmem>>[vector<16xi32>], vector<16xf32>,
      } {sc.loop_unroll_factor = 16 : i64, sc.parallel_access}
    }
    %scan3A_93 = arith.constant 43 : i32
    %dma_wait3A_94 = arith.constant 0 : i32
    %dma_wait3A_95 = arith.constant 0 : i32
    %dma_wait3A_96 = arith.constant 0 : i32
    %dma_wait3A_97 = tpu.memref_slice %arg19[%dma_wait3A_94, %dma_wait3A_95, %dma_wait3A_96] : memref<3x128x16xf32, #tpu.memory_space<vmem>> -> memref<1x128x16xf32, #tpu.memory_space<vmem>>
    %dma_wait3A_98 = tpu.memref_squeeze %dma_wait3A_97 : memref<1x128x16xf32, #tpu.memory_space<vmem>> -> memref<128x16xf32, #tpu.memory_space<vmem>>
    %dma_wait3A_99 = arith.constant 0 : i32
    %dma_wait3A_100 = arith.constant 0 : i32
    %dma_wait3A_101 = tpu.memref_slice %arg2[%dma_wait3A_99, %dma_wait3A_100] : memref<10240x16xf32, #tpu.memory_space<hbm>> -> memref<128x16xf32, #tpu.memory_space<hbm>>
    %dma_wait3A_102 = arith.constant 0 : i32
    %dma_wait3A_103 = arith.constant 0 : i32
    %dma_wait3A_104 = tpu.memref_slice %arg19[%dma_wait3A_94, %dma_wait3A_102, %dma_wait3A_103] : memref<3x128x16xf32, #tpu.memory_space<vmem>> -> memref<1x128x16xf32, #tpu.memory_space<vmem>>
    %dma_wait3A_105 = tpu.memref_squeeze %dma_wait3A_104 : memref<1x128x16xf32, #tpu.memory_space<vmem>> -> memref<128x16xf32, #tpu.memory_space<vmem>>
    %dma_wait3A_106 = arith.constant 0 : i32
    %dma_wait3A_107 = arith.constant 0 : i32
    %dma_wait3A_108 = tpu.memref_slice %arg2[%dma_wait3A_106, %dma_wait3A_107] : memref<10240x16xf32, #tpu.memory_space<hbm>> -> memref<128x16xf32, #tpu.memory_space<hbm>>
    tpu.wait_dma2 semaphore(%arg23 : memref<!tpu.dma_semaphore, #tpu.memory_space<semaphore_mem>>) src(%dma_wait3A_108 : memref<128x16xf32, #tpu.memory_space<hbm>>) dst(%dma_wait3A_105 : memref<128x16xf32, #tpu.memory_space<vmem>>)
    %dma_wait3A_109 = arith.constant 0 : i32
    %dma_wait3A_110 = arith.constant 0 : i32
    %dma_wait3A_111 = arith.constant 0 : i32
    %dma_wait3A_112 = tpu.memref_slice %arg19[%dma_wait3A_109, %dma_wait3A_110, %dma_wait3A_111] : memref<3x128x16xf32, #tpu.memory_space<vmem>> -> memref<1x128x16xf32, #tpu.memory_space<vmem>>
    %dma_wait3A_113 = tpu.memref_squeeze %dma_wait3A_112 : memref<1x128x16xf32, #tpu.memory_space<vmem>> -> memref<128x16xf32, #tpu.memory_space<vmem>>
    %dma_wait3A_114 = arith.constant 0 : i32
    %dma_wait3A_115 = arith.constant 0 : i32
    %dma_wait3A_116 = tpu.memref_slice %arg2[%dma_wait3A_114, %dma_wait3A_115] : memref<10240x16xf32, #tpu.memory_space<hbm>> -> memref<128x16xf32, #tpu.memory_space<hbm>>
    %dma_wait3A_117 = arith.constant 0 : i32
    %dma_wait3A_118 = arith.constant 0 : i32
    %dma_wait3A_119 = tpu.memref_slice %arg19[%dma_wait3A_109, %dma_wait3A_117, %dma_wait3A_118] : memref<3x128x16xf32, #tpu.memory_space<vmem>> -> memref<1x128x16xf32, #tpu.memory_space<vmem>>
    %dma_wait3A_120 = tpu.memref_squeeze %dma_wait3A_119 : memref<1x128x16xf32, #tpu.memory_space<vmem>> -> memref<128x16xf32, #tpu.memory_space<vmem>>
    %dma_wait3A_121 = arith.constant 0 : i32
    %dma_wait3A_122 = arith.constant 0 : i32
    %dma_wait3A_123 = tpu.memref_slice %arg2[%dma_wait3A_121, %dma_wait3A_122] : memref<10240x16xf32, #tpu.memory_space<hbm>> -> memref<128x16xf32, #tpu.memory_space<hbm>>
    tpu.wait_dma2 semaphore(%arg23 : memref<!tpu.dma_semaphore, #tpu.memory_space<semaphore_mem>>) src(%dma_wait3A_123 : memref<128x16xf32, #tpu.memory_space<hbm>>) dst(%dma_wait3A_120 : memref<128x16xf32, #tpu.memory_space<vmem>>)
    %barrier3A_124 = arith.constant 0 : index
    tpu.barrier barrier_id(%barrier3A_124)
    %eq3A = arith.constant 0 : i32
    %eq3A_125 = arith.cmpi eq, %arg0, %eq3A : i32
    %convert_element_type3A = arith.extui %eq3A_125 : i1 to i32
    %cond3A = arith.constant 0 : i32
    %cond3A_126 = arith.cmpi ne, %convert_element_type3A, %cond3A : i32
    scf.if %cond3A_126 {
      "tpu.region"() ({
        %run_scoped3A = tpu.sem_alloc : memref<!tpu.dma_semaphore, #tpu.memory_space<semaphore_mem>>
        %dma_start3A_136 = arith.constant 0 : i32
        %dma_start3A_137 = tpu.memref_slice %arg9[%arg1, %dma_start3A_136] : memref<16x10240xf32, #tpu.memory_space<hbm>> -> memref<1x10240xf32, #tpu.memory_space<hbm>>
        %dma_start3A_138 = tpu.memref_squeeze %dma_start3A_137 : memref<1x10240xf32, #tpu.memory_space<hbm>> -> memref<10240xf32, #tpu.memory_space<hbm>>
        %dma_start3A_139 = arith.constant 0 : i32
        %dma_start3A_140 = tpu.memref_slice %arg9[%arg1, %dma_start3A_139] : memref<16x10240xf32, #tpu.memory_space<hbm>> -> memref<1x10240xf32, #tpu.memory_space<hbm>>
        %dma_start3A_141 = tpu.memref_squeeze %dma_start3A_140 : memref<1x10240xf32, #tpu.memory_space<hbm>> -> memref<10240xf32, #tpu.memory_space<hbm>>
        tpu.enqueue_dma source(%arg14 : memref<10240xf32, #tpu.memory_space<vmem>>) target(%dma_start3A_141 : memref<10240xf32, #tpu.memory_space<hbm>>) target_semaphore(%run_scoped3A : memref<!tpu.dma_semaphore, #tpu.memory_space<semaphore_mem>>)
        %dma_wait3A_142 = arith.constant 0 : i32
        %dma_wait3A_143 = tpu.memref_slice %arg9[%arg1, %dma_wait3A_142] : memref<16x10240xf32, #tpu.memory_space<hbm>> -> memref<1x10240xf32, #tpu.memory_space<hbm>>
        %dma_wait3A_144 = tpu.memref_squeeze %dma_wait3A_143 : memref<1x10240xf32, #tpu.memory_space<hbm>> -> memref<10240xf32, #tpu.memory_space<hbm>>
        %dma_wait3A_145 = arith.constant 0 : i32
        %dma_wait3A_146 = tpu.memref_slice %arg9[%arg1, %dma_wait3A_145] : memref<16x10240xf32, #tpu.memory_space<hbm>> -> memref<1x10240xf32, #tpu.memory_space<hbm>>
        %dma_wait3A_147 = tpu.memref_squeeze %dma_wait3A_146 : memref<1x10240xf32, #tpu.memory_space<hbm>> -> memref<10240xf32, #tpu.memory_space<hbm>>
        tpu.wait_dma2 semaphore(%run_scoped3A : memref<!tpu.dma_semaphore, #tpu.memory_space<semaphore_mem>>) src(%arg14 : memref<10240xf32, #tpu.memory_space<vmem>>) dst(%dma_wait3A_147 : memref<10240xf32, #tpu.memory_space<hbm>>)
        tpu.yield
      }) : () -> ()
      %mul3A_132 = arith.constant 640 : i32
      %mul3A_133 = arith.muli %arg1, %mul3A_132 : i32
      %mul3A_134 = arith.constant 640 : i32
      %mul3A_135 = arith.muli %arg1, %mul3A_134 : i32
      "tpu.region"() ({
        %run_scoped3A = tpu.sem_alloc : memref<!tpu.dma_semaphore, #tpu.memory_space<semaphore_mem>>
        %dma_start3A_136 = arith.constant 0 : i32
        %dma_start3A_137 = tpu.memref_slice %arg11[%mul3A_135, %dma_start3A_136] : memref<10240x16xf32, #tpu.memory_space<hbm>> -> memref<640x16xf32, #tpu.memory_space<hbm>>
        %dma_start3A_138 = arith.constant 0 : i32
        %dma_start3A_139 = tpu.memref_slice %arg20[%mul3A_133, %dma_start3A_138] : memref<10240x16xf32, #tpu.memory_space<vmem_shared>> -> memref<640x16xf32, #tpu.memory_space<vmem_shared>>
        tpu.enqueue_dma source(%dma_start3A_139 : memref<640x16xf32, #tpu.memory_space<vmem_shared>>) target(%dma_start3A_137 : memref<640x16xf32, #tpu.memory_space<hbm>>) target_semaphore(%run_scoped3A : memref<!tpu.dma_semaphore, #tpu.memory_space<semaphore_mem>>)
        %dma_wait3A_140 = arith.constant 0 : i32
        %dma_wait3A_141 = tpu.memref_slice %arg11[%mul3A_135, %dma_wait3A_140] : memref<10240x16xf32, #tpu.memory_space<hbm>> -> memref<640x16xf32, #tpu.memory_space<hbm>>
        %dma_wait3A_142 = arith.constant 0 : i32
        %dma_wait3A_143 = tpu.memref_slice %arg20[%mul3A_133, %dma_wait3A_142] : memref<10240x16xf32, #tpu.memory_space<vmem_shared>> -> memref<640x16xf32, #tpu.memory_space<vmem_shared>>
        tpu.wait_dma2 semaphore(%run_scoped3A : memref<!tpu.dma_semaphore, #tpu.memory_space<semaphore_mem>>) src(%dma_wait3A_143 : memref<640x16xf32, #tpu.memory_space<vmem_shared>>) dst(%dma_wait3A_141 : memref<640x16xf32, #tpu.memory_space<hbm>>)
        tpu.yield
      }) : () -> ()
    } else {
    }
    %eq3A_127 = arith.constant 1 : i32
    %eq3A_128 = arith.cmpi eq, %arg0, %eq3A_127 : i32
    %convert_element_type3A_129 = arith.extui %eq3A_128 : i1 to i32
    %cond3A_130 = arith.constant 0 : i32
    %cond3A_131 = arith.cmpi ne, %convert_element_type3A_129, %cond3A_130 : i32
    scf.if %cond3A_131 {
      "tpu.region"() ({
        %run_scoped3A = tpu.sem_alloc : memref<!tpu.dma_semaphore, #tpu.memory_space<semaphore_mem>>
        %dma_start3A_136 = arith.constant 0 : i32
        %dma_start3A_137 = tpu.memref_slice %arg10[%arg1, %dma_start3A_136] : memref<16x10240xf32, #tpu.memory_space<hbm>> -> memref<1x10240xf32, #tpu.memory_space<hbm>>
        %dma_start3A_138 = tpu.memref_squeeze %dma_start3A_137 : memref<1x10240xf32, #tpu.memory_space<hbm>> -> memref<10240xf32, #tpu.memory_space<hbm>>
        %dma_start3A_139 = arith.constant 0 : i32
        %dma_start3A_140 = tpu.memref_slice %arg10[%arg1, %dma_start3A_139] : memref<16x10240xf32, #tpu.memory_space<hbm>> -> memref<1x10240xf32, #tpu.memory_space<hbm>>
        %dma_start3A_141 = tpu.memref_squeeze %dma_start3A_140 : memref<1x10240xf32, #tpu.memory_space<hbm>> -> memref<10240xf32, #tpu.memory_space<hbm>>
        tpu.enqueue_dma source(%arg14 : memref<10240xf32, #tpu.memory_space<vmem>>) target(%dma_start3A_141 : memref<10240xf32, #tpu.memory_space<hbm>>) target_semaphore(%run_scoped3A : memref<!tpu.dma_semaphore, #tpu.memory_space<semaphore_mem>>)
        %dma_wait3A_142 = arith.constant 0 : i32
        %dma_wait3A_143 = tpu.memref_slice %arg10[%arg1, %dma_wait3A_142] : memref<16x10240xf32, #tpu.memory_space<hbm>> -> memref<1x10240xf32, #tpu.memory_space<hbm>>
        %dma_wait3A_144 = tpu.memref_squeeze %dma_wait3A_143 : memref<1x10240xf32, #tpu.memory_space<hbm>> -> memref<10240xf32, #tpu.memory_space<hbm>>
        %dma_wait3A_145 = arith.constant 0 : i32
        %dma_wait3A_146 = tpu.memref_slice %arg10[%arg1, %dma_wait3A_145] : memref<16x10240xf32, #tpu.memory_space<hbm>> -> memref<1x10240xf32, #tpu.memory_space<hbm>>
        %dma_wait3A_147 = tpu.memref_squeeze %dma_wait3A_146 : memref<1x10240xf32, #tpu.memory_space<hbm>> -> memref<10240xf32, #tpu.memory_space<hbm>>
        tpu.wait_dma2 semaphore(%run_scoped3A : memref<!tpu.dma_semaphore, #tpu.memory_space<semaphore_mem>>) src(%arg14 : memref<10240xf32, #tpu.memory_space<vmem>>) dst(%dma_wait3A_147 : memref<10240xf32, #tpu.memory_space<hbm>>)
        tpu.yield
      }) : () -> ()
      %mul3A_132 = arith.constant 640 : i32
      %mul3A_133 = arith.muli %arg1, %mul3A_132 : i32
      %mul3A_134 = arith.constant 640 : i32
      %mul3A_135 = arith.muli %arg1, %mul3A_134 : i32
      "tpu.region"() ({
        %run_scoped3A = tpu.sem_alloc : memref<!tpu.dma_semaphore, #tpu.memory_space<semaphore_mem>>
        %dma_start3A_136 = arith.constant 0 : i32
        %dma_start3A_137 = tpu.memref_slice %arg12[%mul3A_135, %dma_start3A_136] : memref<10240x16xf32, #tpu.memory_space<hbm>> -> memref<640x16xf32, #tpu.memory_space<hbm>>
        %dma_start3A_138 = arith.constant 0 : i32
        %dma_start3A_139 = tpu.memref_slice %arg20[%mul3A_133, %dma_start3A_138] : memref<10240x16xf32, #tpu.memory_space<vmem_shared>> -> memref<640x16xf32, #tpu.memory_space<vmem_shared>>
        tpu.enqueue_dma source(%dma_start3A_139 : memref<640x16xf32, #tpu.memory_space<vmem_shared>>) target(%dma_start3A_137 : memref<640x16xf32, #tpu.memory_space<hbm>>) target_semaphore(%run_scoped3A : memref<!tpu.dma_semaphore, #tpu.memory_space<semaphore_mem>>)
        %dma_wait3A_140 = arith.constant 0 : i32
        %dma_wait3A_141 = tpu.memref_slice %arg12[%mul3A_135, %dma_wait3A_140] : memref<10240x16xf32, #tpu.memory_space<hbm>> -> memref<640x16xf32, #tpu.memory_space<hbm>>
        %dma_wait3A_142 = arith.constant 0 : i32
        %dma_wait3A_143 = tpu.memref_slice %arg20[%mul3A_133, %dma_wait3A_142] : memref<10240x16xf32, #tpu.memory_space<vmem_shared>> -> memref<640x16xf32, #tpu.memory_space<vmem_shared>>
        tpu.wait_dma2 semaphore(%run_scoped3A : memref<!tpu.dma_semaphore, #tpu.memory_space<semaphore_mem>>) src(%dma_wait3A_143 : memref<640x16xf32, #tpu.memory_space<vmem_shared>>) dst(%dma_wait3A_141 : memref<640x16xf32, #tpu.memory_space<hbm>>)
        tpu.yield
      }) : () -> ()
    } else {
    }
    return
  }
}

#map = affine_map<(d0, d1) -> (0, 0)>
#map1 = affine_map<(d0, d1) -> (0)>
module attributes {stable_mosaic.version = 14 : i64} {
  func.func @k(%arg0: i32, %arg1: i32, %arg2: memref<2528x128xi32, #tpu.memory_space<hbm>>, %arg3: memref<10240xf32, #tpu.memory_space<hbm>>, %arg4: memref<10240xf32, #tpu.memory_space<hbm>>, %arg5: memref<10240xf32, #tpu.memory_space<vmem_shared>>, %arg6: memref<79x128xi32, #tpu.memory_space<vmem>>, %arg7: memref<640xf32, #tpu.memory_space<vmem>>, %arg8: memref<!tpu.dma_semaphore, #tpu.memory_space<semaphore_mem>>) attributes {dimension_semantics = [#tpu.dimension_semantics<core_parallel>, #tpu.dimension_semantics<subcore_parallel>], iteration_bounds = array<i64: 2, 16>, scalar_prefetch = 0 : i64, scratch_operands = 4 : i64, tpu.core_type = #tpu.core_type<sc_vector_subcore>, window_params = [{transform_indices = #map}, {transform_indices = #map1}, {transform_indices = #map1}]} {
    %mul3A = arith.constant 16 : i32
    %mul3A_0 = arith.muli %arg0, %mul3A : i32
    %add3A = arith.addi %mul3A_0, %arg1 : i32
    %mul3A_1 = arith.constant 640 : i32
    %mul3A_2 = arith.muli %arg1, %mul3A_1 : i32
    %broadcast_in_dim3A = arith.constant 1.000000e+00 : f32
    %broadcast_in_dim3A_3 = vector.broadcast %broadcast_in_dim3A : f32 to vector<16xf32>
    %swap3A = arith.constant 0 : index
    %swap3A_4 = tpu.vector_load %arg7[%swap3A] {strides = array<i32>} : memref<640xf32, #tpu.memory_space<vmem>>, vector<16xf32>,
    %swap3A_5 = vector.shape_cast %swap3A_4 : vector<16xf32> to vector<16xf32>
    %swap3A_6 = vector.shape_cast %broadcast_in_dim3A_3 : vector<16xf32> to vector<16xf32>
    tpu.vector_store %arg7[%swap3A], %swap3A_6 {strides = array<i32>} : memref<640xf32, #tpu.memory_space<vmem>>, vector<16xf32>,
    %broadcast_in_dim3A_7 = arith.constant 1.000000e+00 : f32
    %broadcast_in_dim3A_8 = vector.broadcast %broadcast_in_dim3A_7 : f32 to vector<16xf32>
    %swap3A_9 = arith.constant 16 : index
    %swap3A_10 = tpu.vector_load %arg7[%swap3A_9] {strides = array<i32>} : memref<640xf32, #tpu.memory_space<vmem>>, vector<16xf32>,
    %swap3A_11 = vector.shape_cast %swap3A_10 : vector<16xf32> to vector<16xf32>
    %swap3A_12 = vector.shape_cast %broadcast_in_dim3A_8 : vector<16xf32> to vector<16xf32>
    tpu.vector_store %arg7[%swap3A_9], %swap3A_12 {strides = array<i32>} : memref<640xf32, #tpu.memory_space<vmem>>, vector<16xf32>,
    %broadcast_in_dim3A_13 = arith.constant 1.000000e+00 : f32
    %broadcast_in_dim3A_14 = vector.broadcast %broadcast_in_dim3A_13 : f32 to vector<16xf32>
    %swap3A_15 = arith.constant 32 : index
    %swap3A_16 = tpu.vector_load %arg7[%swap3A_15] {strides = array<i32>} : memref<640xf32, #tpu.memory_space<vmem>>, vector<16xf32>,
    %swap3A_17 = vector.shape_cast %swap3A_16 : vector<16xf32> to vector<16xf32>
    %swap3A_18 = vector.shape_cast %broadcast_in_dim3A_14 : vector<16xf32> to vector<16xf32>
    tpu.vector_store %arg7[%swap3A_15], %swap3A_18 {strides = array<i32>} : memref<640xf32, #tpu.memory_space<vmem>>, vector<16xf32>,
    %broadcast_in_dim3A_19 = arith.constant 1.000000e+00 : f32
    %broadcast_in_dim3A_20 = vector.broadcast %broadcast_in_dim3A_19 : f32 to vector<16xf32>
    %swap3A_21 = arith.constant 48 : index
    %swap3A_22 = tpu.vector_load %arg7[%swap3A_21] {strides = array<i32>} : memref<640xf32, #tpu.memory_space<vmem>>, vector<16xf32>,
    %swap3A_23 = vector.shape_cast %swap3A_22 : vector<16xf32> to vector<16xf32>
    %swap3A_24 = vector.shape_cast %broadcast_in_dim3A_20 : vector<16xf32> to vector<16xf32>
    tpu.vector_store %arg7[%swap3A_21], %swap3A_24 {strides = array<i32>} : memref<640xf32, #tpu.memory_space<vmem>>, vector<16xf32>,
    %broadcast_in_dim3A_25 = arith.constant 1.000000e+00 : f32
    %broadcast_in_dim3A_26 = vector.broadcast %broadcast_in_dim3A_25 : f32 to vector<16xf32>
    %swap3A_27 = arith.constant 64 : index
    %swap3A_28 = tpu.vector_load %arg7[%swap3A_27] {strides = array<i32>} : memref<640xf32, #tpu.memory_space<vmem>>, vector<16xf32>,
    %swap3A_29 = vector.shape_cast %swap3A_28 : vector<16xf32> to vector<16xf32>
    %swap3A_30 = vector.shape_cast %broadcast_in_dim3A_26 : vector<16xf32> to vector<16xf32>
    tpu.vector_store %arg7[%swap3A_27], %swap3A_30 {strides = array<i32>} : memref<640xf32, #tpu.memory_space<vmem>>, vector<16xf32>,
    %broadcast_in_dim3A_31 = arith.constant 1.000000e+00 : f32
    %broadcast_in_dim3A_32 = vector.broadcast %broadcast_in_dim3A_31 : f32 to vector<16xf32>
    %swap3A_33 = arith.constant 80 : index
    %swap3A_34 = tpu.vector_load %arg7[%swap3A_33] {strides = array<i32>} : memref<640xf32, #tpu.memory_space<vmem>>, vector<16xf32>,
    %swap3A_35 = vector.shape_cast %swap3A_34 : vector<16xf32> to vector<16xf32>
    %swap3A_36 = vector.shape_cast %broadcast_in_dim3A_32 : vector<16xf32> to vector<16xf32>
    tpu.vector_store %arg7[%swap3A_33], %swap3A_36 {strides = array<i32>} : memref<640xf32, #tpu.memory_space<vmem>>, vector<16xf32>,
    %broadcast_in_dim3A_37 = arith.constant 1.000000e+00 : f32
    %broadcast_in_dim3A_38 = vector.broadcast %broadcast_in_dim3A_37 : f32 to vector<16xf32>
    %swap3A_39 = arith.constant 96 : index
    %swap3A_40 = tpu.vector_load %arg7[%swap3A_39] {strides = array<i32>} : memref<640xf32, #tpu.memory_space<vmem>>, vector<16xf32>,
    %swap3A_41 = vector.shape_cast %swap3A_40 : vector<16xf32> to vector<16xf32>
    %swap3A_42 = vector.shape_cast %broadcast_in_dim3A_38 : vector<16xf32> to vector<16xf32>
    tpu.vector_store %arg7[%swap3A_39], %swap3A_42 {strides = array<i32>} : memref<640xf32, #tpu.memory_space<vmem>>, vector<16xf32>,
    %broadcast_in_dim3A_43 = arith.constant 1.000000e+00 : f32
    %broadcast_in_dim3A_44 = vector.broadcast %broadcast_in_dim3A_43 : f32 to vector<16xf32>
    %swap3A_45 = arith.constant 112 : index
    %swap3A_46 = tpu.vector_load %arg7[%swap3A_45] {strides = array<i32>} : memref<640xf32, #tpu.memory_space<vmem>>, vector<16xf32>,
    %swap3A_47 = vector.shape_cast %swap3A_46 : vector<16xf32> to vector<16xf32>
    %swap3A_48 = vector.shape_cast %broadcast_in_dim3A_44 : vector<16xf32> to vector<16xf32>
    tpu.vector_store %arg7[%swap3A_45], %swap3A_48 {strides = array<i32>} : memref<640xf32, #tpu.memory_space<vmem>>, vector<16xf32>,
    %broadcast_in_dim3A_49 = arith.constant 1.000000e+00 : f32
    %broadcast_in_dim3A_50 = vector.broadcast %broadcast_in_dim3A_49 : f32 to vector<16xf32>
    %swap3A_51 = arith.constant 128 : index
    %swap3A_52 = tpu.vector_load %arg7[%swap3A_51] {strides = array<i32>} : memref<640xf32, #tpu.memory_space<vmem>>, vector<16xf32>,
    %swap3A_53 = vector.shape_cast %swap3A_52 : vector<16xf32> to vector<16xf32>
    %swap3A_54 = vector.shape_cast %broadcast_in_dim3A_50 : vector<16xf32> to vector<16xf32>
    tpu.vector_store %arg7[%swap3A_51], %swap3A_54 {strides = array<i32>} : memref<640xf32, #tpu.memory_space<vmem>>, vector<16xf32>,
    %broadcast_in_dim3A_55 = arith.constant 1.000000e+00 : f32
    %broadcast_in_dim3A_56 = vector.broadcast %broadcast_in_dim3A_55 : f32 to vector<16xf32>
    %swap3A_57 = arith.constant 144 : index
    %swap3A_58 = tpu.vector_load %arg7[%swap3A_57] {strides = array<i32>} : memref<640xf32, #tpu.memory_space<vmem>>, vector<16xf32>,
    %swap3A_59 = vector.shape_cast %swap3A_58 : vector<16xf32> to vector<16xf32>
    %swap3A_60 = vector.shape_cast %broadcast_in_dim3A_56 : vector<16xf32> to vector<16xf32>
    tpu.vector_store %arg7[%swap3A_57], %swap3A_60 {strides = array<i32>} : memref<640xf32, #tpu.memory_space<vmem>>, vector<16xf32>,
    %broadcast_in_dim3A_61 = arith.constant 1.000000e+00 : f32
    %broadcast_in_dim3A_62 = vector.broadcast %broadcast_in_dim3A_61 : f32 to vector<16xf32>
    %swap3A_63 = arith.constant 160 : index
    %swap3A_64 = tpu.vector_load %arg7[%swap3A_63] {strides = array<i32>} : memref<640xf32, #tpu.memory_space<vmem>>, vector<16xf32>,
    %swap3A_65 = vector.shape_cast %swap3A_64 : vector<16xf32> to vector<16xf32>
    %swap3A_66 = vector.shape_cast %broadcast_in_dim3A_62 : vector<16xf32> to vector<16xf32>
    tpu.vector_store %arg7[%swap3A_63], %swap3A_66 {strides = array<i32>} : memref<640xf32, #tpu.memory_space<vmem>>, vector<16xf32>,
    %broadcast_in_dim3A_67 = arith.constant 1.000000e+00 : f32
    %broadcast_in_dim3A_68 = vector.broadcast %broadcast_in_dim3A_67 : f32 to vector<16xf32>
    %swap3A_69 = arith.constant 176 : index
    %swap3A_70 = tpu.vector_load %arg7[%swap3A_69] {strides = array<i32>} : memref<640xf32, #tpu.memory_space<vmem>>, vector<16xf32>,
    %swap3A_71 = vector.shape_cast %swap3A_70 : vector<16xf32> to vector<16xf32>
    %swap3A_72 = vector.shape_cast %broadcast_in_dim3A_68 : vector<16xf32> to vector<16xf32>
    tpu.vector_store %arg7[%swap3A_69], %swap3A_72 {strides = array<i32>} : memref<640xf32, #tpu.memory_space<vmem>>, vector<16xf32>,
    %broadcast_in_dim3A_73 = arith.constant 1.000000e+00 : f32
    %broadcast_in_dim3A_74 = vector.broadcast %broadcast_in_dim3A_73 : f32 to vector<16xf32>
    %swap3A_75 = arith.constant 192 : index
    %swap3A_76 = tpu.vector_load %arg7[%swap3A_75] {strides = array<i32>} : memref<640xf32, #tpu.memory_space<vmem>>, vector<16xf32>,
    %swap3A_77 = vector.shape_cast %swap3A_76 : vector<16xf32> to vector<16xf32>
    %swap3A_78 = vector.shape_cast %broadcast_in_dim3A_74 : vector<16xf32> to vector<16xf32>
    tpu.vector_store %arg7[%swap3A_75], %swap3A_78 {strides = array<i32>} : memref<640xf32, #tpu.memory_space<vmem>>, vector<16xf32>,
    %broadcast_in_dim3A_79 = arith.constant 1.000000e+00 : f32
    %broadcast_in_dim3A_80 = vector.broadcast %broadcast_in_dim3A_79 : f32 to vector<16xf32>
    %swap3A_81 = arith.constant 208 : index
    %swap3A_82 = tpu.vector_load %arg7[%swap3A_81] {strides = array<i32>} : memref<640xf32, #tpu.memory_space<vmem>>, vector<16xf32>,
    %swap3A_83 = vector.shape_cast %swap3A_82 : vector<16xf32> to vector<16xf32>
    %swap3A_84 = vector.shape_cast %broadcast_in_dim3A_80 : vector<16xf32> to vector<16xf32>
    tpu.vector_store %arg7[%swap3A_81], %swap3A_84 {strides = array<i32>} : memref<640xf32, #tpu.memory_space<vmem>>, vector<16xf32>,
    %broadcast_in_dim3A_85 = arith.constant 1.000000e+00 : f32
    %broadcast_in_dim3A_86 = vector.broadcast %broadcast_in_dim3A_85 : f32 to vector<16xf32>
    %swap3A_87 = arith.constant 224 : index
    %swap3A_88 = tpu.vector_load %arg7[%swap3A_87] {strides = array<i32>} : memref<640xf32, #tpu.memory_space<vmem>>, vector<16xf32>,
    %swap3A_89 = vector.shape_cast %swap3A_88 : vector<16xf32> to vector<16xf32>
    %swap3A_90 = vector.shape_cast %broadcast_in_dim3A_86 : vector<16xf32> to vector<16xf32>
    tpu.vector_store %arg7[%swap3A_87], %swap3A_90 {strides = array<i32>} : memref<640xf32, #tpu.memory_space<vmem>>, vector<16xf32>,
    %broadcast_in_dim3A_91 = arith.constant 1.000000e+00 : f32
    %broadcast_in_dim3A_92 = vector.broadcast %broadcast_in_dim3A_91 : f32 to vector<16xf32>
    %swap3A_93 = arith.constant 240 : index
    %swap3A_94 = tpu.vector_load %arg7[%swap3A_93] {strides = array<i32>} : memref<640xf32, #tpu.memory_space<vmem>>, vector<16xf32>,
    %swap3A_95 = vector.shape_cast %swap3A_94 : vector<16xf32> to vector<16xf32>
    %swap3A_96 = vector.shape_cast %broadcast_in_dim3A_92 : vector<16xf32> to vector<16xf32>
    tpu.vector_store %arg7[%swap3A_93], %swap3A_96 {strides = array<i32>} : memref<640xf32, #tpu.memory_space<vmem>>, vector<16xf32>,
    %broadcast_in_dim3A_97 = arith.constant 1.000000e+00 : f32
    %broadcast_in_dim3A_98 = vector.broadcast %broadcast_in_dim3A_97 : f32 to vector<16xf32>
    %swap3A_99 = arith.constant 256 : index
    %swap3A_100 = tpu.vector_load %arg7[%swap3A_99] {strides = array<i32>} : memref<640xf32, #tpu.memory_space<vmem>>, vector<16xf32>,
    %swap3A_101 = vector.shape_cast %swap3A_100 : vector<16xf32> to vector<16xf32>
    %swap3A_102 = vector.shape_cast %broadcast_in_dim3A_98 : vector<16xf32> to vector<16xf32>
    tpu.vector_store %arg7[%swap3A_99], %swap3A_102 {strides = array<i32>} : memref<640xf32, #tpu.memory_space<vmem>>, vector<16xf32>,
    %broadcast_in_dim3A_103 = arith.constant 1.000000e+00 : f32
    %broadcast_in_dim3A_104 = vector.broadcast %broadcast_in_dim3A_103 : f32 to vector<16xf32>
    %swap3A_105 = arith.constant 272 : index
    %swap3A_106 = tpu.vector_load %arg7[%swap3A_105] {strides = array<i32>} : memref<640xf32, #tpu.memory_space<vmem>>, vector<16xf32>,
    %swap3A_107 = vector.shape_cast %swap3A_106 : vector<16xf32> to vector<16xf32>
    %swap3A_108 = vector.shape_cast %broadcast_in_dim3A_104 : vector<16xf32> to vector<16xf32>
    tpu.vector_store %arg7[%swap3A_105], %swap3A_108 {strides = array<i32>} : memref<640xf32, #tpu.memory_space<vmem>>, vector<16xf32>,
    %broadcast_in_dim3A_109 = arith.constant 1.000000e+00 : f32
    %broadcast_in_dim3A_110 = vector.broadcast %broadcast_in_dim3A_109 : f32 to vector<16xf32>
    %swap3A_111 = arith.constant 288 : index
    %swap3A_112 = tpu.vector_load %arg7[%swap3A_111] {strides = array<i32>} : memref<640xf32, #tpu.memory_space<vmem>>, vector<16xf32>,
    %swap3A_113 = vector.shape_cast %swap3A_112 : vector<16xf32> to vector<16xf32>
    %swap3A_114 = vector.shape_cast %broadcast_in_dim3A_110 : vector<16xf32> to vector<16xf32>
    tpu.vector_store %arg7[%swap3A_111], %swap3A_114 {strides = array<i32>} : memref<640xf32, #tpu.memory_space<vmem>>, vector<16xf32>,
    %broadcast_in_dim3A_115 = arith.constant 1.000000e+00 : f32
    %broadcast_in_dim3A_116 = vector.broadcast %broadcast_in_dim3A_115 : f32 to vector<16xf32>
    %swap3A_117 = arith.constant 304 : index
    %swap3A_118 = tpu.vector_load %arg7[%swap3A_117] {strides = array<i32>} : memref<640xf32, #tpu.memory_space<vmem>>, vector<16xf32>,
    %swap3A_119 = vector.shape_cast %swap3A_118 : vector<16xf32> to vector<16xf32>
    %swap3A_120 = vector.shape_cast %broadcast_in_dim3A_116 : vector<16xf32> to vector<16xf32>
    tpu.vector_store %arg7[%swap3A_117], %swap3A_120 {strides = array<i32>} : memref<640xf32, #tpu.memory_space<vmem>>, vector<16xf32>,
    %broadcast_in_dim3A_121 = arith.constant 1.000000e+00 : f32
    %broadcast_in_dim3A_122 = vector.broadcast %broadcast_in_dim3A_121 : f32 to vector<16xf32>
    %swap3A_123 = arith.constant 320 : index
    %swap3A_124 = tpu.vector_load %arg7[%swap3A_123] {strides = array<i32>} : memref<640xf32, #tpu.memory_space<vmem>>, vector<16xf32>,
    %swap3A_125 = vector.shape_cast %swap3A_124 : vector<16xf32> to vector<16xf32>
    %swap3A_126 = vector.shape_cast %broadcast_in_dim3A_122 : vector<16xf32> to vector<16xf32>
    tpu.vector_store %arg7[%swap3A_123], %swap3A_126 {strides = array<i32>} : memref<640xf32, #tpu.memory_space<vmem>>, vector<16xf32>,
    %broadcast_in_dim3A_127 = arith.constant 1.000000e+00 : f32
    %broadcast_in_dim3A_128 = vector.broadcast %broadcast_in_dim3A_127 : f32 to vector<16xf32>
    %swap3A_129 = arith.constant 336 : index
    %swap3A_130 = tpu.vector_load %arg7[%swap3A_129] {strides = array<i32>} : memref<640xf32, #tpu.memory_space<vmem>>, vector<16xf32>,
    %swap3A_131 = vector.shape_cast %swap3A_130 : vector<16xf32> to vector<16xf32>
    %swap3A_132 = vector.shape_cast %broadcast_in_dim3A_128 : vector<16xf32> to vector<16xf32>
    tpu.vector_store %arg7[%swap3A_129], %swap3A_132 {strides = array<i32>} : memref<640xf32, #tpu.memory_space<vmem>>, vector<16xf32>,
    %broadcast_in_dim3A_133 = arith.constant 1.000000e+00 : f32
    %broadcast_in_dim3A_134 = vector.broadcast %broadcast_in_dim3A_133 : f32 to vector<16xf32>
    %swap3A_135 = arith.constant 352 : index
    %swap3A_136 = tpu.vector_load %arg7[%swap3A_135] {strides = array<i32>} : memref<640xf32, #tpu.memory_space<vmem>>, vector<16xf32>,
    %swap3A_137 = vector.shape_cast %swap3A_136 : vector<16xf32> to vector<16xf32>
    %swap3A_138 = vector.shape_cast %broadcast_in_dim3A_134 : vector<16xf32> to vector<16xf32>
    tpu.vector_store %arg7[%swap3A_135], %swap3A_138 {strides = array<i32>} : memref<640xf32, #tpu.memory_space<vmem>>, vector<16xf32>,
    %broadcast_in_dim3A_139 = arith.constant 1.000000e+00 : f32
    %broadcast_in_dim3A_140 = vector.broadcast %broadcast_in_dim3A_139 : f32 to vector<16xf32>
    %swap3A_141 = arith.constant 368 : index
    %swap3A_142 = tpu.vector_load %arg7[%swap3A_141] {strides = array<i32>} : memref<640xf32, #tpu.memory_space<vmem>>, vector<16xf32>,
    %swap3A_143 = vector.shape_cast %swap3A_142 : vector<16xf32> to vector<16xf32>
    %swap3A_144 = vector.shape_cast %broadcast_in_dim3A_140 : vector<16xf32> to vector<16xf32>
    tpu.vector_store %arg7[%swap3A_141], %swap3A_144 {strides = array<i32>} : memref<640xf32, #tpu.memory_space<vmem>>, vector<16xf32>,
    %broadcast_in_dim3A_145 = arith.constant 1.000000e+00 : f32
    %broadcast_in_dim3A_146 = vector.broadcast %broadcast_in_dim3A_145 : f32 to vector<16xf32>
    %swap3A_147 = arith.constant 384 : index
    %swap3A_148 = tpu.vector_load %arg7[%swap3A_147] {strides = array<i32>} : memref<640xf32, #tpu.memory_space<vmem>>, vector<16xf32>,
    %swap3A_149 = vector.shape_cast %swap3A_148 : vector<16xf32> to vector<16xf32>
    %swap3A_150 = vector.shape_cast %broadcast_in_dim3A_146 : vector<16xf32> to vector<16xf32>
    tpu.vector_store %arg7[%swap3A_147], %swap3A_150 {strides = array<i32>} : memref<640xf32, #tpu.memory_space<vmem>>, vector<16xf32>,
    %broadcast_in_dim3A_151 = arith.constant 1.000000e+00 : f32
    %broadcast_in_dim3A_152 = vector.broadcast %broadcast_in_dim3A_151 : f32 to vector<16xf32>
    %swap3A_153 = arith.constant 400 : index
    %swap3A_154 = tpu.vector_load %arg7[%swap3A_153] {strides = array<i32>} : memref<640xf32, #tpu.memory_space<vmem>>, vector<16xf32>,
    %swap3A_155 = vector.shape_cast %swap3A_154 : vector<16xf32> to vector<16xf32>
    %swap3A_156 = vector.shape_cast %broadcast_in_dim3A_152 : vector<16xf32> to vector<16xf32>
    tpu.vector_store %arg7[%swap3A_153], %swap3A_156 {strides = array<i32>} : memref<640xf32, #tpu.memory_space<vmem>>, vector<16xf32>,
    %broadcast_in_dim3A_157 = arith.constant 1.000000e+00 : f32
    %broadcast_in_dim3A_158 = vector.broadcast %broadcast_in_dim3A_157 : f32 to vector<16xf32>
    %swap3A_159 = arith.constant 416 : index
    %swap3A_160 = tpu.vector_load %arg7[%swap3A_159] {strides = array<i32>} : memref<640xf32, #tpu.memory_space<vmem>>, vector<16xf32>,
    %swap3A_161 = vector.shape_cast %swap3A_160 : vector<16xf32> to vector<16xf32>
    %swap3A_162 = vector.shape_cast %broadcast_in_dim3A_158 : vector<16xf32> to vector<16xf32>
    tpu.vector_store %arg7[%swap3A_159], %swap3A_162 {strides = array<i32>} : memref<640xf32, #tpu.memory_space<vmem>>, vector<16xf32>,
    %broadcast_in_dim3A_163 = arith.constant 1.000000e+00 : f32
    %broadcast_in_dim3A_164 = vector.broadcast %broadcast_in_dim3A_163 : f32 to vector<16xf32>
    %swap3A_165 = arith.constant 432 : index
    %swap3A_166 = tpu.vector_load %arg7[%swap3A_165] {strides = array<i32>} : memref<640xf32, #tpu.memory_space<vmem>>, vector<16xf32>,
    %swap3A_167 = vector.shape_cast %swap3A_166 : vector<16xf32> to vector<16xf32>
    %swap3A_168 = vector.shape_cast %broadcast_in_dim3A_164 : vector<16xf32> to vector<16xf32>
    tpu.vector_store %arg7[%swap3A_165], %swap3A_168 {strides = array<i32>} : memref<640xf32, #tpu.memory_space<vmem>>, vector<16xf32>,
    %broadcast_in_dim3A_169 = arith.constant 1.000000e+00 : f32
    %broadcast_in_dim3A_170 = vector.broadcast %broadcast_in_dim3A_169 : f32 to vector<16xf32>
    %swap3A_171 = arith.constant 448 : index
    %swap3A_172 = tpu.vector_load %arg7[%swap3A_171] {strides = array<i32>} : memref<640xf32, #tpu.memory_space<vmem>>, vector<16xf32>,
    %swap3A_173 = vector.shape_cast %swap3A_172 : vector<16xf32> to vector<16xf32>
    %swap3A_174 = vector.shape_cast %broadcast_in_dim3A_170 : vector<16xf32> to vector<16xf32>
    tpu.vector_store %arg7[%swap3A_171], %swap3A_174 {strides = array<i32>} : memref<640xf32, #tpu.memory_space<vmem>>, vector<16xf32>,
    %broadcast_in_dim3A_175 = arith.constant 1.000000e+00 : f32
    %broadcast_in_dim3A_176 = vector.broadcast %broadcast_in_dim3A_175 : f32 to vector<16xf32>
    %swap3A_177 = arith.constant 464 : index
    %swap3A_178 = tpu.vector_load %arg7[%swap3A_177] {strides = array<i32>} : memref<640xf32, #tpu.memory_space<vmem>>, vector<16xf32>,
    %swap3A_179 = vector.shape_cast %swap3A_178 : vector<16xf32> to vector<16xf32>
    %swap3A_180 = vector.shape_cast %broadcast_in_dim3A_176 : vector<16xf32> to vector<16xf32>
    tpu.vector_store %arg7[%swap3A_177], %swap3A_180 {strides = array<i32>} : memref<640xf32, #tpu.memory_space<vmem>>, vector<16xf32>,
    %broadcast_in_dim3A_181 = arith.constant 1.000000e+00 : f32
    %broadcast_in_dim3A_182 = vector.broadcast %broadcast_in_dim3A_181 : f32 to vector<16xf32>
    %swap3A_183 = arith.constant 480 : index
    %swap3A_184 = tpu.vector_load %arg7[%swap3A_183] {strides = array<i32>} : memref<640xf32, #tpu.memory_space<vmem>>, vector<16xf32>,
    %swap3A_185 = vector.shape_cast %swap3A_184 : vector<16xf32> to vector<16xf32>
    %swap3A_186 = vector.shape_cast %broadcast_in_dim3A_182 : vector<16xf32> to vector<16xf32>
    tpu.vector_store %arg7[%swap3A_183], %swap3A_186 {strides = array<i32>} : memref<640xf32, #tpu.memory_space<vmem>>, vector<16xf32>,
    %broadcast_in_dim3A_187 = arith.constant 1.000000e+00 : f32
    %broadcast_in_dim3A_188 = vector.broadcast %broadcast_in_dim3A_187 : f32 to vector<16xf32>
    %swap3A_189 = arith.constant 496 : index
    %swap3A_190 = tpu.vector_load %arg7[%swap3A_189] {strides = array<i32>} : memref<640xf32, #tpu.memory_space<vmem>>, vector<16xf32>,
    %swap3A_191 = vector.shape_cast %swap3A_190 : vector<16xf32> to vector<16xf32>
    %swap3A_192 = vector.shape_cast %broadcast_in_dim3A_188 : vector<16xf32> to vector<16xf32>
    tpu.vector_store %arg7[%swap3A_189], %swap3A_192 {strides = array<i32>} : memref<640xf32, #tpu.memory_space<vmem>>, vector<16xf32>,
    %broadcast_in_dim3A_193 = arith.constant 1.000000e+00 : f32
    %broadcast_in_dim3A_194 = vector.broadcast %broadcast_in_dim3A_193 : f32 to vector<16xf32>
    %swap3A_195 = arith.constant 512 : index
    %swap3A_196 = tpu.vector_load %arg7[%swap3A_195] {strides = array<i32>} : memref<640xf32, #tpu.memory_space<vmem>>, vector<16xf32>,
    %swap3A_197 = vector.shape_cast %swap3A_196 : vector<16xf32> to vector<16xf32>
    %swap3A_198 = vector.shape_cast %broadcast_in_dim3A_194 : vector<16xf32> to vector<16xf32>
    tpu.vector_store %arg7[%swap3A_195], %swap3A_198 {strides = array<i32>} : memref<640xf32, #tpu.memory_space<vmem>>, vector<16xf32>,
    %broadcast_in_dim3A_199 = arith.constant 1.000000e+00 : f32
    %broadcast_in_dim3A_200 = vector.broadcast %broadcast_in_dim3A_199 : f32 to vector<16xf32>
    %swap3A_201 = arith.constant 528 : index
    %swap3A_202 = tpu.vector_load %arg7[%swap3A_201] {strides = array<i32>} : memref<640xf32, #tpu.memory_space<vmem>>, vector<16xf32>,
    %swap3A_203 = vector.shape_cast %swap3A_202 : vector<16xf32> to vector<16xf32>
    %swap3A_204 = vector.shape_cast %broadcast_in_dim3A_200 : vector<16xf32> to vector<16xf32>
    tpu.vector_store %arg7[%swap3A_201], %swap3A_204 {strides = array<i32>} : memref<640xf32, #tpu.memory_space<vmem>>, vector<16xf32>,
    %broadcast_in_dim3A_205 = arith.constant 1.000000e+00 : f32
    %broadcast_in_dim3A_206 = vector.broadcast %broadcast_in_dim3A_205 : f32 to vector<16xf32>
    %swap3A_207 = arith.constant 544 : index
    %swap3A_208 = tpu.vector_load %arg7[%swap3A_207] {strides = array<i32>} : memref<640xf32, #tpu.memory_space<vmem>>, vector<16xf32>,
    %swap3A_209 = vector.shape_cast %swap3A_208 : vector<16xf32> to vector<16xf32>
    %swap3A_210 = vector.shape_cast %broadcast_in_dim3A_206 : vector<16xf32> to vector<16xf32>
    tpu.vector_store %arg7[%swap3A_207], %swap3A_210 {strides = array<i32>} : memref<640xf32, #tpu.memory_space<vmem>>, vector<16xf32>,
    %broadcast_in_dim3A_211 = arith.constant 1.000000e+00 : f32
    %broadcast_in_dim3A_212 = vector.broadcast %broadcast_in_dim3A_211 : f32 to vector<16xf32>
    %swap3A_213 = arith.constant 560 : index
    %swap3A_214 = tpu.vector_load %arg7[%swap3A_213] {strides = array<i32>} : memref<640xf32, #tpu.memory_space<vmem>>, vector<16xf32>,
    %swap3A_215 = vector.shape_cast %swap3A_214 : vector<16xf32> to vector<16xf32>
    %swap3A_216 = vector.shape_cast %broadcast_in_dim3A_212 : vector<16xf32> to vector<16xf32>
    tpu.vector_store %arg7[%swap3A_213], %swap3A_216 {strides = array<i32>} : memref<640xf32, #tpu.memory_space<vmem>>, vector<16xf32>,
    %broadcast_in_dim3A_217 = arith.constant 1.000000e+00 : f32
    %broadcast_in_dim3A_218 = vector.broadcast %broadcast_in_dim3A_217 : f32 to vector<16xf32>
    %swap3A_219 = arith.constant 576 : index
    %swap3A_220 = tpu.vector_load %arg7[%swap3A_219] {strides = array<i32>} : memref<640xf32, #tpu.memory_space<vmem>>, vector<16xf32>,
    %swap3A_221 = vector.shape_cast %swap3A_220 : vector<16xf32> to vector<16xf32>
    %swap3A_222 = vector.shape_cast %broadcast_in_dim3A_218 : vector<16xf32> to vector<16xf32>
    tpu.vector_store %arg7[%swap3A_219], %swap3A_222 {strides = array<i32>} : memref<640xf32, #tpu.memory_space<vmem>>, vector<16xf32>,
    %broadcast_in_dim3A_223 = arith.constant 1.000000e+00 : f32
    %broadcast_in_dim3A_224 = vector.broadcast %broadcast_in_dim3A_223 : f32 to vector<16xf32>
    %swap3A_225 = arith.constant 592 : index
    %swap3A_226 = tpu.vector_load %arg7[%swap3A_225] {strides = array<i32>} : memref<640xf32, #tpu.memory_space<vmem>>, vector<16xf32>,
    %swap3A_227 = vector.shape_cast %swap3A_226 : vector<16xf32> to vector<16xf32>
    %swap3A_228 = vector.shape_cast %broadcast_in_dim3A_224 : vector<16xf32> to vector<16xf32>
    tpu.vector_store %arg7[%swap3A_225], %swap3A_228 {strides = array<i32>} : memref<640xf32, #tpu.memory_space<vmem>>, vector<16xf32>,
    %broadcast_in_dim3A_229 = arith.constant 1.000000e+00 : f32
    %broadcast_in_dim3A_230 = vector.broadcast %broadcast_in_dim3A_229 : f32 to vector<16xf32>
    %swap3A_231 = arith.constant 608 : index
    %swap3A_232 = tpu.vector_load %arg7[%swap3A_231] {strides = array<i32>} : memref<640xf32, #tpu.memory_space<vmem>>, vector<16xf32>,
    %swap3A_233 = vector.shape_cast %swap3A_232 : vector<16xf32> to vector<16xf32>
    %swap3A_234 = vector.shape_cast %broadcast_in_dim3A_230 : vector<16xf32> to vector<16xf32>
    tpu.vector_store %arg7[%swap3A_231], %swap3A_234 {strides = array<i32>} : memref<640xf32, #tpu.memory_space<vmem>>, vector<16xf32>,
    %broadcast_in_dim3A_235 = arith.constant 1.000000e+00 : f32
    %broadcast_in_dim3A_236 = vector.broadcast %broadcast_in_dim3A_235 : f32 to vector<16xf32>
    %swap3A_237 = arith.constant 624 : index
    %swap3A_238 = tpu.vector_load %arg7[%swap3A_237] {strides = array<i32>} : memref<640xf32, #tpu.memory_space<vmem>>, vector<16xf32>,
    %swap3A_239 = vector.shape_cast %swap3A_238 : vector<16xf32> to vector<16xf32>
    %swap3A_240 = vector.shape_cast %broadcast_in_dim3A_236 : vector<16xf32> to vector<16xf32>
    tpu.vector_store %arg7[%swap3A_237], %swap3A_240 {strides = array<i32>} : memref<640xf32, #tpu.memory_space<vmem>>, vector<16xf32>,
    "tpu.region"() ({
      %run_scoped3A = tpu.sem_alloc : memref<!tpu.dma_semaphore, #tpu.memory_space<semaphore_mem>>
      %dma_start3A = tpu.memref_slice %arg5[%mul3A_2] : memref<10240xf32, #tpu.memory_space<vmem_shared>> -> memref<640xf32, #tpu.memory_space<vmem_shared>>
      %dma_start3A_262 = tpu.memref_slice %arg5[%mul3A_2] : memref<10240xf32, #tpu.memory_space<vmem_shared>> -> memref<640xf32, #tpu.memory_space<vmem_shared>>
      tpu.enqueue_dma source(%arg7 : memref<640xf32, #tpu.memory_space<vmem>>) target(%dma_start3A_262 : memref<640xf32, #tpu.memory_space<vmem_shared>>) target_semaphore(%run_scoped3A : memref<!tpu.dma_semaphore, #tpu.memory_space<semaphore_mem>>)
      %dma_wait3A = tpu.memref_slice %arg5[%mul3A_2] : memref<10240xf32, #tpu.memory_space<vmem_shared>> -> memref<640xf32, #tpu.memory_space<vmem_shared>>
      %dma_wait3A_263 = tpu.memref_slice %arg5[%mul3A_2] : memref<10240xf32, #tpu.memory_space<vmem_shared>> -> memref<640xf32, #tpu.memory_space<vmem_shared>>
      tpu.wait_dma2 semaphore(%run_scoped3A : memref<!tpu.dma_semaphore, #tpu.memory_space<semaphore_mem>>) src(%arg7 : memref<640xf32, #tpu.memory_space<vmem>>) dst(%dma_wait3A_263 : memref<640xf32, #tpu.memory_space<vmem_shared>>)
      tpu.yield
    }) : () -> ()
    %mul3A_241 = arith.constant 79 : i32
    %mul3A_242 = arith.muli %add3A, %mul3A_241 : i32
    "tpu.region"() ({
      %run_scoped3A = tpu.sem_alloc : memref<!tpu.dma_semaphore, #tpu.memory_space<semaphore_mem>>
      %dma_start3A = arith.constant 0 : i32
      %dma_start3A_262 = tpu.memref_slice %arg2[%mul3A_242, %dma_start3A] : memref<2528x128xi32, #tpu.memory_space<hbm>> -> memref<79x128xi32, #tpu.memory_space<hbm>>
      %dma_start3A_263 = arith.constant 0 : i32
      %dma_start3A_264 = tpu.memref_slice %arg2[%mul3A_242, %dma_start3A_263] : memref<2528x128xi32, #tpu.memory_space<hbm>> -> memref<79x128xi32, #tpu.memory_space<hbm>>
      tpu.enqueue_dma source(%dma_start3A_264 : memref<79x128xi32, #tpu.memory_space<hbm>>) target(%arg6 : memref<79x128xi32, #tpu.memory_space<vmem>>) target_semaphore(%run_scoped3A : memref<!tpu.dma_semaphore, #tpu.memory_space<semaphore_mem>>)
      %dma_wait3A = arith.constant 0 : i32
      %dma_wait3A_265 = tpu.memref_slice %arg2[%mul3A_242, %dma_wait3A] : memref<2528x128xi32, #tpu.memory_space<hbm>> -> memref<79x128xi32, #tpu.memory_space<hbm>>
      %dma_wait3A_266 = arith.constant 0 : i32
      %dma_wait3A_267 = tpu.memref_slice %arg2[%mul3A_242, %dma_wait3A_266] : memref<2528x128xi32, #tpu.memory_space<hbm>> -> memref<79x128xi32, #tpu.memory_space<hbm>>
      tpu.wait_dma2 semaphore(%run_scoped3A : memref<!tpu.dma_semaphore, #tpu.memory_space<semaphore_mem>>) src(%dma_wait3A_267 : memref<79x128xi32, #tpu.memory_space<hbm>>) dst(%arg6 : memref<79x128xi32, #tpu.memory_space<vmem>>)
      tpu.yield
    }) : () -> ()
    %barrier3A = arith.constant 0 : index
    tpu.barrier barrier_id(%barrier3A)
    %scan3A = arith.constant 0 : i32
    %scan3A_243 = arith.constant 0 : i32
    %scan3A_244 = arith.constant 79 : i32
    %scan3A_245 = arith.addi %scan3A_243, %scan3A_244 : i32
    %scan3A_246 = arith.constant 1 : i32
    scf.for %scan3A_262 = %scan3A_243 to %scan3A_245 step %scan3A_246  : i32 {
      %dma_start3A = arith.constant 0 : i32
      %dma_start3A_263 = tpu.memref_slice %arg7[%dma_start3A] : memref<640xf32, #tpu.memory_space<vmem>> -> memref<128xf32, #tpu.memory_space<vmem>>
      %dma_start3A_264 = arith.constant 0 : i32
      %dma_start3A_265 = tpu.memref_slice %arg6[%scan3A_262, %dma_start3A_264] : memref<79x128xi32, #tpu.memory_space<vmem>> -> memref<1x128xi32, #tpu.memory_space<vmem>>
      %dma_start3A_266 = tpu.memref_squeeze %dma_start3A_265 : memref<1x128xi32, #tpu.memory_space<vmem>> -> memref<128xi32, #tpu.memory_space<vmem>>
      %dma_start3A_267 = arith.constant 0 : i32
      %dma_start3A_268 = tpu.memref_slice %arg5[%dma_start3A_267] : memref<10240xf32, #tpu.memory_space<vmem_shared>> -> memref<10240xf32, #tpu.memory_space<vmem_shared>>
      tpu.enqueue_indirect_dma source(%dma_start3A_263 : memref<128xf32, #tpu.memory_space<vmem>>) target(%dma_start3A_268 : memref<10240xf32, #tpu.memory_space<vmem_shared>>) offsets(%dma_start3A_266 : memref<128xi32, #tpu.memory_space<vmem>>) semaphore(%arg8 : memref<!tpu.dma_semaphore, #tpu.memory_space<semaphore_mem>>) {add = true}
    }
    %scan3A_247 = arith.constant 79 : i32
    %scan3A_248 = arith.constant 0 : i32
    %scan3A_249 = arith.constant 0 : i32
    %scan3A_250 = arith.constant 79 : i32
    %scan3A_251 = arith.addi %scan3A_249, %scan3A_250 : i32
    %scan3A_252 = arith.constant 1 : i32
    scf.for %scan3A_262 = %scan3A_249 to %scan3A_251 step %scan3A_252  : i32 {
      %dma_wait3A = arith.constant 0 : i32
      %dma_wait3A_263 = arith.constant 0 : i32
      %dma_wait3A_264 = tpu.memref_slice %arg6[%dma_wait3A, %dma_wait3A_263] : memref<79x128xi32, #tpu.memory_space<vmem>> -> memref<1x128xi32, #tpu.memory_space<vmem>>
      %dma_wait3A_265 = tpu.memref_squeeze %dma_wait3A_264 : memref<1x128xi32, #tpu.memory_space<vmem>> -> memref<128xi32, #tpu.memory_space<vmem>>
      %dma_wait3A_266 = arith.constant 0 : i32
      %dma_wait3A_267 = arith.constant 0 : i32
      %dma_wait3A_268 = tpu.memref_slice %arg2[%dma_wait3A_266, %dma_wait3A_267] : memref<2528x128xi32, #tpu.memory_space<hbm>> -> memref<128x128xi32, #tpu.memory_space<hbm>>
      %dma_wait3A_269 = arith.constant 0 : i32
      %dma_wait3A_270 = tpu.memref_slice %arg6[%dma_wait3A, %dma_wait3A_269] : memref<79x128xi32, #tpu.memory_space<vmem>> -> memref<1x128xi32, #tpu.memory_space<vmem>>
      %dma_wait3A_271 = tpu.memref_squeeze %dma_wait3A_270 : memref<1x128xi32, #tpu.memory_space<vmem>> -> memref<128xi32, #tpu.memory_space<vmem>>
      %dma_wait3A_272 = arith.constant 0 : i32
      %dma_wait3A_273 = arith.constant 0 : i32
      %dma_wait3A_274 = tpu.memref_slice %arg2[%dma_wait3A_272, %dma_wait3A_273] : memref<2528x128xi32, #tpu.memory_space<hbm>> -> memref<128x128xi32, #tpu.memory_space<hbm>>
      tpu.wait_dma2 semaphore(%arg8 : memref<!tpu.dma_semaphore, #tpu.memory_space<semaphore_mem>>) src(%dma_wait3A_274 : memref<128x128xi32, #tpu.memory_space<hbm>>) dst(%dma_wait3A_271 : memref<128xi32, #tpu.memory_space<vmem>>)
    }
    %scan3A_253 = arith.constant 79 : i32
    %barrier3A_254 = arith.constant 0 : index
    tpu.barrier barrier_id(%barrier3A_254)
    %eq3A = arith.constant 0 : i32
    %eq3A_255 = arith.cmpi eq, %arg0, %eq3A : i32
    %convert_element_type3A = arith.extui %eq3A_255 : i1 to i32
    %cond3A = arith.constant 0 : i32
    %cond3A_256 = arith.cmpi ne, %convert_element_type3A, %cond3A : i32
    scf.if %cond3A_256 {
      "tpu.region"() ({
        %run_scoped3A = tpu.sem_alloc : memref<!tpu.dma_semaphore, #tpu.memory_space<semaphore_mem>>
        %dma_start3A = tpu.memref_slice %arg3[%mul3A_2] : memref<10240xf32, #tpu.memory_space<hbm>> -> memref<640xf32, #tpu.memory_space<hbm>>
        %dma_start3A_262 = tpu.memref_slice %arg5[%mul3A_2] : memref<10240xf32, #tpu.memory_space<vmem_shared>> -> memref<640xf32, #tpu.memory_space<vmem_shared>>
        tpu.enqueue_dma source(%dma_start3A_262 : memref<640xf32, #tpu.memory_space<vmem_shared>>) target(%dma_start3A : memref<640xf32, #tpu.memory_space<hbm>>) target_semaphore(%run_scoped3A : memref<!tpu.dma_semaphore, #tpu.memory_space<semaphore_mem>>)
        %dma_wait3A = tpu.memref_slice %arg3[%mul3A_2] : memref<10240xf32, #tpu.memory_space<hbm>> -> memref<640xf32, #tpu.memory_space<hbm>>
        %dma_wait3A_263 = tpu.memref_slice %arg5[%mul3A_2] : memref<10240xf32, #tpu.memory_space<vmem_shared>> -> memref<640xf32, #tpu.memory_space<vmem_shared>>
        tpu.wait_dma2 semaphore(%run_scoped3A : memref<!tpu.dma_semaphore, #tpu.memory_space<semaphore_mem>>) src(%dma_wait3A_263 : memref<640xf32, #tpu.memory_space<vmem_shared>>) dst(%dma_wait3A : memref<640xf32, #tpu.memory_space<hbm>>)
        tpu.yield
      }) : () -> ()
    } else {
    }
    %eq3A_257 = arith.constant 1 : i32
    %eq3A_258 = arith.cmpi eq, %arg0, %eq3A_257 : i32
    %convert_element_type3A_259 = arith.extui %eq3A_258 : i1 to i32
    %cond3A_260 = arith.constant 0 : i32
    %cond3A_261 = arith.cmpi ne, %convert_element_type3A_259, %cond3A_260 : i32
    scf.if %cond3A_261 {
      "tpu.region"() ({
        %run_scoped3A = tpu.sem_alloc : memref<!tpu.dma_semaphore, #tpu.memory_space<semaphore_mem>>
        %dma_start3A = tpu.memref_slice %arg4[%mul3A_2] : memref<10240xf32, #tpu.memory_space<hbm>> -> memref<640xf32, #tpu.memory_space<hbm>>
        %dma_start3A_262 = tpu.memref_slice %arg5[%mul3A_2] : memref<10240xf32, #tpu.memory_space<vmem_shared>> -> memref<640xf32, #tpu.memory_space<vmem_shared>>
        tpu.enqueue_dma source(%dma_start3A_262 : memref<640xf32, #tpu.memory_space<vmem_shared>>) target(%dma_start3A : memref<640xf32, #tpu.memory_space<hbm>>) target_semaphore(%run_scoped3A : memref<!tpu.dma_semaphore, #tpu.memory_space<semaphore_mem>>)
        %dma_wait3A = tpu.memref_slice %arg4[%mul3A_2] : memref<10240xf32, #tpu.memory_space<hbm>> -> memref<640xf32, #tpu.memory_space<hbm>>
        %dma_wait3A_263 = tpu.memref_slice %arg5[%mul3A_2] : memref<10240xf32, #tpu.memory_space<vmem_shared>> -> memref<640xf32, #tpu.memory_space<vmem_shared>>
        tpu.wait_dma2 semaphore(%run_scoped3A : memref<!tpu.dma_semaphore, #tpu.memory_space<semaphore_mem>>) src(%dma_wait3A_263 : memref<640xf32, #tpu.memory_space<vmem_shared>>) dst(%dma_wait3A : memref<640xf32, #tpu.memory_space<hbm>>)
        tpu.yield
      }) : () -> ()
    } else {
    }
    return
  }
}

#map = affine_map<(d0, d1) -> (0, 0)>
#map1 = affine_map<(d0, d1) -> (0, 0, 0, 0)>
module attributes {stable_mosaic.version = 14 : i64} {
  func.func @k(%arg0: i32, %arg1: i32, %arg2: memref<10240x16xf32, #tpu.memory_space<hbm>>, %arg3: memref<16x10240xf32, #tpu.memory_space<hbm>>, %arg4: memref<2x88064xi32, #tpu.memory_space<hbm>>, %arg5: memref<2x88064xi32, #tpu.memory_space<hbm>>, %arg6: memref<2x16x36x128xi32, #tpu.memory_space<hbm>>, %arg7: memref<2x16x36x128xi32, #tpu.memory_space<hbm>>, %arg8: memref<640x16xf32, #tpu.memory_space<hbm>>, %arg9: memref<16x10240xf32, #tpu.memory_space<hbm>>, %arg10: memref<16x10240xf32, #tpu.memory_space<hbm>>, %arg11: memref<10240x16xf32, #tpu.memory_space<hbm>>, %arg12: memref<10240x16xf32, #tpu.memory_space<hbm>>, %arg13: memref<10240xf32, #tpu.memory_space<vmem>>, %arg14: memref<10240xf32, #tpu.memory_space<vmem>>, %arg15: memref<4096xi32, #tpu.memory_space<vmem>>, %arg16: memref<4096xi32, #tpu.memory_space<vmem>>, %arg17: memref<36x128xi32, #tpu.memory_space<vmem>>, %arg18: memref<36x128xi32, #tpu.memory_space<vmem>>, %arg19: memref<3x128x16xf32, #tpu.memory_space<vmem>>, %arg20: memref<10240x16xf32, #tpu.memory_space<vmem_shared>>, %arg21: memref<!tpu.dma_semaphore, #tpu.memory_space<semaphore_mem>>, %arg22: memref<!tpu.dma_semaphore, #tpu.memory_space<semaphore_mem>>, %arg23: memref<!tpu.dma_semaphore, #tpu.memory_space<semaphore_mem>>) attributes {dimension_semantics = [#tpu.dimension_semantics<core_parallel>, #tpu.dimension_semantics<subcore_parallel>], iteration_bounds = array<i64: 2, 16>, scalar_prefetch = 0 : i64, scratch_operands = 11 : i64, tpu.core_type = #tpu.core_type<sc_vector_subcore>, window_params = [{transform_indices = #map}, {transform_indices = #map}, {transform_indices = #map}, {transform_indices = #map}, {transform_indices = #map1}, {transform_indices = #map1}, {transform_indices = #map}, {transform_indices = #map}, {transform_indices = #map}, {transform_indices = #map}, {transform_indices = #map}]} {
    %dma_start3A = arith.constant 0 : i32
    %dma_start3A_0 = tpu.memref_slice %arg3[%arg1, %dma_start3A] : memref<16x10240xf32, #tpu.memory_space<hbm>> -> memref<1x10240xf32, #tpu.memory_space<hbm>>
    %dma_start3A_1 = tpu.memref_squeeze %dma_start3A_0 : memref<1x10240xf32, #tpu.memory_space<hbm>> -> memref<10240xf32, #tpu.memory_space<hbm>>
    %dma_start3A_2 = arith.constant 0 : i32
    %dma_start3A_3 = tpu.memref_slice %arg3[%arg1, %dma_start3A_2] : memref<16x10240xf32, #tpu.memory_space<hbm>> -> memref<1x10240xf32, #tpu.memory_space<hbm>>
    %dma_start3A_4 = tpu.memref_squeeze %dma_start3A_3 : memref<1x10240xf32, #tpu.memory_space<hbm>> -> memref<10240xf32, #tpu.memory_space<hbm>>
    tpu.enqueue_dma source(%dma_start3A_4 : memref<10240xf32, #tpu.memory_space<hbm>>) target(%arg13 : memref<10240xf32, #tpu.memory_space<vmem>>) target_semaphore(%arg21 : memref<!tpu.dma_semaphore, #tpu.memory_space<semaphore_mem>>)
    %dma_start3A_5 = arith.constant 0 : i32
    %dma_start3A_6 = arith.constant 0 : i32
    %dma_start3A_7 = tpu.memref_slice %arg6[%arg0, %arg1, %dma_start3A_5, %dma_start3A_6] : memref<2x16x36x128xi32, #tpu.memory_space<hbm>> -> memref<1x1x36x128xi32, #tpu.memory_space<hbm>>
    %dma_start3A_8 = tpu.memref_squeeze %dma_start3A_7 : memref<1x1x36x128xi32, #tpu.memory_space<hbm>> -> memref<36x128xi32, #tpu.memory_space<hbm>>
    %dma_start3A_9 = arith.constant 0 : i32
    %dma_start3A_10 = arith.constant 0 : i32
    %dma_start3A_11 = tpu.memref_slice %arg6[%arg0, %arg1, %dma_start3A_9, %dma_start3A_10] : memref<2x16x36x128xi32, #tpu.memory_space<hbm>> -> memref<1x1x36x128xi32, #tpu.memory_space<hbm>>
    %dma_start3A_12 = tpu.memref_squeeze %dma_start3A_11 : memref<1x1x36x128xi32, #tpu.memory_space<hbm>> -> memref<36x128xi32, #tpu.memory_space<hbm>>
    tpu.enqueue_dma source(%dma_start3A_12 : memref<36x128xi32, #tpu.memory_space<hbm>>) target(%arg17 : memref<36x128xi32, #tpu.memory_space<vmem>>) target_semaphore(%arg21 : memref<!tpu.dma_semaphore, #tpu.memory_space<semaphore_mem>>)
    %dma_start3A_13 = arith.constant 0 : i32
    %dma_start3A_14 = arith.constant 0 : i32
    %dma_start3A_15 = tpu.memref_slice %arg7[%arg0, %arg1, %dma_start3A_13, %dma_start3A_14] : memref<2x16x36x128xi32, #tpu.memory_space<hbm>> -> memref<1x1x36x128xi32, #tpu.memory_space<hbm>>
    %dma_start3A_16 = tpu.memref_squeeze %dma_start3A_15 : memref<1x1x36x128xi32, #tpu.memory_space<hbm>> -> memref<36x128xi32, #tpu.memory_space<hbm>>
    %dma_start3A_17 = arith.constant 0 : i32
    %dma_start3A_18 = arith.constant 0 : i32
    %dma_start3A_19 = tpu.memref_slice %arg7[%arg0, %arg1, %dma_start3A_17, %dma_start3A_18] : memref<2x16x36x128xi32, #tpu.memory_space<hbm>> -> memref<1x1x36x128xi32, #tpu.memory_space<hbm>>
    %dma_start3A_20 = tpu.memref_squeeze %dma_start3A_19 : memref<1x1x36x128xi32, #tpu.memory_space<hbm>> -> memref<36x128xi32, #tpu.memory_space<hbm>>
    tpu.enqueue_dma source(%dma_start3A_20 : memref<36x128xi32, #tpu.memory_space<hbm>>) target(%arg18 : memref<36x128xi32, #tpu.memory_space<vmem>>) target_semaphore(%arg21 : memref<!tpu.dma_semaphore, #tpu.memory_space<semaphore_mem>>)
    %scan3A = arith.constant 0 : i32
    %scan3A_21 = arith.constant 0 : i32
    %scan3A_22 = arith.constant 80 : i32
    %scan3A_23 = arith.addi %scan3A_21, %scan3A_22 : i32
    %scan3A_24 = arith.constant 1 : i32
    scf.for %scan3A_132 = %scan3A_21 to %scan3A_23 step %scan3A_24  : i32 {
      %broadcast_in_dim3A = arith.constant 0.000000e+00 : f32
      %broadcast_in_dim3A_133 = vector.broadcast %broadcast_in_dim3A : f32 to vector<16xf32>
      %mul3A_134 = arith.constant 8 : i32
      %mul3A_135 = arith.muli %scan3A_132, %mul3A_134 : i32
      %add3A = arith.constant 0 : i32
      %add3A_136 = arith.addi %mul3A_135, %add3A : i32
      %mul3A_137 = arith.constant 16 : i32
      %mul3A_138 = arith.muli %add3A_136, %mul3A_137 : i32
      %swap3A = arith.index_cast %mul3A_138 : i32 to index
      %swap3A_139 = tpu.vector_load %arg14[%swap3A] {strides = array<i32>} : memref<10240xf32, #tpu.memory_space<vmem>>, vector<16xf32>,
      tpu.vector_store %arg14[%swap3A], %broadcast_in_dim3A_133 {strides = array<i32>} : memref<10240xf32, #tpu.memory_space<vmem>>, vector<16xf32>,
      %broadcast_in_dim3A_140 = arith.constant 0.000000e+00 : f32
      %broadcast_in_dim3A_141 = vector.broadcast %broadcast_in_dim3A_140 : f32 to vector<16xf32>
      %mul3A_142 = arith.constant 8 : i32
      %mul3A_143 = arith.muli %scan3A_132, %mul3A_142 : i32
      %add3A_144 = arith.constant 1 : i32
      %add3A_145 = arith.addi %mul3A_143, %add3A_144 : i32
      %mul3A_146 = arith.constant 16 : i32
      %mul3A_147 = arith.muli %add3A_145, %mul3A_146 : i32
      %swap3A_148 = arith.index_cast %mul3A_147 : i32 to index
      %swap3A_149 = tpu.vector_load %arg14[%swap3A_148] {strides = array<i32>} : memref<10240xf32, #tpu.memory_space<vmem>>, vector<16xf32>,
      tpu.vector_store %arg14[%swap3A_148], %broadcast_in_dim3A_141 {strides = array<i32>} : memref<10240xf32, #tpu.memory_space<vmem>>, vector<16xf32>,
      %broadcast_in_dim3A_150 = arith.constant 0.000000e+00 : f32
      %broadcast_in_dim3A_151 = vector.broadcast %broadcast_in_dim3A_150 : f32 to vector<16xf32>
      %mul3A_152 = arith.constant 8 : i32
      %mul3A_153 = arith.muli %scan3A_132, %mul3A_152 : i32
      %add3A_154 = arith.constant 2 : i32
      %add3A_155 = arith.addi %mul3A_153, %add3A_154 : i32
      %mul3A_156 = arith.constant 16 : i32
      %mul3A_157 = arith.muli %add3A_155, %mul3A_156 : i32
      %swap3A_158 = arith.index_cast %mul3A_157 : i32 to index
      %swap3A_159 = tpu.vector_load %arg14[%swap3A_158] {strides = array<i32>} : memref<10240xf32, #tpu.memory_space<vmem>>, vector<16xf32>,
      tpu.vector_store %arg14[%swap3A_158], %broadcast_in_dim3A_151 {strides = array<i32>} : memref<10240xf32, #tpu.memory_space<vmem>>, vector<16xf32>,
      %broadcast_in_dim3A_160 = arith.constant 0.000000e+00 : f32
      %broadcast_in_dim3A_161 = vector.broadcast %broadcast_in_dim3A_160 : f32 to vector<16xf32>
      %mul3A_162 = arith.constant 8 : i32
      %mul3A_163 = arith.muli %scan3A_132, %mul3A_162 : i32
      %add3A_164 = arith.constant 3 : i32
      %add3A_165 = arith.addi %mul3A_163, %add3A_164 : i32
      %mul3A_166 = arith.constant 16 : i32
      %mul3A_167 = arith.muli %add3A_165, %mul3A_166 : i32
      %swap3A_168 = arith.index_cast %mul3A_167 : i32 to index
      %swap3A_169 = tpu.vector_load %arg14[%swap3A_168] {strides = array<i32>} : memref<10240xf32, #tpu.memory_space<vmem>>, vector<16xf32>,
      tpu.vector_store %arg14[%swap3A_168], %broadcast_in_dim3A_161 {strides = array<i32>} : memref<10240xf32, #tpu.memory_space<vmem>>, vector<16xf32>,
      %broadcast_in_dim3A_170 = arith.constant 0.000000e+00 : f32
      %broadcast_in_dim3A_171 = vector.broadcast %broadcast_in_dim3A_170 : f32 to vector<16xf32>
      %mul3A_172 = arith.constant 8 : i32
      %mul3A_173 = arith.muli %scan3A_132, %mul3A_172 : i32
      %add3A_174 = arith.constant 4 : i32
      %add3A_175 = arith.addi %mul3A_173, %add3A_174 : i32
      %mul3A_176 = arith.constant 16 : i32
      %mul3A_177 = arith.muli %add3A_175, %mul3A_176 : i32
      %swap3A_178 = arith.index_cast %mul3A_177 : i32 to index
      %swap3A_179 = tpu.vector_load %arg14[%swap3A_178] {strides = array<i32>} : memref<10240xf32, #tpu.memory_space<vmem>>, vector<16xf32>,
      tpu.vector_store %arg14[%swap3A_178], %broadcast_in_dim3A_171 {strides = array<i32>} : memref<10240xf32, #tpu.memory_space<vmem>>, vector<16xf32>,
      %broadcast_in_dim3A_180 = arith.constant 0.000000e+00 : f32
      %broadcast_in_dim3A_181 = vector.broadcast %broadcast_in_dim3A_180 : f32 to vector<16xf32>
      %mul3A_182 = arith.constant 8 : i32
      %mul3A_183 = arith.muli %scan3A_132, %mul3A_182 : i32
      %add3A_184 = arith.constant 5 : i32
      %add3A_185 = arith.addi %mul3A_183, %add3A_184 : i32
      %mul3A_186 = arith.constant 16 : i32
      %mul3A_187 = arith.muli %add3A_185, %mul3A_186 : i32
      %swap3A_188 = arith.index_cast %mul3A_187 : i32 to index
      %swap3A_189 = tpu.vector_load %arg14[%swap3A_188] {strides = array<i32>} : memref<10240xf32, #tpu.memory_space<vmem>>, vector<16xf32>,
      tpu.vector_store %arg14[%swap3A_188], %broadcast_in_dim3A_181 {strides = array<i32>} : memref<10240xf32, #tpu.memory_space<vmem>>, vector<16xf32>,
      %broadcast_in_dim3A_190 = arith.constant 0.000000e+00 : f32
      %broadcast_in_dim3A_191 = vector.broadcast %broadcast_in_dim3A_190 : f32 to vector<16xf32>
      %mul3A_192 = arith.constant 8 : i32
      %mul3A_193 = arith.muli %scan3A_132, %mul3A_192 : i32
      %add3A_194 = arith.constant 6 : i32
      %add3A_195 = arith.addi %mul3A_193, %add3A_194 : i32
      %mul3A_196 = arith.constant 16 : i32
      %mul3A_197 = arith.muli %add3A_195, %mul3A_196 : i32
      %swap3A_198 = arith.index_cast %mul3A_197 : i32 to index
      %swap3A_199 = tpu.vector_load %arg14[%swap3A_198] {strides = array<i32>} : memref<10240xf32, #tpu.memory_space<vmem>>, vector<16xf32>,
      tpu.vector_store %arg14[%swap3A_198], %broadcast_in_dim3A_191 {strides = array<i32>} : memref<10240xf32, #tpu.memory_space<vmem>>, vector<16xf32>,
      %broadcast_in_dim3A_200 = arith.constant 0.000000e+00 : f32
      %broadcast_in_dim3A_201 = vector.broadcast %broadcast_in_dim3A_200 : f32 to vector<16xf32>
      %mul3A_202 = arith.constant 8 : i32
      %mul3A_203 = arith.muli %scan3A_132, %mul3A_202 : i32
      %add3A_204 = arith.constant 7 : i32
      %add3A_205 = arith.addi %mul3A_203, %add3A_204 : i32
      %mul3A_206 = arith.constant 16 : i32
      %mul3A_207 = arith.muli %add3A_205, %mul3A_206 : i32
      %swap3A_208 = arith.index_cast %mul3A_207 : i32 to index
      %swap3A_209 = tpu.vector_load %arg14[%swap3A_208] {strides = array<i32>} : memref<10240xf32, #tpu.memory_space<vmem>>, vector<16xf32>,
      tpu.vector_store %arg14[%swap3A_208], %broadcast_in_dim3A_201 {strides = array<i32>} : memref<10240xf32, #tpu.memory_space<vmem>>, vector<16xf32>,
    }
    %scan3A_25 = arith.constant 80 : i32
    %mul3A = arith.constant 640 : i32
    %mul3A_26 = arith.muli %arg1, %mul3A : i32
    "tpu.region"() ({
      %run_scoped3A = tpu.sem_alloc : memref<!tpu.dma_semaphore, #tpu.memory_space<semaphore_mem>>
      %dma_start3A_132 = arith.constant 0 : i32
      %dma_start3A_133 = tpu.memref_slice %arg20[%mul3A_26, %dma_start3A_132] : memref<10240x16xf32, #tpu.memory_space<vmem_shared>> -> memref<640x16xf32, #tpu.memory_space<vmem_shared>>
      tpu.enqueue_dma source(%arg8 : memref<640x16xf32, #tpu.memory_space<hbm>>) target(%dma_start3A_133 : memref<640x16xf32, #tpu.memory_space<vmem_shared>>) target_semaphore(%run_scoped3A : memref<!tpu.dma_semaphore, #tpu.memory_space<semaphore_mem>>)
      %dma_wait3A_134 = arith.constant 0 : i32
      %dma_wait3A_135 = tpu.memref_slice %arg20[%mul3A_26, %dma_wait3A_134] : memref<10240x16xf32, #tpu.memory_space<vmem_shared>> -> memref<640x16xf32, #tpu.memory_space<vmem_shared>>
      tpu.wait_dma2 semaphore(%run_scoped3A : memref<!tpu.dma_semaphore, #tpu.memory_space<semaphore_mem>>) src(%arg8 : memref<640x16xf32, #tpu.memory_space<hbm>>) dst(%dma_wait3A_135 : memref<640x16xf32, #tpu.memory_space<vmem_shared>>)
      tpu.yield
    }) : () -> ()
    %dma_wait3A = arith.constant 0 : i32
    %dma_wait3A_27 = tpu.memref_slice %arg3[%arg1, %dma_wait3A] : memref<16x10240xf32, #tpu.memory_space<hbm>> -> memref<1x10240xf32, #tpu.memory_space<hbm>>
    %dma_wait3A_28 = tpu.memref_squeeze %dma_wait3A_27 : memref<1x10240xf32, #tpu.memory_space<hbm>> -> memref<10240xf32, #tpu.memory_space<hbm>>
    %dma_wait3A_29 = arith.constant 0 : i32
    %dma_wait3A_30 = tpu.memref_slice %arg3[%arg1, %dma_wait3A_29] : memref<16x10240xf32, #tpu.memory_space<hbm>> -> memref<1x10240xf32, #tpu.memory_space<hbm>>
    %dma_wait3A_31 = tpu.memref_squeeze %dma_wait3A_30 : memref<1x10240xf32, #tpu.memory_space<hbm>> -> memref<10240xf32, #tpu.memory_space<hbm>>
    tpu.wait_dma2 semaphore(%arg21 : memref<!tpu.dma_semaphore, #tpu.memory_space<semaphore_mem>>) src(%dma_wait3A_31 : memref<10240xf32, #tpu.memory_space<hbm>>) dst(%arg13 : memref<10240xf32, #tpu.memory_space<vmem>>)
    %dma_wait3A_32 = arith.constant 0 : i32
    %dma_wait3A_33 = arith.constant 0 : i32
    %dma_wait3A_34 = tpu.memref_slice %arg6[%arg0, %arg1, %dma_wait3A_32, %dma_wait3A_33] : memref<2x16x36x128xi32, #tpu.memory_space<hbm>> -> memref<1x1x36x128xi32, #tpu.memory_space<hbm>>
    %dma_wait3A_35 = tpu.memref_squeeze %dma_wait3A_34 : memref<1x1x36x128xi32, #tpu.memory_space<hbm>> -> memref<36x128xi32, #tpu.memory_space<hbm>>
    %dma_wait3A_36 = arith.constant 0 : i32
    %dma_wait3A_37 = arith.constant 0 : i32
    %dma_wait3A_38 = tpu.memref_slice %arg6[%arg0, %arg1, %dma_wait3A_36, %dma_wait3A_37] : memref<2x16x36x128xi32, #tpu.memory_space<hbm>> -> memref<1x1x36x128xi32, #tpu.memory_space<hbm>>
    %dma_wait3A_39 = tpu.memref_squeeze %dma_wait3A_38 : memref<1x1x36x128xi32, #tpu.memory_space<hbm>> -> memref<36x128xi32, #tpu.memory_space<hbm>>
    tpu.wait_dma2 semaphore(%arg21 : memref<!tpu.dma_semaphore, #tpu.memory_space<semaphore_mem>>) src(%dma_wait3A_39 : memref<36x128xi32, #tpu.memory_space<hbm>>) dst(%arg17 : memref<36x128xi32, #tpu.memory_space<vmem>>)
    %dma_wait3A_40 = arith.constant 0 : i32
    %dma_wait3A_41 = arith.constant 0 : i32
    %dma_wait3A_42 = tpu.memref_slice %arg7[%arg0, %arg1, %dma_wait3A_40, %dma_wait3A_41] : memref<2x16x36x128xi32, #tpu.memory_space<hbm>> -> memref<1x1x36x128xi32, #tpu.memory_space<hbm>>
    %dma_wait3A_43 = tpu.memref_squeeze %dma_wait3A_42 : memref<1x1x36x128xi32, #tpu.memory_space<hbm>> -> memref<36x128xi32, #tpu.memory_space<hbm>>
    %dma_wait3A_44 = arith.constant 0 : i32
    %dma_wait3A_45 = arith.constant 0 : i32
    %dma_wait3A_46 = tpu.memref_slice %arg7[%arg0, %arg1, %dma_wait3A_44, %dma_wait3A_45] : memref<2x16x36x128xi32, #tpu.memory_space<hbm>> -> memref<1x1x36x128xi32, #tpu.memory_space<hbm>>
    %dma_wait3A_47 = tpu.memref_squeeze %dma_wait3A_46 : memref<1x1x36x128xi32, #tpu.memory_space<hbm>> -> memref<36x128xi32, #tpu.memory_space<hbm>>
    tpu.wait_dma2 semaphore(%arg21 : memref<!tpu.dma_semaphore, #tpu.memory_space<semaphore_mem>>) src(%dma_wait3A_47 : memref<36x128xi32, #tpu.memory_space<hbm>>) dst(%arg18 : memref<36x128xi32, #tpu.memory_space<vmem>>)
    %barrier3A = arith.constant 0 : index
    tpu.barrier barrier_id(%barrier3A)
    %dma_start3A_48 = arith.constant 0 : i32
    %dma_start3A_49 = tpu.memref_slice %arg15[%dma_start3A_48] : memref<4096xi32, #tpu.memory_space<vmem>> -> memref<2048xi32, #tpu.memory_space<vmem>>
    %dma_start3A_50 = arith.constant 0 : i32
    %dma_start3A_51 = tpu.memref_slice %arg4[%arg0, %dma_start3A_50] : memref<2x88064xi32, #tpu.memory_space<hbm>> -> memref<1x88064xi32, #tpu.memory_space<hbm>>
    %dma_start3A_52 = tpu.memref_squeeze %dma_start3A_51 : memref<1x88064xi32, #tpu.memory_space<hbm>> -> memref<88064xi32, #tpu.memory_space<hbm>>
    %dma_start3A_53 = arith.constant 0 : i32
    %dma_start3A_54 = tpu.memref_slice %dma_start3A_52[%dma_start3A_53] : memref<88064xi32, #tpu.memory_space<hbm>> -> memref<2048xi32, #tpu.memory_space<hbm>>
    %dma_start3A_55 = arith.constant 0 : i32
    %dma_start3A_56 = tpu.memref_slice %arg15[%dma_start3A_55] : memref<4096xi32, #tpu.memory_space<vmem>> -> memref<2048xi32, #tpu.memory_space<vmem>>
    %dma_start3A_57 = arith.constant 0 : i32
    %dma_start3A_58 = tpu.memref_slice %arg4[%arg0, %dma_start3A_57] : memref<2x88064xi32, #tpu.memory_space<hbm>> -> memref<1x88064xi32, #tpu.memory_space<hbm>>
    %dma_start3A_59 = tpu.memref_squeeze %dma_start3A_58 : memref<1x88064xi32, #tpu.memory_space<hbm>> -> memref<88064xi32, #tpu.memory_space<hbm>>
    %dma_start3A_60 = arith.constant 0 : i32
    %dma_start3A_61 = tpu.memref_slice %dma_start3A_59[%dma_start3A_60] : memref<88064xi32, #tpu.memory_space<hbm>> -> memref<2048xi32, #tpu.memory_space<hbm>>
    tpu.enqueue_dma source(%dma_start3A_61 : memref<2048xi32, #tpu.memory_space<hbm>>) target(%dma_start3A_56 : memref<2048xi32, #tpu.memory_space<vmem>>) target_semaphore(%arg21 : memref<!tpu.dma_semaphore, #tpu.memory_space<semaphore_mem>>)
    %dma_start3A_62 = arith.constant 0 : i32
    %dma_start3A_63 = tpu.memref_slice %arg16[%dma_start3A_62] : memref<4096xi32, #tpu.memory_space<vmem>> -> memref<2048xi32, #tpu.memory_space<vmem>>
    %dma_start3A_64 = arith.constant 0 : i32
    %dma_start3A_65 = tpu.memref_slice %arg5[%arg0, %dma_start3A_64] : memref<2x88064xi32, #tpu.memory_space<hbm>> -> memref<1x88064xi32, #tpu.memory_space<hbm>>
    %dma_start3A_66 = tpu.memref_squeeze %dma_start3A_65 : memref<1x88064xi32, #tpu.memory_space<hbm>> -> memref<88064xi32, #tpu.memory_space<hbm>>
    %dma_start3A_67 = arith.constant 0 : i32
    %dma_start3A_68 = tpu.memref_slice %dma_start3A_66[%dma_start3A_67] : memref<88064xi32, #tpu.memory_space<hbm>> -> memref<2048xi32, #tpu.memory_space<hbm>>
    %dma_start3A_69 = arith.constant 0 : i32
    %dma_start3A_70 = tpu.memref_slice %arg16[%dma_start3A_69] : memref<4096xi32, #tpu.memory_space<vmem>> -> memref<2048xi32, #tpu.memory_space<vmem>>
    %dma_start3A_71 = arith.constant 0 : i32
    %dma_start3A_72 = tpu.memref_slice %arg5[%arg0, %dma_start3A_71] : memref<2x88064xi32, #tpu.memory_space<hbm>> -> memref<1x88064xi32, #tpu.memory_space<hbm>>
    %dma_start3A_73 = tpu.memref_squeeze %dma_start3A_72 : memref<1x88064xi32, #tpu.memory_space<hbm>> -> memref<88064xi32, #tpu.memory_space<hbm>>
    %dma_start3A_74 = arith.constant 0 : i32
    %dma_start3A_75 = tpu.memref_slice %dma_start3A_73[%dma_start3A_74] : memref<88064xi32, #tpu.memory_space<hbm>> -> memref<2048xi32, #tpu.memory_space<hbm>>
    tpu.enqueue_dma source(%dma_start3A_75 : memref<2048xi32, #tpu.memory_space<hbm>>) target(%dma_start3A_70 : memref<2048xi32, #tpu.memory_space<vmem>>) target_semaphore(%arg21 : memref<!tpu.dma_semaphore, #tpu.memory_space<semaphore_mem>>)
    %dma_start3A_76 = arith.constant 0 : i32
    %dma_start3A_77 = arith.constant 0 : i32
    %dma_start3A_78 = arith.constant 0 : i32
    %dma_start3A_79 = arith.constant 0 : i32
    %dma_start3A_80 = tpu.memref_slice %arg19[%dma_start3A_77, %dma_start3A_78, %dma_start3A_79] : memref<3x128x16xf32, #tpu.memory_space<vmem>> -> memref<1x128x16xf32, #tpu.memory_space<vmem>>
    %dma_start3A_81 = tpu.memref_squeeze %dma_start3A_80 : memref<1x128x16xf32, #tpu.memory_space<vmem>> -> memref<128x16xf32, #tpu.memory_space<vmem>>
    %dma_start3A_82 = arith.constant 0 : i32
    %dma_start3A_83 = tpu.memref_slice %arg17[%dma_start3A_76, %dma_start3A_82] : memref<36x128xi32, #tpu.memory_space<vmem>> -> memref<1x128xi32, #tpu.memory_space<vmem>>
    %dma_start3A_84 = tpu.memref_squeeze %dma_start3A_83 : memref<1x128xi32, #tpu.memory_space<vmem>> -> memref<128xi32, #tpu.memory_space<vmem>>
    %dma_start3A_85 = arith.constant 0 : i32
    %dma_start3A_86 = arith.constant 0 : i32
    %dma_start3A_87 = tpu.memref_slice %arg2[%dma_start3A_85, %dma_start3A_86] : memref<10240x16xf32, #tpu.memory_space<hbm>> -> memref<10240x16xf32, #tpu.memory_space<hbm>>
    tpu.enqueue_indirect_dma source(%dma_start3A_87 : memref<10240x16xf32, #tpu.memory_space<hbm>>) target(%dma_start3A_81 : memref<128x16xf32, #tpu.memory_space<vmem>>) offsets(%dma_start3A_84 : memref<128xi32, #tpu.memory_space<vmem>>) semaphore(%arg22 : memref<!tpu.dma_semaphore, #tpu.memory_space<semaphore_mem>>)
    %scan3A_88 = arith.constant 0 : i32
    %scan3A_89 = arith.constant 0 : i32
    %scan3A_90 = arith.constant 43 : i32
    %scan3A_91 = arith.addi %scan3A_89, %scan3A_90 : i32
    %scan3A_92 = arith.constant 1 : i32
    scf.for %scan3A_132 = %scan3A_89 to %scan3A_91 step %scan3A_92  : i32 {
      %rem3A = arith.constant 2 : i32
      %rem3A_133 = arith.remsi %scan3A_132, %rem3A : i32
      %mul3A_134 = arith.constant 2048 : i32
      %mul3A_135 = arith.muli %rem3A_133, %mul3A_134 : i32
      %sub3A = arith.constant 2048 : i32
      %sub3A_136 = arith.subi %sub3A, %mul3A_135 : i32
      %mul3A_137 = arith.constant 2048 : i32
      %mul3A_138 = arith.muli %scan3A_132, %mul3A_137 : i32
      %dma_wait3A_139 = tpu.memref_slice %arg15[%mul3A_135] : memref<4096xi32, #tpu.memory_space<vmem>> -> memref<2048xi32, #tpu.memory_space<vmem>>
      %dma_wait3A_140 = arith.constant 0 : i32
      %dma_wait3A_141 = tpu.memref_slice %arg4[%arg0, %dma_wait3A_140] : memref<2x88064xi32, #tpu.memory_space<hbm>> -> memref<1x88064xi32, #tpu.memory_space<hbm>>
      %dma_wait3A_142 = tpu.memref_squeeze %dma_wait3A_141 : memref<1x88064xi32, #tpu.memory_space<hbm>> -> memref<88064xi32, #tpu.memory_space<hbm>>
      %dma_wait3A_143 = tpu.memref_slice %dma_wait3A_142[%mul3A_138] : memref<88064xi32, #tpu.memory_space<hbm>> -> memref<2048xi32, #tpu.memory_space<hbm>>
      %dma_wait3A_144 = tpu.memref_slice %arg15[%mul3A_135] : memref<4096xi32, #tpu.memory_space<vmem>> -> memref<2048xi32, #tpu.memory_space<vmem>>
      %dma_wait3A_145 = arith.constant 0 : i32
      %dma_wait3A_146 = tpu.memref_slice %arg4[%arg0, %dma_wait3A_145] : memref<2x88064xi32, #tpu.memory_space<hbm>> -> memref<1x88064xi32, #tpu.memory_space<hbm>>
      %dma_wait3A_147 = tpu.memref_squeeze %dma_wait3A_146 : memref<1x88064xi32, #tpu.memory_space<hbm>> -> memref<88064xi32, #tpu.memory_space<hbm>>
      %dma_wait3A_148 = tpu.memref_slice %dma_wait3A_147[%mul3A_138] : memref<88064xi32, #tpu.memory_space<hbm>> -> memref<2048xi32, #tpu.memory_space<hbm>>
      tpu.wait_dma2 semaphore(%arg21 : memref<!tpu.dma_semaphore, #tpu.memory_space<semaphore_mem>>) src(%dma_wait3A_148 : memref<2048xi32, #tpu.memory_space<hbm>>) dst(%dma_wait3A_144 : memref<2048xi32, #tpu.memory_space<vmem>>)
      %mul3A_149 = arith.constant 2048 : i32
      %mul3A_150 = arith.muli %scan3A_132, %mul3A_149 : i32
      %dma_wait3A_151 = tpu.memref_slice %arg16[%mul3A_135] : memref<4096xi32, #tpu.memory_space<vmem>> -> memref<2048xi32, #tpu.memory_space<vmem>>
      %dma_wait3A_152 = arith.constant 0 : i32
      %dma_wait3A_153 = tpu.memref_slice %arg5[%arg0, %dma_wait3A_152] : memref<2x88064xi32, #tpu.memory_space<hbm>> -> memref<1x88064xi32, #tpu.memory_space<hbm>>
      %dma_wait3A_154 = tpu.memref_squeeze %dma_wait3A_153 : memref<1x88064xi32, #tpu.memory_space<hbm>> -> memref<88064xi32, #tpu.memory_space<hbm>>
      %dma_wait3A_155 = tpu.memref_slice %dma_wait3A_154[%mul3A_150] : memref<88064xi32, #tpu.memory_space<hbm>> -> memref<2048xi32, #tpu.memory_space<hbm>>
      %dma_wait3A_156 = tpu.memref_slice %arg16[%mul3A_135] : memref<4096xi32, #tpu.memory_space<vmem>> -> memref<2048xi32, #tpu.memory_space<vmem>>
      %dma_wait3A_157 = arith.constant 0 : i32
      %dma_wait3A_158 = tpu.memref_slice %arg5[%arg0, %dma_wait3A_157] : memref<2x88064xi32, #tpu.memory_space<hbm>> -> memref<1x88064xi32, #tpu.memory_space<hbm>>
      %dma_wait3A_159 = tpu.memref_squeeze %dma_wait3A_158 : memref<1x88064xi32, #tpu.memory_space<hbm>> -> memref<88064xi32, #tpu.memory_space<hbm>>
      %dma_wait3A_160 = tpu.memref_slice %dma_wait3A_159[%mul3A_150] : memref<88064xi32, #tpu.memory_space<hbm>> -> memref<2048xi32, #tpu.memory_space<hbm>>
      tpu.wait_dma2 semaphore(%arg21 : memref<!tpu.dma_semaphore, #tpu.memory_space<semaphore_mem>>) src(%dma_wait3A_160 : memref<2048xi32, #tpu.memory_space<hbm>>) dst(%dma_wait3A_156 : memref<2048xi32, #tpu.memory_space<vmem>>)
      %add3A = arith.constant 1 : i32
      %add3A_161 = arith.addi %scan3A_132, %add3A : i32
      %lt3A = arith.constant 43 : i32
      %lt3A_162 = arith.cmpi slt, %add3A_161, %lt3A : i32
      %convert_element_type3A_163 = arith.extui %lt3A_162 : i1 to i32
      %cond3A_164 = arith.constant 0 : i32
      %cond3A_165 = arith.cmpi ne, %convert_element_type3A_163, %cond3A_164 : i32
      scf.if %cond3A_165 {
        %add3A_173 = arith.constant 1 : i32
        %add3A_174 = arith.addi %scan3A_132, %add3A_173 : i32
        %mul3A_175 = arith.constant 2048 : i32
        %mul3A_176 = arith.muli %add3A_174, %mul3A_175 : i32
        %dma_start3A_177 = tpu.memref_slice %arg15[%sub3A_136] : memref<4096xi32, #tpu.memory_space<vmem>> -> memref<2048xi32, #tpu.memory_space<vmem>>
        %dma_start3A_178 = arith.constant 0 : i32
        %dma_start3A_179 = tpu.memref_slice %arg4[%arg0, %dma_start3A_178] : memref<2x88064xi32, #tpu.memory_space<hbm>> -> memref<1x88064xi32, #tpu.memory_space<hbm>>
        %dma_start3A_180 = tpu.memref_squeeze %dma_start3A_179 : memref<1x88064xi32, #tpu.memory_space<hbm>> -> memref<88064xi32, #tpu.memory_space<hbm>>
        %dma_start3A_181 = tpu.memref_slice %dma_start3A_180[%mul3A_176] : memref<88064xi32, #tpu.memory_space<hbm>> -> memref<2048xi32, #tpu.memory_space<hbm>>
        %dma_start3A_182 = tpu.memref_slice %arg15[%sub3A_136] : memref<4096xi32, #tpu.memory_space<vmem>> -> memref<2048xi32, #tpu.memory_space<vmem>>
        %dma_start3A_183 = arith.constant 0 : i32
        %dma_start3A_184 = tpu.memref_slice %arg4[%arg0, %dma_start3A_183] : memref<2x88064xi32, #tpu.memory_space<hbm>> -> memref<1x88064xi32, #tpu.memory_space<hbm>>
        %dma_start3A_185 = tpu.memref_squeeze %dma_start3A_184 : memref<1x88064xi32, #tpu.memory_space<hbm>> -> memref<88064xi32, #tpu.memory_space<hbm>>
        %dma_start3A_186 = tpu.memref_slice %dma_start3A_185[%mul3A_176] : memref<88064xi32, #tpu.memory_space<hbm>> -> memref<2048xi32, #tpu.memory_space<hbm>>
        tpu.enqueue_dma source(%dma_start3A_186 : memref<2048xi32, #tpu.memory_space<hbm>>) target(%dma_start3A_182 : memref<2048xi32, #tpu.memory_space<vmem>>) target_semaphore(%arg21 : memref<!tpu.dma_semaphore, #tpu.memory_space<semaphore_mem>>)
        %add3A_187 = arith.constant 1 : i32
        %add3A_188 = arith.addi %scan3A_132, %add3A_187 : i32
        %mul3A_189 = arith.constant 2048 : i32
        %mul3A_190 = arith.muli %add3A_188, %mul3A_189 : i32
        %dma_start3A_191 = tpu.memref_slice %arg16[%sub3A_136] : memref<4096xi32, #tpu.memory_space<vmem>> -> memref<2048xi32, #tpu.memory_space<vmem>>
        %dma_start3A_192 = arith.constant 0 : i32
        %dma_start3A_193 = tpu.memref_slice %arg5[%arg0, %dma_start3A_192] : memref<2x88064xi32, #tpu.memory_space<hbm>> -> memref<1x88064xi32, #tpu.memory_space<hbm>>
        %dma_start3A_194 = tpu.memref_squeeze %dma_start3A_193 : memref<1x88064xi32, #tpu.memory_space<hbm>> -> memref<88064xi32, #tpu.memory_space<hbm>>
        %dma_start3A_195 = tpu.memref_slice %dma_start3A_194[%mul3A_190] : memref<88064xi32, #tpu.memory_space<hbm>> -> memref<2048xi32, #tpu.memory_space<hbm>>
        %dma_start3A_196 = tpu.memref_slice %arg16[%sub3A_136] : memref<4096xi32, #tpu.memory_space<vmem>> -> memref<2048xi32, #tpu.memory_space<vmem>>
        %dma_start3A_197 = arith.constant 0 : i32
        %dma_start3A_198 = tpu.memref_slice %arg5[%arg0, %dma_start3A_197] : memref<2x88064xi32, #tpu.memory_space<hbm>> -> memref<1x88064xi32, #tpu.memory_space<hbm>>
        %dma_start3A_199 = tpu.memref_squeeze %dma_start3A_198 : memref<1x88064xi32, #tpu.memory_space<hbm>> -> memref<88064xi32, #tpu.memory_space<hbm>>
        %dma_start3A_200 = tpu.memref_slice %dma_start3A_199[%mul3A_190] : memref<88064xi32, #tpu.memory_space<hbm>> -> memref<2048xi32, #tpu.memory_space<hbm>>
        tpu.enqueue_dma source(%dma_start3A_200 : memref<2048xi32, #tpu.memory_space<hbm>>) target(%dma_start3A_196 : memref<2048xi32, #tpu.memory_space<vmem>>) target_semaphore(%arg21 : memref<!tpu.dma_semaphore, #tpu.memory_space<semaphore_mem>>)
      } else {
      }
      %lt3A_166 = arith.constant 36 : i32
      %lt3A_167 = arith.cmpi slt, %scan3A_132, %lt3A_166 : i32
      %convert_element_type3A_168 = arith.extui %lt3A_167 : i1 to i32
      %cond3A_169 = arith.constant 0 : i32
      %cond3A_170 = arith.cmpi ne, %convert_element_type3A_168, %cond3A_169 : i32
      scf.if %cond3A_170 {
        %rem3A_173 = arith.constant 3 : i32
        %rem3A_174 = arith.remsi %scan3A_132, %rem3A_173 : i32
        %ge3A = arith.constant 2 : i32
        %ge3A_175 = arith.cmpi sge, %scan3A_132, %ge3A : i32
        %convert_element_type3A_176 = arith.extui %ge3A_175 : i1 to i32
        %cond3A_177 = arith.constant 0 : i32
        %cond3A_178 = arith.cmpi ne, %convert_element_type3A_176, %cond3A_177 : i32
        scf.if %cond3A_178 {
          %dma_wait3A_211 = arith.constant 0 : i32
          %dma_wait3A_212 = arith.constant 0 : i32
          %dma_wait3A_213 = arith.constant 0 : i32
          %dma_wait3A_214 = tpu.memref_slice %arg19[%dma_wait3A_211, %dma_wait3A_212, %dma_wait3A_213] : memref<3x128x16xf32, #tpu.memory_space<vmem>> -> memref<1x128x16xf32, #tpu.memory_space<vmem>>
          %dma_wait3A_215 = tpu.memref_squeeze %dma_wait3A_214 : memref<1x128x16xf32, #tpu.memory_space<vmem>> -> memref<128x16xf32, #tpu.memory_space<vmem>>
          %dma_wait3A_216 = arith.constant 0 : i32
          %dma_wait3A_217 = arith.constant 0 : i32
          %dma_wait3A_218 = tpu.memref_slice %arg2[%dma_wait3A_216, %dma_wait3A_217] : memref<10240x16xf32, #tpu.memory_space<hbm>> -> memref<128x16xf32, #tpu.memory_space<hbm>>
          %dma_wait3A_219 = arith.constant 0 : i32
          %dma_wait3A_220 = arith.constant 0 : i32
          %dma_wait3A_221 = tpu.memref_slice %arg19[%dma_wait3A_211, %dma_wait3A_219, %dma_wait3A_220] : memref<3x128x16xf32, #tpu.memory_space<vmem>> -> memref<1x128x16xf32, #tpu.memory_space<vmem>>
          %dma_wait3A_222 = tpu.memref_squeeze %dma_wait3A_221 : memref<1x128x16xf32, #tpu.memory_space<vmem>> -> memref<128x16xf32, #tpu.memory_space<vmem>>
          %dma_wait3A_223 = arith.constant 0 : i32
          %dma_wait3A_224 = arith.constant 0 : i32
          %dma_wait3A_225 = tpu.memref_slice %arg2[%dma_wait3A_223, %dma_wait3A_224] : memref<10240x16xf32, #tpu.memory_space<hbm>> -> memref<128x16xf32, #tpu.memory_space<hbm>>
          tpu.wait_dma2 semaphore(%arg23 : memref<!tpu.dma_semaphore, #tpu.memory_space<semaphore_mem>>) src(%dma_wait3A_225 : memref<128x16xf32, #tpu.memory_space<hbm>>) dst(%dma_wait3A_222 : memref<128x16xf32, #tpu.memory_space<vmem>>)
        } else {
        }
        %dma_wait3A_179 = arith.constant 0 : i32
        %dma_wait3A_180 = arith.constant 0 : i32
        %dma_wait3A_181 = arith.constant 0 : i32
        %dma_wait3A_182 = tpu.memref_slice %arg19[%dma_wait3A_179, %dma_wait3A_180, %dma_wait3A_181] : memref<3x128x16xf32, #tpu.memory_space<vmem>> -> memref<1x128x16xf32, #tpu.memory_space<vmem>>
        %dma_wait3A_183 = tpu.memref_squeeze %dma_wait3A_182 : memref<1x128x16xf32, #tpu.memory_space<vmem>> -> memref<128x16xf32, #tpu.memory_space<vmem>>
        %dma_wait3A_184 = arith.constant 0 : i32
        %dma_wait3A_185 = arith.constant 0 : i32
        %dma_wait3A_186 = tpu.memref_slice %arg2[%dma_wait3A_184, %dma_wait3A_185] : memref<10240x16xf32, #tpu.memory_space<hbm>> -> memref<128x16xf32, #tpu.memory_space<hbm>>
        %dma_wait3A_187 = arith.constant 0 : i32
        %dma_wait3A_188 = arith.constant 0 : i32
        %dma_wait3A_189 = tpu.memref_slice %arg19[%dma_wait3A_179, %dma_wait3A_187, %dma_wait3A_188] : memref<3x128x16xf32, #tpu.memory_space<vmem>> -> memref<1x128x16xf32, #tpu.memory_space<vmem>>
        %dma_wait3A_190 = tpu.memref_squeeze %dma_wait3A_189 : memref<1x128x16xf32, #tpu.memory_space<vmem>> -> memref<128x16xf32, #tpu.memory_space<vmem>>
        %dma_wait3A_191 = arith.constant 0 : i32
        %dma_wait3A_192 = arith.constant 0 : i32
        %dma_wait3A_193 = tpu.memref_slice %arg2[%dma_wait3A_191, %dma_wait3A_192] : memref<10240x16xf32, #tpu.memory_space<hbm>> -> memref<128x16xf32, #tpu.memory_space<hbm>>
        tpu.wait_dma2 semaphore(%arg22 : memref<!tpu.dma_semaphore, #tpu.memory_space<semaphore_mem>>) src(%dma_wait3A_193 : memref<128x16xf32, #tpu.memory_space<hbm>>) dst(%dma_wait3A_190 : memref<128x16xf32, #tpu.memory_space<vmem>>)
        %dma_start3A_194 = arith.constant 0 : i32
        %dma_start3A_195 = arith.constant 0 : i32
        %dma_start3A_196 = tpu.memref_slice %arg19[%rem3A_174, %dma_start3A_194, %dma_start3A_195] : memref<3x128x16xf32, #tpu.memory_space<vmem>> -> memref<1x128x16xf32, #tpu.memory_space<vmem>>
        %dma_start3A_197 = tpu.memref_squeeze %dma_start3A_196 : memref<1x128x16xf32, #tpu.memory_space<vmem>> -> memref<128x16xf32, #tpu.memory_space<vmem>>
        %dma_start3A_198 = arith.constant 0 : i32
        %dma_start3A_199 = tpu.memref_slice %arg18[%scan3A_132, %dma_start3A_198] : memref<36x128xi32, #tpu.memory_space<vmem>> -> memref<1x128xi32, #tpu.memory_space<vmem>>
        %dma_start3A_200 = tpu.memref_squeeze %dma_start3A_199 : memref<1x128xi32, #tpu.memory_space<vmem>> -> memref<128xi32, #tpu.memory_space<vmem>>
        %dma_start3A_201 = arith.constant 0 : i32
        %dma_start3A_202 = arith.constant 0 : i32
        %dma_start3A_203 = tpu.memref_slice %arg20[%dma_start3A_201, %dma_start3A_202] : memref<10240x16xf32, #tpu.memory_space<vmem_shared>> -> memref<10240x16xf32, #tpu.memory_space<vmem_shared>>
        tpu.enqueue_indirect_dma source(%dma_start3A_197 : memref<128x16xf32, #tpu.memory_space<vmem>>) target(%dma_start3A_203 : memref<10240x16xf32, #tpu.memory_space<vmem_shared>>) offsets(%dma_start3A_200 : memref<128xi32, #tpu.memory_space<vmem>>) semaphore(%arg23 : memref<!tpu.dma_semaphore, #tpu.memory_space<semaphore_mem>>) {add = true}
        %add3A_204 = arith.constant 1 : i32
        %add3A_205 = arith.addi %scan3A_132, %add3A_204 : i32
        %lt3A_206 = arith.constant 36 : i32
        %lt3A_207 = arith.cmpi slt, %add3A_205, %lt3A_206 : i32
        %convert_element_type3A_208 = arith.extui %lt3A_207 : i1 to i32
        %cond3A_209 = arith.constant 0 : i32
        %cond3A_210 = arith.cmpi ne, %convert_element_type3A_208, %cond3A_209 : i32
        scf.if %cond3A_210 {
          %add3A_211 = arith.constant 1 : i32
          %add3A_212 = arith.addi %scan3A_132, %add3A_211 : i32
          %add3A_213 = arith.constant 1 : i32
          %add3A_214 = arith.addi %scan3A_132, %add3A_213 : i32
          %rem3A_215 = arith.constant 3 : i32
          %rem3A_216 = arith.remsi %add3A_214, %rem3A_215 : i32
          %dma_start3A_217 = arith.constant 0 : i32
          %dma_start3A_218 = arith.constant 0 : i32
          %dma_start3A_219 = tpu.memref_slice %arg19[%rem3A_216, %dma_start3A_217, %dma_start3A_218] : memref<3x128x16xf32, #tpu.memory_space<vmem>> -> memref<1x128x16xf32, #tpu.memory_space<vmem>>
          %dma_start3A_220 = tpu.memref_squeeze %dma_start3A_219 : memref<1x128x16xf32, #tpu.memory_space<vmem>> -> memref<128x16xf32, #tpu.memory_space<vmem>>
          %dma_start3A_221 = arith.constant 0 : i32
          %dma_start3A_222 = tpu.memref_slice %arg17[%add3A_212, %dma_start3A_221] : memref<36x128xi32, #tpu.memory_space<vmem>> -> memref<1x128xi32, #tpu.memory_space<vmem>>
          %dma_start3A_223 = tpu.memref_squeeze %dma_start3A_222 : memref<1x128xi32, #tpu.memory_space<vmem>> -> memref<128xi32, #tpu.memory_space<vmem>>
          %dma_start3A_224 = arith.constant 0 : i32
          %dma_start3A_225 = arith.constant 0 : i32
          %dma_start3A_226 = tpu.memref_slice %arg2[%dma_start3A_224, %dma_start3A_225] : memref<10240x16xf32, #tpu.memory_space<hbm>> -> memref<10240x16xf32, #tpu.memory_space<hbm>>
          tpu.enqueue_indirect_dma source(%dma_start3A_226 : memref<10240x16xf32, #tpu.memory_space<hbm>>) target(%dma_start3A_220 : memref<128x16xf32, #tpu.memory_space<vmem>>) offsets(%dma_start3A_223 : memref<128xi32, #tpu.memory_space<vmem>>) semaphore(%arg22 : memref<!tpu.dma_semaphore, #tpu.memory_space<semaphore_mem>>)
        } else {
        }
      } else {
      }
      %parallel_loop3A = arith.constant 0 : i32
      %parallel_loop3A_171 = arith.constant 128 : i32
      %parallel_loop3A_172 = arith.constant 1 : i32
      scf.for %parallel_loop3A_173 = %parallel_loop3A to %parallel_loop3A_171 step %parallel_loop3A_172  : i32 {
        %parallel_loop3A_174 = arith.constant 16 : i32
        %parallel_loop3A_175 = arith.muli %parallel_loop3A_173, %parallel_loop3A_174 : i32
        %parallel_loop3A_176 = arith.addi %mul3A_135, %parallel_loop3A_175 : i32
        %parallel_loop3A_177 = arith.index_cast %parallel_loop3A_176 : i32 to index
        %parallel_loop3A_178 = tpu.vector_load %arg15[%parallel_loop3A_177] {strides = array<i32>} : memref<4096xi32, #tpu.memory_space<vmem>>, vector<16xi32>,
        %parallel_loop3A_179 = arith.index_cast %parallel_loop3A_176 : i32 to index
        %parallel_loop3A_180 = tpu.vector_load %arg16[%parallel_loop3A_179] {strides = array<i32>} : memref<4096xi32, #tpu.memory_space<vmem>>, vector<16xi32>,
        %parallel_loop3A_181 = tpu.vector_load_idx %arg13[%parallel_loop3A_178] : memref<10240xf32, #tpu.memory_space<vmem>>[vector<16xi32>], vector<16xf32>,
        tpu.vector_store_idx %arg14[%parallel_loop3A_180], %parallel_loop3A_181 {add = true} : memref<10240xf32, #tpu.memory_space<vmem>>[vector<16xi32>], vector<16xf32>,
      } {sc.loop_unroll_factor = 16 : i64, sc.parallel_access}
    }
    %scan3A_93 = arith.constant 43 : i32
    %dma_wait3A_94 = arith.constant 0 : i32
    %dma_wait3A_95 = arith.constant 0 : i32
    %dma_wait3A_96 = arith.constant 0 : i32
    %dma_wait3A_97 = tpu.memref_slice %arg19[%dma_wait3A_94, %dma_wait3A_95, %dma_wait3A_96] : memref<3x128x16xf32, #tpu.memory_space<vmem>> -> memref<1x128x16xf32, #tpu.memory_space<vmem>>
    %dma_wait3A_98 = tpu.memref_squeeze %dma_wait3A_97 : memref<1x128x16xf32, #tpu.memory_space<vmem>> -> memref<128x16xf32, #tpu.memory_space<vmem>>
    %dma_wait3A_99 = arith.constant 0 : i32
    %dma_wait3A_100 = arith.constant 0 : i32
    %dma_wait3A_101 = tpu.memref_slice %arg2[%dma_wait3A_99, %dma_wait3A_100] : memref<10240x16xf32, #tpu.memory_space<hbm>> -> memref<128x16xf32, #tpu.memory_space<hbm>>
    %dma_wait3A_102 = arith.constant 0 : i32
    %dma_wait3A_103 = arith.constant 0 : i32
    %dma_wait3A_104 = tpu.memref_slice %arg19[%dma_wait3A_94, %dma_wait3A_102, %dma_wait3A_103] : memref<3x128x16xf32, #tpu.memory_space<vmem>> -> memref<1x128x16xf32, #tpu.memory_space<vmem>>
    %dma_wait3A_105 = tpu.memref_squeeze %dma_wait3A_104 : memref<1x128x16xf32, #tpu.memory_space<vmem>> -> memref<128x16xf32, #tpu.memory_space<vmem>>
    %dma_wait3A_106 = arith.constant 0 : i32
    %dma_wait3A_107 = arith.constant 0 : i32
    %dma_wait3A_108 = tpu.memref_slice %arg2[%dma_wait3A_106, %dma_wait3A_107] : memref<10240x16xf32, #tpu.memory_space<hbm>> -> memref<128x16xf32, #tpu.memory_space<hbm>>
    tpu.wait_dma2 semaphore(%arg23 : memref<!tpu.dma_semaphore, #tpu.memory_space<semaphore_mem>>) src(%dma_wait3A_108 : memref<128x16xf32, #tpu.memory_space<hbm>>) dst(%dma_wait3A_105 : memref<128x16xf32, #tpu.memory_space<vmem>>)
    %dma_wait3A_109 = arith.constant 0 : i32
    %dma_wait3A_110 = arith.constant 0 : i32
    %dma_wait3A_111 = arith.constant 0 : i32
    %dma_wait3A_112 = tpu.memref_slice %arg19[%dma_wait3A_109, %dma_wait3A_110, %dma_wait3A_111] : memref<3x128x16xf32, #tpu.memory_space<vmem>> -> memref<1x128x16xf32, #tpu.memory_space<vmem>>
    %dma_wait3A_113 = tpu.memref_squeeze %dma_wait3A_112 : memref<1x128x16xf32, #tpu.memory_space<vmem>> -> memref<128x16xf32, #tpu.memory_space<vmem>>
    %dma_wait3A_114 = arith.constant 0 : i32
    %dma_wait3A_115 = arith.constant 0 : i32
    %dma_wait3A_116 = tpu.memref_slice %arg2[%dma_wait3A_114, %dma_wait3A_115] : memref<10240x16xf32, #tpu.memory_space<hbm>> -> memref<128x16xf32, #tpu.memory_space<hbm>>
    %dma_wait3A_117 = arith.constant 0 : i32
    %dma_wait3A_118 = arith.constant 0 : i32
    %dma_wait3A_119 = tpu.memref_slice %arg19[%dma_wait3A_109, %dma_wait3A_117, %dma_wait3A_118] : memref<3x128x16xf32, #tpu.memory_space<vmem>> -> memref<1x128x16xf32, #tpu.memory_space<vmem>>
    %dma_wait3A_120 = tpu.memref_squeeze %dma_wait3A_119 : memref<1x128x16xf32, #tpu.memory_space<vmem>> -> memref<128x16xf32, #tpu.memory_space<vmem>>
    %dma_wait3A_121 = arith.constant 0 : i32
    %dma_wait3A_122 = arith.constant 0 : i32
    %dma_wait3A_123 = tpu.memref_slice %arg2[%dma_wait3A_121, %dma_wait3A_122] : memref<10240x16xf32, #tpu.memory_space<hbm>> -> memref<128x16xf32, #tpu.memory_space<hbm>>
    tpu.wait_dma2 semaphore(%arg23 : memref<!tpu.dma_semaphore, #tpu.memory_space<semaphore_mem>>) src(%dma_wait3A_123 : memref<128x16xf32, #tpu.memory_space<hbm>>) dst(%dma_wait3A_120 : memref<128x16xf32, #tpu.memory_space<vmem>>)
    %barrier3A_124 = arith.constant 0 : index
    tpu.barrier barrier_id(%barrier3A_124)
    %eq3A = arith.constant 0 : i32
    %eq3A_125 = arith.cmpi eq, %arg0, %eq3A : i32
    %convert_element_type3A = arith.extui %eq3A_125 : i1 to i32
    %cond3A = arith.constant 0 : i32
    %cond3A_126 = arith.cmpi ne, %convert_element_type3A, %cond3A : i32
    scf.if %cond3A_126 {
      "tpu.region"() ({
        %run_scoped3A = tpu.sem_alloc : memref<!tpu.dma_semaphore, #tpu.memory_space<semaphore_mem>>
        %dma_start3A_136 = arith.constant 0 : i32
        %dma_start3A_137 = tpu.memref_slice %arg9[%arg1, %dma_start3A_136] : memref<16x10240xf32, #tpu.memory_space<hbm>> -> memref<1x10240xf32, #tpu.memory_space<hbm>>
        %dma_start3A_138 = tpu.memref_squeeze %dma_start3A_137 : memref<1x10240xf32, #tpu.memory_space<hbm>> -> memref<10240xf32, #tpu.memory_space<hbm>>
        %dma_start3A_139 = arith.constant 0 : i32
        %dma_start3A_140 = tpu.memref_slice %arg9[%arg1, %dma_start3A_139] : memref<16x10240xf32, #tpu.memory_space<hbm>> -> memref<1x10240xf32, #tpu.memory_space<hbm>>
        %dma_start3A_141 = tpu.memref_squeeze %dma_start3A_140 : memref<1x10240xf32, #tpu.memory_space<hbm>> -> memref<10240xf32, #tpu.memory_space<hbm>>
        tpu.enqueue_dma source(%arg14 : memref<10240xf32, #tpu.memory_space<vmem>>) target(%dma_start3A_141 : memref<10240xf32, #tpu.memory_space<hbm>>) target_semaphore(%run_scoped3A : memref<!tpu.dma_semaphore, #tpu.memory_space<semaphore_mem>>)
        %dma_wait3A_142 = arith.constant 0 : i32
        %dma_wait3A_143 = tpu.memref_slice %arg9[%arg1, %dma_wait3A_142] : memref<16x10240xf32, #tpu.memory_space<hbm>> -> memref<1x10240xf32, #tpu.memory_space<hbm>>
        %dma_wait3A_144 = tpu.memref_squeeze %dma_wait3A_143 : memref<1x10240xf32, #tpu.memory_space<hbm>> -> memref<10240xf32, #tpu.memory_space<hbm>>
        %dma_wait3A_145 = arith.constant 0 : i32
        %dma_wait3A_146 = tpu.memref_slice %arg9[%arg1, %dma_wait3A_145] : memref<16x10240xf32, #tpu.memory_space<hbm>> -> memref<1x10240xf32, #tpu.memory_space<hbm>>
        %dma_wait3A_147 = tpu.memref_squeeze %dma_wait3A_146 : memref<1x10240xf32, #tpu.memory_space<hbm>> -> memref<10240xf32, #tpu.memory_space<hbm>>
        tpu.wait_dma2 semaphore(%run_scoped3A : memref<!tpu.dma_semaphore, #tpu.memory_space<semaphore_mem>>) src(%arg14 : memref<10240xf32, #tpu.memory_space<vmem>>) dst(%dma_wait3A_147 : memref<10240xf32, #tpu.memory_space<hbm>>)
        tpu.yield
      }) : () -> ()
      %mul3A_132 = arith.constant 640 : i32
      %mul3A_133 = arith.muli %arg1, %mul3A_132 : i32
      %mul3A_134 = arith.constant 640 : i32
      %mul3A_135 = arith.muli %arg1, %mul3A_134 : i32
      "tpu.region"() ({
        %run_scoped3A = tpu.sem_alloc : memref<!tpu.dma_semaphore, #tpu.memory_space<semaphore_mem>>
        %dma_start3A_136 = arith.constant 0 : i32
        %dma_start3A_137 = tpu.memref_slice %arg11[%mul3A_135, %dma_start3A_136] : memref<10240x16xf32, #tpu.memory_space<hbm>> -> memref<640x16xf32, #tpu.memory_space<hbm>>
        %dma_start3A_138 = arith.constant 0 : i32
        %dma_start3A_139 = tpu.memref_slice %arg20[%mul3A_133, %dma_start3A_138] : memref<10240x16xf32, #tpu.memory_space<vmem_shared>> -> memref<640x16xf32, #tpu.memory_space<vmem_shared>>
        tpu.enqueue_dma source(%dma_start3A_139 : memref<640x16xf32, #tpu.memory_space<vmem_shared>>) target(%dma_start3A_137 : memref<640x16xf32, #tpu.memory_space<hbm>>) target_semaphore(%run_scoped3A : memref<!tpu.dma_semaphore, #tpu.memory_space<semaphore_mem>>)
        %dma_wait3A_140 = arith.constant 0 : i32
        %dma_wait3A_141 = tpu.memref_slice %arg11[%mul3A_135, %dma_wait3A_140] : memref<10240x16xf32, #tpu.memory_space<hbm>> -> memref<640x16xf32, #tpu.memory_space<hbm>>
        %dma_wait3A_142 = arith.constant 0 : i32
        %dma_wait3A_143 = tpu.memref_slice %arg20[%mul3A_133, %dma_wait3A_142] : memref<10240x16xf32, #tpu.memory_space<vmem_shared>> -> memref<640x16xf32, #tpu.memory_space<vmem_shared>>
        tpu.wait_dma2 semaphore(%run_scoped3A : memref<!tpu.dma_semaphore, #tpu.memory_space<semaphore_mem>>) src(%dma_wait3A_143 : memref<640x16xf32, #tpu.memory_space<vmem_shared>>) dst(%dma_wait3A_141 : memref<640x16xf32, #tpu.memory_space<hbm>>)
        tpu.yield
      }) : () -> ()
    } else {
    }
    %eq3A_127 = arith.constant 1 : i32
    %eq3A_128 = arith.cmpi eq, %arg0, %eq3A_127 : i32
    %convert_element_type3A_129 = arith.extui %eq3A_128 : i1 to i32
    %cond3A_130 = arith.constant 0 : i32
    %cond3A_131 = arith.cmpi ne, %convert_element_type3A_129, %cond3A_130 : i32
    scf.if %cond3A_131 {
      "tpu.region"() ({
        %run_scoped3A = tpu.sem_alloc : memref<!tpu.dma_semaphore, #tpu.memory_space<semaphore_mem>>
        %dma_start3A_136 = arith.constant 0 : i32
        %dma_start3A_137 = tpu.memref_slice %arg10[%arg1, %dma_start3A_136] : memref<16x10240xf32, #tpu.memory_space<hbm>> -> memref<1x10240xf32, #tpu.memory_space<hbm>>
        %dma_start3A_138 = tpu.memref_squeeze %dma_start3A_137 : memref<1x10240xf32, #tpu.memory_space<hbm>> -> memref<10240xf32, #tpu.memory_space<hbm>>
        %dma_start3A_139 = arith.constant 0 : i32
        %dma_start3A_140 = tpu.memref_slice %arg10[%arg1, %dma_start3A_139] : memref<16x10240xf32, #tpu.memory_space<hbm>> -> memref<1x10240xf32, #tpu.memory_space<hbm>>
        %dma_start3A_141 = tpu.memref_squeeze %dma_start3A_140 : memref<1x10240xf32, #tpu.memory_space<hbm>> -> memref<10240xf32, #tpu.memory_space<hbm>>
        tpu.enqueue_dma source(%arg14 : memref<10240xf32, #tpu.memory_space<vmem>>) target(%dma_start3A_141 : memref<10240xf32, #tpu.memory_space<hbm>>) target_semaphore(%run_scoped3A : memref<!tpu.dma_semaphore, #tpu.memory_space<semaphore_mem>>)
        %dma_wait3A_142 = arith.constant 0 : i32
        %dma_wait3A_143 = tpu.memref_slice %arg10[%arg1, %dma_wait3A_142] : memref<16x10240xf32, #tpu.memory_space<hbm>> -> memref<1x10240xf32, #tpu.memory_space<hbm>>
        %dma_wait3A_144 = tpu.memref_squeeze %dma_wait3A_143 : memref<1x10240xf32, #tpu.memory_space<hbm>> -> memref<10240xf32, #tpu.memory_space<hbm>>
        %dma_wait3A_145 = arith.constant 0 : i32
        %dma_wait3A_146 = tpu.memref_slice %arg10[%arg1, %dma_wait3A_145] : memref<16x10240xf32, #tpu.memory_space<hbm>> -> memref<1x10240xf32, #tpu.memory_space<hbm>>
        %dma_wait3A_147 = tpu.memref_squeeze %dma_wait3A_146 : memref<1x10240xf32, #tpu.memory_space<hbm>> -> memref<10240xf32, #tpu.memory_space<hbm>>
        tpu.wait_dma2 semaphore(%run_scoped3A : memref<!tpu.dma_semaphore, #tpu.memory_space<semaphore_mem>>) src(%arg14 : memref<10240xf32, #tpu.memory_space<vmem>>) dst(%dma_wait3A_147 : memref<10240xf32, #tpu.memory_space<hbm>>)
        tpu.yield
      }) : () -> ()
      %mul3A_132 = arith.constant 640 : i32
      %mul3A_133 = arith.muli %arg1, %mul3A_132 : i32
      %mul3A_134 = arith.constant 640 : i32
      %mul3A_135 = arith.muli %arg1, %mul3A_134 : i32
      "tpu.region"() ({
        %run_scoped3A = tpu.sem_alloc : memref<!tpu.dma_semaphore, #tpu.memory_space<semaphore_mem>>
        %dma_start3A_136 = arith.constant 0 : i32
        %dma_start3A_137 = tpu.memref_slice %arg12[%mul3A_135, %dma_start3A_136] : memref<10240x16xf32, #tpu.memory_space<hbm>> -> memref<640x16xf32, #tpu.memory_space<hbm>>
        %dma_start3A_138 = arith.constant 0 : i32
        %dma_start3A_139 = tpu.memref_slice %arg20[%mul3A_133, %dma_start3A_138] : memref<10240x16xf32, #tpu.memory_space<vmem_shared>> -> memref<640x16xf32, #tpu.memory_space<vmem_shared>>
        tpu.enqueue_dma source(%dma_start3A_139 : memref<640x16xf32, #tpu.memory_space<vmem_shared>>) target(%dma_start3A_137 : memref<640x16xf32, #tpu.memory_space<hbm>>) target_semaphore(%run_scoped3A : memref<!tpu.dma_semaphore, #tpu.memory_space<semaphore_mem>>)
        %dma_wait3A_140 = arith.constant 0 : i32
        %dma_wait3A_141 = tpu.memref_slice %arg12[%mul3A_135, %dma_wait3A_140] : memref<10240x16xf32, #tpu.memory_space<hbm>> -> memref<640x16xf32, #tpu.memory_space<hbm>>
        %dma_wait3A_142 = arith.constant 0 : i32
        %dma_wait3A_143 = tpu.memref_slice %arg20[%mul3A_133, %dma_wait3A_142] : memref<10240x16xf32, #tpu.memory_space<vmem_shared>> -> memref<640x16xf32, #tpu.memory_space<vmem_shared>>
        tpu.wait_dma2 semaphore(%run_scoped3A : memref<!tpu.dma_semaphore, #tpu.memory_space<semaphore_mem>>) src(%dma_wait3A_143 : memref<640x16xf32, #tpu.memory_space<vmem_shared>>) dst(%dma_wait3A_141 : memref<640x16xf32, #tpu.memory_space<hbm>>)
        tpu.yield
      }) : () -> ()
    } else {
    }
    return
  }
}

module attributes {stable_mosaic.version = 14 : i64} {
  func.func @body(%arg0: memref<1x10240xf32, #tpu.memory_space<vmem>>, %arg1: memref<1x10240xf32, #tpu.memory_space<vmem>>, %arg2: memref<10240x128xf32, #tpu.memory_space<vmem>>, %arg3: memref<128x16xf32, #tpu.memory_space<vmem>>, %arg4: memref<1x10240xf32, #tpu.memory_space<vmem>>, %arg5: memref<16x10240xf32, #tpu.memory_space<vmem>>, %arg6: memref<10240x16xf32, #tpu.memory_space<vmem>>) attributes {dimension_semantics = [], scalar_prefetch = 0 : i64, scratch_operands = 0 : i64, tpu.core_type = #tpu.core_type<tc>} {
    %get3A = arith.constant 0 : index
    %get3A_0 = arith.constant 0 : index
    %get3A_1 = vector.load %arg0[%get3A, %get3A_0] : memref<1x10240xf32, #tpu.memory_space<vmem>>, vector<1x10240xf32>
    %get3A_2 = arith.constant 0 : index
    %get3A_3 = arith.constant 0 : index
    %get3A_4 = vector.load %arg1[%get3A_2, %get3A_3] : memref<1x10240xf32, #tpu.memory_space<vmem>>, vector<1x10240xf32>
    %add3A = arith.addf %get3A_1, %get3A_4 : vector<1x10240xf32>
    %sub3A = arith.constant 1.000000e+00 : f32
    %sub3A_5 = vector.broadcast %sub3A : f32 to vector<1x10240xf32>
    %sub3A_6 = arith.subf %add3A, %sub3A_5 : vector<1x10240xf32>
    %rsqrt3A = math.rsqrt %sub3A_6 : vector<1x10240xf32>
    %get3A_7 = arith.constant 0 : index
    %get3A_8 = arith.constant 0 : index
    %get3A_9 = vector.load %arg3[%get3A_7, %get3A_8] : memref<128x16xf32, #tpu.memory_space<vmem>>, vector<128x16xf32>
    %get3A_10 = arith.constant 0 : index
    %get3A_11 = arith.constant 0 : index
    %get3A_12 = vector.load %arg2[%get3A_10, %get3A_11] : memref<10240x128xf32, #tpu.memory_space<vmem>>, vector<10240x128xf32>
    %dot_general3A = arith.constant dense<0.000000e+00> : vector<16x10240xf32>
    %dot_general3A_13 = tpu.matmul %get3A_9, %get3A_12, %dot_general3A {dimension_numbers = #tpu.dot_dimension_numbers<[0], [1], [1], [0], [0, 1, 1, 0], [], []>, transpose_lhs_hint = false} : vector<128x16xf32>, vector<10240x128xf32>, vector<16x10240xf32> -> vector<16x10240xf32>
    %mul3A = vector.broadcast %rsqrt3A : vector<1x10240xf32> to vector<16x10240xf32>
    %mul3A_14 = arith.mulf %mul3A, %dot_general3A_13 : vector<16x10240xf32>
    %swap3A = arith.constant 0 : index
    %swap3A_15 = arith.constant 0 : index
    %swap3A_16 = vector.load %arg4[%swap3A, %swap3A_15] : memref<1x10240xf32, #tpu.memory_space<vmem>>, vector<1x10240xf32>
    tpu.vector_store %arg4[%swap3A, %swap3A_15], %rsqrt3A {strides = array<i32>} : memref<1x10240xf32, #tpu.memory_space<vmem>>, vector<1x10240xf32>,
    %swap3A_17 = arith.constant 0 : index
    %swap3A_18 = arith.constant 0 : index
    %swap3A_19 = vector.load %arg5[%swap3A_17, %swap3A_18] : memref<16x10240xf32, #tpu.memory_space<vmem>>, vector<16x10240xf32>
    tpu.vector_store %arg5[%swap3A_17, %swap3A_18], %mul3A_14 {strides = array<i32>} : memref<16x10240xf32, #tpu.memory_space<vmem>>, vector<16x10240xf32>,
    %transpose3A = tpu.transpose %mul3A_14, [1, 0] : vector<16x10240xf32> -> vector<10240x16xf32>
    %swap3A_20 = arith.constant 0 : index
    %swap3A_21 = arith.constant 0 : index
    %swap3A_22 = vector.load %arg6[%swap3A_20, %swap3A_21] : memref<10240x16xf32, #tpu.memory_space<vmem>>, vector<10240x16xf32>
    tpu.vector_store %arg6[%swap3A_20, %swap3A_21], %transpose3A {strides = array<i32>} : memref<10240x16xf32, #tpu.memory_space<vmem>>, vector<10240x16xf32>,
    return
  }
}

module attributes {stable_mosaic.version = 14 : i64} {
  func.func @body(%arg0: memref<1x10240xf32, #tpu.memory_space<vmem>>, %arg1: memref<16x10240xf32, #tpu.memory_space<vmem>>, %arg2: memref<16x10240xf32, #tpu.memory_space<vmem>>, %arg3: memref<10240x16xf32, #tpu.memory_space<vmem>>, %arg4: memref<10240x16xf32, #tpu.memory_space<vmem>>, %arg5: memref<16x10240xf32, #tpu.memory_space<vmem>>, %arg6: memref<16x1xf32, #tpu.memory_space<vmem>>, %arg7: memref<16x16xf32, #tpu.memory_space<vmem>>, %arg8: memref<16x10240xf32, #tpu.memory_space<vmem>>, %arg9: memref<10240x16xf32, #tpu.memory_space<vmem>>) attributes {dimension_semantics = [], scalar_prefetch = 0 : i64, scratch_operands = 0 : i64, tpu.core_type = #tpu.core_type<tc>} {
    %get3A = arith.constant 0 : index
    %get3A_0 = arith.constant 0 : index
    %get3A_1 = vector.load %arg1[%get3A, %get3A_0] : memref<16x10240xf32, #tpu.memory_space<vmem>>, vector<16x10240xf32>
    %get3A_2 = arith.constant 0 : index
    %get3A_3 = arith.constant 0 : index
    %get3A_4 = vector.load %arg2[%get3A_2, %get3A_3] : memref<16x10240xf32, #tpu.memory_space<vmem>>, vector<16x10240xf32>
    %add3A = arith.addf %get3A_1, %get3A_4 : vector<16x10240xf32>
    %get3A_5 = arith.constant 0 : index
    %get3A_6 = arith.constant 0 : index
    %get3A_7 = vector.load %arg5[%get3A_5, %get3A_6] : memref<16x10240xf32, #tpu.memory_space<vmem>>, vector<16x10240xf32>
    %add3A_8 = arith.addf %add3A, %get3A_7 : vector<16x10240xf32>
    %get3A_9 = arith.constant 0 : index
    %get3A_10 = arith.constant 0 : index
    %get3A_11 = vector.load %arg3[%get3A_9, %get3A_10] : memref<10240x16xf32, #tpu.memory_space<vmem>>, vector<10240x16xf32>
    %get3A_12 = arith.constant 0 : index
    %get3A_13 = arith.constant 0 : index
    %get3A_14 = vector.load %arg4[%get3A_12, %get3A_13] : memref<10240x16xf32, #tpu.memory_space<vmem>>, vector<10240x16xf32>
    %add3A_15 = arith.addf %get3A_11, %get3A_14 : vector<10240x16xf32>
    %transpose3A = tpu.transpose %add3A_15, [1, 0] : vector<10240x16xf32> -> vector<16x10240xf32>
    %add3A_16 = arith.addf %add3A_8, %transpose3A : vector<16x10240xf32>
    %get3A_17 = arith.constant 0 : index
    %get3A_18 = arith.constant 0 : index
    %get3A_19 = vector.load %arg0[%get3A_17, %get3A_18] : memref<1x10240xf32, #tpu.memory_space<vmem>>, vector<1x10240xf32>
    %mul3A = vector.broadcast %get3A_19 : vector<1x10240xf32> to vector<16x10240xf32>
    %mul3A_20 = arith.mulf %mul3A, %add3A_16 : vector<16x10240xf32>
    %get3A_21 = arith.constant 0 : index
    %get3A_22 = arith.constant 0 : index
    %get3A_23 = vector.load %arg6[%get3A_21, %get3A_22] : memref<16x1xf32, #tpu.memory_space<vmem>>, vector<16x1xf32>
    %add3A_24 = vector.broadcast %get3A_23 : vector<16x1xf32> to vector<16x10240xf32>
    %add3A_25 = arith.addf %mul3A_20, %add3A_24 : vector<16x10240xf32>
    %max3A = arith.constant 0.000000e+00 : f32
    %max3A_26 = vector.broadcast %max3A : f32 to vector<16x10240xf32>
    %max3A_27 = arith.maximumf %add3A_25, %max3A_26 : vector<16x10240xf32>
    %get3A_28 = arith.constant 0 : index
    %get3A_29 = arith.constant 0 : index
    %get3A_30 = vector.load %arg0[%get3A_28, %get3A_29] : memref<1x10240xf32, #tpu.memory_space<vmem>>, vector<1x10240xf32>
    %get3A_31 = arith.constant 0 : index
    %get3A_32 = arith.constant 0 : index
    %get3A_33 = vector.load %arg7[%get3A_31, %get3A_32] : memref<16x16xf32, #tpu.memory_space<vmem>>, vector<16x16xf32>
    %dot_general3A = arith.constant dense<0.000000e+00> : vector<16x10240xf32>
    %dot_general3A_34 = tpu.matmul %get3A_33, %max3A_27, %dot_general3A {dimension_numbers = #tpu.dot_dimension_numbers<[1], [0], [0], [1], [0, 0, 1, 1], [], []>, transpose_lhs_hint = false} : vector<16x16xf32>, vector<16x10240xf32>, vector<16x10240xf32> -> vector<16x10240xf32>
    %mul3A_35 = vector.broadcast %get3A_30 : vector<1x10240xf32> to vector<16x10240xf32>
    %mul3A_36 = arith.mulf %mul3A_35, %dot_general3A_34 : vector<16x10240xf32>
    %swap3A = arith.constant 0 : index
    %swap3A_37 = arith.constant 0 : index
    %swap3A_38 = vector.load %arg8[%swap3A, %swap3A_37] : memref<16x10240xf32, #tpu.memory_space<vmem>>, vector<16x10240xf32>
    tpu.vector_store %arg8[%swap3A, %swap3A_37], %mul3A_36 {strides = array<i32>} : memref<16x10240xf32, #tpu.memory_space<vmem>>, vector<16x10240xf32>,
    %transpose3A_39 = tpu.transpose %mul3A_36, [1, 0] : vector<16x10240xf32> -> vector<10240x16xf32>
    %swap3A_40 = arith.constant 0 : index
    %swap3A_41 = arith.constant 0 : index
    %swap3A_42 = vector.load %arg9[%swap3A_40, %swap3A_41] : memref<10240x16xf32, #tpu.memory_space<vmem>>, vector<10240x16xf32>
    tpu.vector_store %arg9[%swap3A_40, %swap3A_41], %transpose3A_39 {strides = array<i32>} : memref<10240x16xf32, #tpu.memory_space<vmem>>, vector<10240x16xf32>,
    return
  }
}

module attributes {stable_mosaic.version = 14 : i64} {
  func.func @body(%arg0: memref<1x10240xf32, #tpu.memory_space<vmem>>, %arg1: memref<16x10240xf32, #tpu.memory_space<vmem>>, %arg2: memref<16x10240xf32, #tpu.memory_space<vmem>>, %arg3: memref<10240x16xf32, #tpu.memory_space<vmem>>, %arg4: memref<10240x16xf32, #tpu.memory_space<vmem>>, %arg5: memref<16x10240xf32, #tpu.memory_space<vmem>>, %arg6: memref<16x1xf32, #tpu.memory_space<vmem>>, %arg7: memref<10240x16xf32, #tpu.memory_space<vmem>>) attributes {dimension_semantics = [], scalar_prefetch = 0 : i64, scratch_operands = 0 : i64, tpu.core_type = #tpu.core_type<tc>} {
    %get3A = arith.constant 0 : index
    %get3A_0 = arith.constant 0 : index
    %get3A_1 = vector.load %arg1[%get3A, %get3A_0] : memref<16x10240xf32, #tpu.memory_space<vmem>>, vector<16x10240xf32>
    %get3A_2 = arith.constant 0 : index
    %get3A_3 = arith.constant 0 : index
    %get3A_4 = vector.load %arg2[%get3A_2, %get3A_3] : memref<16x10240xf32, #tpu.memory_space<vmem>>, vector<16x10240xf32>
    %add3A = arith.addf %get3A_1, %get3A_4 : vector<16x10240xf32>
    %get3A_5 = arith.constant 0 : index
    %get3A_6 = arith.constant 0 : index
    %get3A_7 = vector.load %arg5[%get3A_5, %get3A_6] : memref<16x10240xf32, #tpu.memory_space<vmem>>, vector<16x10240xf32>
    %add3A_8 = arith.addf %add3A, %get3A_7 : vector<16x10240xf32>
    %get3A_9 = arith.constant 0 : index
    %get3A_10 = arith.constant 0 : index
    %get3A_11 = vector.load %arg3[%get3A_9, %get3A_10] : memref<10240x16xf32, #tpu.memory_space<vmem>>, vector<10240x16xf32>
    %get3A_12 = arith.constant 0 : index
    %get3A_13 = arith.constant 0 : index
    %get3A_14 = vector.load %arg4[%get3A_12, %get3A_13] : memref<10240x16xf32, #tpu.memory_space<vmem>>, vector<10240x16xf32>
    %add3A_15 = arith.addf %get3A_11, %get3A_14 : vector<10240x16xf32>
    %transpose3A = tpu.transpose %add3A_15, [1, 0] : vector<10240x16xf32> -> vector<16x10240xf32>
    %add3A_16 = arith.addf %add3A_8, %transpose3A : vector<16x10240xf32>
    %get3A_17 = arith.constant 0 : index
    %get3A_18 = arith.constant 0 : index
    %get3A_19 = vector.load %arg0[%get3A_17, %get3A_18] : memref<1x10240xf32, #tpu.memory_space<vmem>>, vector<1x10240xf32>
    %mul3A = vector.broadcast %get3A_19 : vector<1x10240xf32> to vector<16x10240xf32>
    %mul3A_20 = arith.mulf %mul3A, %add3A_16 : vector<16x10240xf32>
    %get3A_21 = arith.constant 0 : index
    %get3A_22 = arith.constant 0 : index
    %get3A_23 = vector.load %arg6[%get3A_21, %get3A_22] : memref<16x1xf32, #tpu.memory_space<vmem>>, vector<16x1xf32>
    %add3A_24 = vector.broadcast %get3A_23 : vector<16x1xf32> to vector<16x10240xf32>
    %add3A_25 = arith.addf %mul3A_20, %add3A_24 : vector<16x10240xf32>
    %max3A = arith.constant 0.000000e+00 : f32
    %max3A_26 = vector.broadcast %max3A : f32 to vector<16x10240xf32>
    %max3A_27 = arith.maximumf %add3A_25, %max3A_26 : vector<16x10240xf32>
    %iota3A = tpu.iota {dimensions = array<i32: 0>} : vector<16x10240xi32>
    %lt3A = arith.constant 10 : i32
    %lt3A_28 = vector.broadcast %lt3A : i32 to vector<16x10240xi32>
    %lt3A_29 = arith.cmpi slt, %iota3A, %lt3A_28 : vector<16x10240xi32>
    %jit3A = arith.constant -1.000000e+30 : f32
    %broadcast_in_dim3A = vector.broadcast %jit3A : f32 to vector<16x10240xf32>
    %select_n3A = arith.select %lt3A_29, %max3A_27, %broadcast_in_dim3A : vector<16x10240xi1>, vector<16x10240xf32>
    %reduce_max3A = arith.constant dense<0xFF800000> : vector<10240xf32>
    %reduce_max3A_30 = vector.multi_reduction <maximumf>, %select_n3A, %reduce_max3A [0] : vector<16x10240xf32> to vector<10240xf32>
    %broadcast_in_dim3A_31 = vector.shape_cast %reduce_max3A_30 : vector<10240xf32> to vector<1x10240xf32>
    %sub3A = vector.broadcast %broadcast_in_dim3A_31 : vector<1x10240xf32> to vector<16x10240xf32>
    %sub3A_32 = arith.subf %select_n3A, %sub3A : vector<16x10240xf32>
    %exp3A = math.exp %sub3A_32 : vector<16x10240xf32>
    %jit3A_33 = arith.constant 0.000000e+00 : f32
    %broadcast_in_dim3A_34 = vector.broadcast %jit3A_33 : f32 to vector<16x10240xf32>
    %select_n3A_35 = arith.select %lt3A_29, %exp3A, %broadcast_in_dim3A_34 : vector<16x10240xi1>, vector<16x10240xf32>
    %reduce_sum3A = arith.constant dense<0.000000e+00> : vector<10240xf32>
    %reduce_sum3A_36 = vector.multi_reduction <add>, %select_n3A_35, %reduce_sum3A [0] : vector<16x10240xf32> to vector<10240xf32>
    %broadcast_in_dim3A_37 = vector.shape_cast %reduce_sum3A_36 : vector<10240xf32> to vector<1x10240xf32>
    %sub3A_38 = vector.broadcast %broadcast_in_dim3A_31 : vector<1x10240xf32> to vector<16x10240xf32>
    %sub3A_39 = arith.subf %select_n3A, %sub3A_38 : vector<16x10240xf32>
    %log3A = math.log %broadcast_in_dim3A_37 : vector<1x10240xf32>
    %sub3A_40 = vector.broadcast %log3A : vector<1x10240xf32> to vector<16x10240xf32>
    %sub3A_41 = arith.subf %sub3A_39, %sub3A_40 : vector<16x10240xf32>
    %transpose3A_42 = tpu.transpose %sub3A_41, [1, 0] : vector<16x10240xf32> -> vector<10240x16xf32>
    %swap3A = arith.constant 0 : index
    %swap3A_43 = arith.constant 0 : index
    %swap3A_44 = vector.load %arg7[%swap3A, %swap3A_43] : memref<10240x16xf32, #tpu.memory_space<vmem>>, vector<10240x16xf32>
    tpu.vector_store %arg7[%swap3A, %swap3A_43], %transpose3A_42 {strides = array<i32>} : memref<10240x16xf32, #tpu.memory_space<vmem>>, vector<10240x16xf32>,
    return
  }
}

</mosaic_0001>

<sc_bundles>
// kernel: kernel.11.cloned.1.call-start
scs
__scs_entry_jumppad:
0x0: {  	(pc) =	sbr.rel $0x88, $3  }
0x1: {  	(tag) =	ssettag $0x0;
	lr =	simm.s32 $0x1  }
0x2: {  	[smem:$0x3F9B] =	sst lr;
	_ =	strace $0xD0000000  }
0x3: {  	_ = 	snop  }
0x4: {  	_ = 	snop  }
0x5: {  	_ = 	snop  }
0x6: {  	_ = 	snop  }
0x7: {  	_ = 	snop  }
__scs_overlays_trampoline_lowered:
0x8: {  	[smem:$0x3FAA] =	sst s0  }
0x9: {  	[smem:$0x3FAB] =	sst s1  }
0xa: {  	[smem:$0x3FAC] =	sst s2  }
0xb: {  	[smem:$0x3FAD] =	sst s3  }
0xc: {  	[smem:$0x3FAE] =	sst s4  }
0xd: {  	[smem:$0x3FAF] =	sst s5  }
0xe: {  	[smem:$0x3FB0] =	sst s6  }
0xf: {  	[smem:$0x3FB1] =	sst s7  }
0x10: {  	[smem:$0x3FB2] =	sst s8  }
0x11: {  	[smem:$0x3FB3] =	sst s9;
	s0 =	simm.s32 @!p0 $0x0  }
0x12: {  	s1 =	sld [smem:$0x3F99];
	s0 =	simm.s32 @p0 $0x1  }
0x13: {  	[smem:$0x3FB4] =	sst s0;
	s0 =	simm.s32 @!p1 $0x0  }
0x14: {  	s2 =	sld [smem:$0x3F98];
	s0 =	simm.s32 @p1 $0x1  }
0x15: {  	[smem:$0x3FB5] =	sst s0;
	s0 =	simm.s32 @!p2 $0x0  }
0x16: {  	s3 =	sld [smem:$0x3FDB];
	s0 =	simm.s32 @p2 $0x1  }
0x17: {  	s4 =	simm.s32 $0x1BF5;
	[smem:$0x3FB7] =	sst s0  }
0x18: {  	s0 =	sld [smem:$0x3F9A];
	_ =	swait.ge [sflag:s4], $0x0  }
0x19: {  	s7 =	sld [smem:$0x3F9B]  }
0x1a: {  	s8 =	sadd.s32 $0xFFFFE003, lr  }
0x1b: {  	s9 =	sadd.s32 $0xFFFFFEF7, lr;
	s5 =	simm.s32 $0xFFFFFFFF;
	p2 =	slt.u32 s8, $0xFFFFF086  }
0x1c: {  	p1 =	slt.u32 s9, $0xF7A;
	s5 =	simm.s32 @!p2 $0x0  }
0x1d: {  	s5 =	simm.s32 @p1 $0x1;
	p0 =	seq.s32 s7, s2  }
0x1e: {  	s7 =	smul.u32 @!p0 $0xF7A, s2;
	p2 =	seq.s32 @!p0 s5, $0x0  }
0x1f: {  	s9 =	smul.u32 $0xF7A, s1;
	s8 =	simm.s32 @!p0 $0x1BF5;
	p2 =	por !p2, p0  }
0x20: {  	[sflag:s8] =	ssyncset.s32 @!p0 $0xFFFFF086;
	s6 =	sadd.s32 @!p0 s3, s7;
	s7 =	simm.s32 @!p0 $0x108  }
0x21: {  	s3 =	sadd.s32 s3, s9;
	s6 =	sadd.s32 @!p0 $0x88, s6;
	s7 =	simm.s32 @p2 $0x1082  }
0x22: {  	[simem:s7], [sflag:s8] =	dma.local @!p0 [hbm:s6], $0xF7A  }
0x23: {  	s9 =	sor.u32 $0xD0000000, s2;
	s6 =	simm.s32 $0x108;
	_ =	swait.ge @!p0 [sflag:s8], $0x0  }
0x24: {  	s3 =	sadd.s32 $0x88, s3;
	s6 =	simm.s32 @!p1 $0x1082;
	[sflag:s4] =	ssyncset.s32 $0xFFFFF086  }
0x25: {  	[simem:s6], [sflag:s4] =	dma.local [hbm:s3], $0xF7A  }
0x26: {  	[smem:$0x3F9B] =	sst s1;
	(tag) =	ssettag s2;
	_ =	strace s9  }
0x27: {  	s1 =	sld [smem:$0x3FAB]  }
0x28: {  	s2 =	sld [smem:$0x3FAC]  }
0x29: {  	s4 =	sld [smem:$0x3FAE]  }
0x2a: {  	p0 =	seq.s32 s5, $0x0;
	s5 =	sld [smem:$0x3FAF]  }
0x2b: {  	s6 =	sld [smem:$0x3FB0]  }
0x2c: {  	s7 =	sld [smem:$0x3FB1]  }
0x2d: {  	s3 =	simm.s32 $0x108;
	s8 =	sld [smem:$0x3FB2]  }
0x2e: {  	s3 =	simm.s32 @!p0 $0x1082;
	s9 =	sld [smem:$0x3FB3]  }
0x2f: {  	lr =	sadd.s32 s0, s3;
	s0 =	sld [smem:$0x3FAA]  }
0x30: {  	s3 =	sld [smem:$0x3FAD]  }
0x31: {  	[smem:$0x3FB6] =	sst s10  }
0x32: {  	s10 =	sld [smem:$0x3FB4];
	_ =	sdelay $0x3  }
0x33: {  	p0 =	seq.s32 s10, $0x1;
	s10 =	sld [smem:$0x3FB6];
	_ =	sdelay $0x3  }
0x34: {  	[smem:$0x3FB6] =	sst s10  }
0x35: {  	s10 =	sld [smem:$0x3FB5];
	_ =	sdelay $0x3  }
0x36: {  	p1 =	seq.s32 s10, $0x1;
	s10 =	sld [smem:$0x3FB6];
	_ =	sdelay $0x3  }
0x37: {  	[smem:$0x3FB6] =	sst s10  }
0x38: {  	s10 =	sld [smem:$0x3FB7]  }
0x39: {  	_ = 	snop;
	(pc) =	sbr.ind lr, $3  }
0x3a: {  	_ = 	snop  }
0x3b: {  	_ = 	snop  }
0x3c: {  	p2 =	seq.s32 s10, $0x1;
	s10 =	sld [smem:$0x3FB6]  }
0x3d: {  	_ =	shalt  }
0x3e: {  	_ =	shalt  }
0x3f: {  	_ =	shalt  }
0x40: {  	_ =	shalt  }
0x41: {  	_ =	shalt  }
0x42: {  	_ =	shalt  }
0x43: {  	_ =	shalt  }
0x44: {  	_ =	shalt  }
0x45: {  	_ =	shalt  }
0x46: {  	_ =	shalt  }
0x47: {  	_ =	shalt  }
0x48: {  	_ =	shalt  }
0x49: {  	_ =	shalt  }
0x4a: {  	_ =	shalt  }
0x4b: {  	_ =	shalt  }
0x4c: {  	_ =	shalt  }
0x4d: {  	_ =	shalt  }
0x4e: {  	_ =	shalt  }
0x4f: {  	_ =	shalt  }
0x50: {  	_ =	shalt  }
0x51: {  	_ =	shalt  }
0x52: {  	_ =	shalt  }
0x53: {  	_ =	shalt  }
0x54: {  	_ =	shalt  }
0x55: {  	_ =	shalt  }
0x56: {  	_ =	shalt  }
0x57: {  	_ =	shalt  }
0x58: {  	_ =	shalt  }
0x59: {  	_ =	shalt  }
0x5a: {  	_ =	shalt  }
0x5b: {  	_ =	shalt  }
0x5c: {  	_ =	shalt  }
0x5d: {  	_ =	shalt  }
0x5e: {  	_ =	shalt  }
0x5f: {  	_ =	shalt  }
0x60: {  	_ =	shalt  }
0x61: {  	_ =	shalt  }
0x62: {  	_ =	shalt  }
0x63: {  	_ =	shalt  }
0x64: {  	_ =	shalt  }
0x65: {  	_ =	shalt  }
0x66: {  	_ =	shalt  }
0x67: {  	_ =	shalt  }
0x68: {  	_ =	shalt  }
0x69: {  	_ =	shalt  }
0x6a: {  	_ =	shalt  }
0x6b: {  	_ =	shalt  }
0x6c: {  	_ =	shalt  }
0x6d: {  	_ =	shalt  }
0x6e: {  	_ =	shalt  }
0x6f: {  	_ =	shalt  }
0x70: {  	_ =	shalt  }
0x71: {  	_ =	shalt  }
0x72: {  	_ =	shalt  }
0x73: {  	_ =	shalt  }
0x74: {  	_ =	shalt  }
0x75: {  	_ =	shalt  }
0x76: {  	_ =	shalt  }
0x77: {  	_ =	shalt  }
0x78: {  	_ =	shalt  }
0x79: {  	_ =	shalt  }
0x7a: {  	_ =	shalt  }
0x7b: {  	_ =	shalt  }
0x7c: {  	_ =	shalt  }
0x7d: {  	_ =	shalt  }
0x7e: {  	_ =	shalt  }
0x7f: {  	_ =	shalt  }
0x80: {  	_ =	shalt  }
0x81: {  	_ =	shalt  }
0x82: {  	_ =	shalt  }
0x83: {  	_ =	shalt  }
0x84: {  	_ =	shalt  }
0x85: {  	_ =	shalt  }
0x86: {  	_ =	shalt  }
0x87: {  	_ =	shalt  }
.Lfunc_end0:
.L_simem_size_0:
called_computation.1_lowered:
.L_overlay_start_0:
0x88: {  	s2 =	sld [smem:$0x3FD9]  }
0x89: {  	s3 =	sld [smem:$0x3FFE];
	_ =	sdelay $0x1  }
0x8a: {  	s1 =	srdreg.scid  }
0x8b: {  	s0 =	sand.u32 $0x1, s1  }
0x8c: {  	s17 =	sshll.u32 s0, $0xA;
	s2 =	sadd.s32 s3, s2  }
0x8d: {  	s2 =	sadd.s32 s2, s17  }
0x8e: {  	[smem:$0x3FC2] =	sst s2  }
0x8f: {  	_ = 	snop  }
0x90: {  	s2 =	sld [smem:$0x3FD0];
	(tm) =	ssettm $0x1  }
0x91: {  	s18 =	sld [smem:$0x3FFB];
	_ =	sdelay $0x3  }
0x92: {  	_ =	strace s18  }
0x93: {  	s3 =	sld [smem:$0x3FFC];
	_ =	sdelay $0x3  }
0x94: {  	_ =	strace s3  }
0x95: {  	s3 =	sld [smem:$0x3FFD];
	_ =	sdelay $0x3  }
0x96: {  	_ =	strace s3  }
0x97: {  	_ =	strace $0x8FFFFFFF  }
0x98: {  	s19 =	sld [smem:$0x3FDB];
	_ =	sdelay $0x1  }
0x99: {  	s4 =	simm.s32 $_scs_section_size  }
0x9a: {  	s5 =	simm.s32 $_size__tile_overlayer_lowered;
	s6 =	simm.s32 $_tile_overlayer_lowered  }
0x9b: {  	s22 =	simm.s32 $0x1BFF;
	s21 =	sshll.u32 s6, $0x1;
	s3 =	sadd.s32 s4, s19  }
0x9c: {  	s7 =	simm.s32 $0x0;
	s20 =	sshll.u32 s5, $0x1;
	s5 =	sadd.s32 s21, s3  }
0x9d: {  	[timem:s7], [sflag:s22] =	dma.local [hbm:s5], s20  }
0x9e: {  	_ =	swait.ge [sflag:s22], s20  }
0x9f: {  	s4 =	ssub.s32 $0x0, s20;
	[sflag:s22] =	ssyncset.done $0x0  }
0xa0: {  	[sflag:s22] =	ssyncadd.s32 s4;
	_ =	sdelay $0x1  }
0xa1: {  	s23 =	simm.s32 $0x1B8B  }
0xa2: {  	_ =	swait.ge [sflag:s23], $0x1  }
0xa3: {  	[sflag:s23] =	ssyncset.done $0x0  }
0xa4: {  	s25 =	simm.s32 $0x1B8E;
	s24 =	sld [smem:$0x3FFE];
	[sflag:s23] =	ssyncadd.s32 $0xFFFFFFFF  }
0xa5: {  	s26 =	simm.s32 $execute0_lowered;
	[smem:$0x3FD2] =	sst s25  }
0xa6: {  	s5 =	sshll.u32 s26, $0x1;
	_ =	strace $0x80000049;
	[dreg:$0x1] =	wrdreg $0xFFFFFFFF  }
0xa7: {  	s28 =	simm.s32 $_size_execute0_lowered;
	s3 =	sadd.s32 s3, s5;
	[dreg:$0x0] =	wrdreg $0x0  }
0xa8: {  	s5 =	sshll.u32 s28, $0x1;
	[dreg:$0x2] =	wrdreg s3  }
0xa9: {  	[dreg:$0x3] =	wrdreg s5  }
0xaa: {  	[dreg:$0x4] =	wrdreg $0xC0  }
0xab: {  	_ =	task [dreg:s7], $0x5FFFF  }
0xac: {  	[dreg:$0x1] =	wrdreg $0xFFFFFFFF  }
0xad: {  	[dreg:$0x0] =	wrdreg $0x60  }
0xae: {  	[dreg:$0x2] =	wrdreg s24  }
0xaf: {  	[dreg:$0x3] =	wrdreg s2  }
0xb0: {  	[dreg:$0x4] =	wrdreg $0xAC000  }
0xb1: {  	[dreg:$0x5] =	wrdreg $0x9  }
0xb2: {  	_ =	task.clear_ibuf [dreg:s7], $0x6FFFF;
	_ =	strace $0x90000049  }
0xb3: {  	s29 =	simm.s32 $0x9;
	_ =	strace $0x8000004B  }
0xb4: {  	_ =	swait.ge [sflag:s29], $0x1  }
0xb5: {  	[sflag:s29] =	ssyncadd.s32 $0xFFFFFFFF  }
0xb6: {  	_ =	strace $0x9000004B  }
0xb7: {  	_ =	sfence  }
0xb8: {  	s30 =	sld [smem:$0x0];
	_ =	sdelay $0x2  }
0xb9: {  	s31 =	sshll.u32 s1, $0xD;
	s1 =	sshrl.u32 s1, $0x2  }
0xba: {  	s3 =	sand.u32 $0x4000, s31;
	s1 =	sadd.s32 s1, s30  }
0xbb: {  	s0 =	sor.u32 s3, s0;
	s1 =	sshll.u32 s1, $0x11  }
0xbc: {  	s0 =	sor.u32 s1, s0  }
0xbd: {  	s0 =	sadd.s32 $0x8F2B, s0  }
0xbe: {  	[sflag:s0] =	ssyncadd.remote.s32 $0x1  }
0xbf: {  	_ =	sfence.sel $0xFFFF  }
0xc0: {  	[dreg:$0x0] =	wrdreg $0xFFFFFFFF;
	(pc) =	sbr.abs _section_cstart, $3  }
0xc1: {  	[dreg:$0x1] =	wrdreg $0xFFFFFFFF  }
0xc2: {  	_ =	task.clear_ibuf [dreg:s7], $0x2FFFF;
	_ =	strace $0x9FFFFFFF  }
0xc3: {  	(tm) =	ssettm $0x7FFFFFFF  }
tec
execute0_lowered:
.L_overlay_start_1:
0x0: {  	(tag) =	ssettag $0x1  }
0x1: {  	s6 =	rddreg [dreg:$0x0]  }
0x2: {  	s0 =	srdreg.scid;
	s7 =	rddreg [dreg:$0x1]  }
0x3: {  	s28 =	stileid.u32;
	s2 =	rddreg [dreg:$0x2];
	s3 =	simm.s32 $0x0  }
0x4: {  	s21 =	simm.s32 $0x6000;
	s22 =	simm.s32 $0x80;
	s23 =	simm.s32 $0x9400  }
0x5: {  	s24 =	simm.s32 $0x2800;
	s25 =	simm.s32 $0x3;
	s5 =	smul.u32 $0x1200, s28  }
0x6: {  	s26 =	simm.s32 $0x0;
	s12 =	sand.u32 $0x1, s0;
	s13 =	smul.u32 $0x500, s28  }
0x7: {  	[smem:$0x7FF] =	sst s3;
	s14 =	sadd.s32 $0x2C400, s6;
	s30 =	smul.u32 $0x2800, s28  }
0x8: {  	s16 =	sadd.s32 $0x27400, s6;
	s17 =	sadd.s32 $0x22400, s6;
	s4 =	smul.u32 $0x12000, s12  }
0x9: {  	s19 =	sadd.s32 $0x1D400, s6;
	s31 =	sshll.u32 s28, $0x6;
	s8 =	smul.u32 $0x2B00, s12  }
0xa: {  	_ =	strace $0x8000004A;
	s15 =	ssub.s32 $0x2, s12;
	p0 =	seq.s32 s12, $0x1  }
0xb: {  	s10 =	sadd.s32 s13, s6;
	s18 =	sshrl.u32 s15, $0x1;
	s20 =	sadd.s32 s30, s2  }
0xc: {  	s14 =	smov.u32 @p0 s16;
	s17 =	smov.u32 @p0 s19;
	s19 =	simm.s32 $0x1  }
0xd: {  	s5 =	sadd.s32 s5, s4;
	s4 =	sadd.s32 $0x8600, s6;
	s11 =	sadd.s32 s8, s6  }
0xe: {  	s15 =	ssub.s32 s15, s18;
	s18 =	sshrl.u32 s30, $0x3;
	s13 =	sadd.s32 s14, s13  }
0xf: {  	s9 =	sshrl.u32 s5, $0x3;
	s5 =	sadd.s32 $0xD600, s6;
	s12 =	smax.u32 s15, $0x1  }
0x10: {  	s14 =	sadd.s32 s17, s18;
	s15 =	simm.s32 $0x7000;
	s17 =	sshrl.u32 s20, $0x3  }
0x11: {  	s18 =	simm.s32 $0x4;
	s20 =	simm.s32 $0x5000;
	s29 =	sadd.s32 s9, s6  }
0x12: {  	s6 =	sadd.s32 $0x3600, s10;
	s7 =	sadd.s32 s7, s9;
	s9 =	sor.u32 $0x1C04, s31  }
0x13: {  	v0 =	vimm.f32 $0.0e+00;
	s10 =	sadd.s32 $0x17E00, s11;
	s11 =	sadd.s32 $0xE000, s11;
	s8 =	sadd.s32 $0x13600, s29  }
.LBB2_1:
0x14: {  	[tilespmem:s3], [sflag:$0x1] =	stream.linear.gather [hbm4b:s6+s3], $0x2800, $0x38;
	[tilespmem:$0xD400] =	vst v63  }
0x15: {  	_ = 	snop  }
0x16: {  	[tilespmem:s15], [sflag:$0x1] =	stream.linear.gather [hbm4b:s7+s3], $0x1200, $0x38;
	[tilespmem:$0xD400] =	vst v63  }
0x17: {  	s0 =	simm.s32 $0x8200;
	s28 =	simm.s32 $0x0;
	s29 =	simm.s32 $0x200  }
0x18: {  	[tilespmem:s0], [sflag:$0x1] =	stream.linear.gather [hbm4b:s8+s3], $0x1200, $0x38;
	[tilespmem:$0xD400] =	vst v63  }
.LBB2_2:
0x19: {  	p0 =	sne.s32 s29, $0x9E00;
	[tilespmem:s28+$0x2870] =	vst v0  }
0x1a: {  	[tilespmem:s28+$0x2800] =	vst v0  }
0x1b: {  	[tilespmem:s28+$0x2810] =	vst v0  }
.Ltmp0:
0x1c: {  	[tilespmem:s28+$0x2820] =	vst v0;
	(pc) =	sbr.rel @p0 .LBB2_2-.Ltmp0, $4  }
0x1d: {  	[tilespmem:s28+$0x2830] =	vst v0  }
0x1e: {  	[tilespmem:s28+$0x2840] =	vst v0  }
0x1f: {  	[tilespmem:s28+$0x2850] =	vst v0  }
0x20: {  	[tilespmem:s28+$0x2860] =	vst v0;
	s28 =	sshra.s32 s29, $0x2;
	s29 =	sadd.s32 $0x200, s29  }
0x21: {  	[tilespmem:s28+$0x2870] =	vst v0  }
0x22: {  	[tilespmem:s28+$0x2800] =	vst v0  }
0x23: {  	[tilespmem:s28+$0x2810] =	vst v0  }
0x24: {  	[tilespmem:s28+$0x2820] =	vst v0  }
0x25: {  	[tilespmem:s28+$0x2830] =	vst v0  }
0x26: {  	[tilespmem:s28+$0x2840] =	vst v0  }
0x27: {  	[tilespmem:s28+$0x2850] =	vst v0  }
0x28: {  	[tilespmem:s28+$0x2860] =	vst v0  }
0x29: {  	[spmem:s17], [sflag:s9] =	dma.local [hbm:s5], $0x500  }
0x2a: {  	_ =	swait.ge [sflag:s18], $0x500  }
0x2b: {  	[sflag:s18] =	ssyncset.done $0x0  }
0x2c: {  	[sflag:s18] =	ssyncadd.s32 $0xFFFFFB00  }
0x2d: {  	_ =	swait.ge [sflag:s19], $0x2800  }
0x2e: {  	[sflag:s19] =	ssyncset.done $0x0  }
0x2f: {  	[sflag:s19] =	ssyncadd.s32 $0xFFFFD800  }
0x30: {  	_ =	swait.ge [sflag:s19], $0x1200  }
0x31: {  	[sflag:s19] =	ssyncset.done $0x0  }
0x32: {  	[sflag:s19] =	ssyncadd.s32 $0xFFFFEE00  }
0x33: {  	_ =	swait.ge [sflag:s19], $0x1200  }
0x34: {  	[sflag:s19] =	ssyncset.done $0x0  }
0x35: {  	[sflag:s19] =	ssyncadd.s32 $0xFFFFEE00  }
0x36: {  	s28 =	simm.s32 $0x0;
	[bflag:$0x0] =	sbarrier.arrive $0xFFFF  }
0x37: {  	[tilespmem:s20], [sflag:$0x1] =	stream.linear.gather [hbm4b:s10+s28], $0x800, $0x38;
	[tilespmem:$0xD400] =	vst v63  }
0x38: {  	_ = 	snop  }
0x39: {  	[tilespmem:s21], [sflag:$0x1] =	stream.linear.gather [hbm4b:s11+s28], $0x800, $0x38;
	[tilespmem:$0xD400] =	vst v63  }
0x3a: {  	p0 =	por $0x0, $0x0  }
0x3b: {  	[tilespmem:s23], [sflag:$0x2] =	stream.indirect.gather [hbm4b:s4+s22], $0x10, s15, s22, $0xb8;
	[tilespmem:$0xD400] =	vst v63  }
.LBB2_5:
0x3c: {  	_ =	swait.ge [sflag:s19], $0x800  }
0x3d: {  	s29 =	smov.u32 s28;
	s30 =	sshll.u32 s28, $0xB;
	s28 =	sadd.s32 $0x1, s28  }
0x3e: {  	[sflag:s19] =	ssyncset.done $0x0;
	p2 =	seq.s32 s29, $0x2A;
	s30 =	sand.u32 $0x800, s30  }
0x3f: {  	[sflag:s19] =	ssyncadd.s32 $0xFFFFF800;
	s31 =	sshll.u32 @!p2 s28, $0x8;
	p3 =	sgt.u32 @!p2 s29, $0x23  }
0x40: {  	s1 =	ssub.s32 @!p2 $0x5800, s30;
	_ =	swait.ge [sflag:s19], $0x800;
	p1 =	por p3, p2  }
0x41: {  	s16 =	simm.s32 @!p2 $0x0;
	[sflag:s19] =	ssyncset.done $0x0;
	p4 =	slt.u32 @!p1 s29, $0x2  }
0x42: {  	s0 =	sadd.s32 @!p2 s10, s31;
	[sflag:s19] =	ssyncadd.s32 $0xFFFFF800;
	p4 =	por @!p2 p4, p3  }
0x43: {  	[tilespmem:s1], [sflag:$0x1] =	stream.linear.gather @!p2 [hbm4b:s0+s16], $0x800, $0x38;
	[tilespmem:$0xD400] =	vst v63  }
0x44: {  	s0 =	ssub.s32 @!p2 $0x6800, s30;
	s1 =	sadd.s32 @!p2 s11, s31;
	p4 =	por p4, p2  }
0x45: {  	[tilespmem:s0], [sflag:$0x1] =	stream.linear.gather @!p2 [hbm4b:s1+s16], $0x800, $0x38;
	[tilespmem:$0xD400] =	vst v63  }
0x46: {  	s1 =	simm.s32 @!p4 $0x3  }
0x47: {  	s0 =	smul.u32 @!p1 $0xAB, s29;
	_ =	swait.ge @!p4 [sflag:s1], $0x800  }
0x48: {  	[sflag:s1] =	ssyncset.done @!p4 $0x0  }
0x49: {  	s0 =	sshrl.u32 @!p1 s0, $0x9;
	[sflag:s1] =	ssyncadd.s32 @!p4 $0xFFFFF800;
	p4 =	seq.s32 @!p1 s29, $0x23  }
0x4a: {  	s0 =	sand.u32 @!p1 $0x7F, s0;
	s1 =	simm.s32 @!p1 $0x2;
	p3 =	por @!p2 p4, p3  }
0x4b: {  	s0 =	smul.u32 @!p1 $0x3, s0;
	_ =	swait.ge @!p1 [sflag:s1], $0x800;
	p2 =	por p3, p2  }
0x4c: {  	s30 =	simm.s32 $0x1;
	[sflag:s1] =	ssyncset.done @!p1 $0x0;
	s16 =	smul.u32 @!p2 $0xAB, s28  }
0x4d: {  	s0 =	ssub.s32 @!p1 s29, s0;
	[sflag:s1] =	ssyncadd.s32 @!p1 $0xFFFFF800;
	s1 =	sshll.u32 @!p1 s29, $0x7  }
0x4e: {  	s29 =	simm.s32 @!p1 $0x80;
	s0 =	sand.u32 @!p1 $0xFF, s0;
	s16 =	sshrl.u32 @!p2 s16, $0x9  }
0x4f: {  	s1 =	sand.u32 @!p1 $0x3FFFFF80, s1;
	s0 =	sshll.u32 @!p1 s0, $0xB;
	s16 =	sand.u32 @!p2 $0x7F, s16  }
0x50: {  	s1 =	sadd.s32 @!p1 $0x8200, s1;
	s0 =	sadd.s32 @!p1 $0x9400, s0;
	s16 =	smul.u32 @!p2 $0x3, s16  }
0x51: {  	[spmem:s2] =	stream.indirect.scatter.add.f32 @!p1 [tilespmem:s0], [sflag:$0x3], $0x10, s1, s29, $0xb8;
	[tilespmem:$0xD400] =	vst v63  }
0x52: {  	s30 =	simm.s32 @!p0 $0x0;
	s0 =	ssub.s32 @!p2 s28, s16  }
0x53: {  	s1 =	sshll.u32 s30, $0xB;
	s16 =	sshll.u32 @!p2 s28, $0x7;
	s0 =	sand.u32 @!p2 $0xFF, s0  }
0x54: {  	s29 =	simm.s32 @!p2 $0x80;
	s16 =	sand.u32 @!p2 $0x3FFFFF80, s16;
	s0 =	sshll.u32 @!p2 s0, $0xB  }
0x55: {  	s31 =	sor.u32 $0x5080, s1;
	s16 =	sadd.s32 @!p2 $0x7000, s16;
	s0 =	sadd.s32 @!p2 $0x9400, s0  }
0x56: {  	[tilespmem:s0], [sflag:$0x2] =	stream.indirect.gather @!p2 [hbm4b:s4+s29], $0x10, s16, s29, $0xb8;
	[tilespmem:$0xD400] =	vst v63  }
0x57: {  	v1 =	vld [tilespmem:s31+$0x70]  }
0x58: {  	v2 =	vld [tilespmem:s31+$0xFFFFFF90]  }
0x59: {  	v3 =	vld [tilespmem:s31+$0xFFFFFFA0]  }
0x5a: {  	v4 =	vld [tilespmem:s31+$0xFFFFFFB0]  }
0x5b: {  	v5 =	vld [tilespmem:s31+$0xFFFFFFC0]  }
0x5c: {  	s29 =	sor.u32 $0x6080, s1;
	v6 =	vld [tilespmem:s31+$0xFFFFFFD0]  }
0x5d: {  	v7 =	vld [tilespmem:s29+$0x70]  }
0x5e: {  	v8 =	vld [tilespmem:s31+$0xFFFFFFE0]  }
0x5f: {  	v9 =	vld [tilespmem:s31+$0xFFFFFFF0]  }
0x60: {  	v10 =	vld [tilespmem:s31+$0x0]  }
0x61: {  	v11 =	vld [tilespmem:s31+$0x10]  }
0x62: {  	v12 =	vld [tilespmem:s31+$0x20]  }
0x63: {  	v13 =	vld [tilespmem:s31+$0x30]  }
0x64: {  	v63 =	vld [tilespmem:s31+$0x50]  }
0x65: {  	v14 =	vld [tilespmem:s31+$0x60]  }
0x66: {  	v15 =	vld [tilespmem:s31+$0xFFFFFF80]  }
0x67: {  	v16 =	vld [tilespmem:s29+$0xFFFFFF80]  }
0x68: {  	v17 =	vld [tilespmem:s29+$0xFFFFFF90]  }
0x69: {  	v18 =	vld [tilespmem:s29+$0xFFFFFFA0]  }
0x6a: {  	v19 =	vld [tilespmem:s29+$0xFFFFFFB0]  }
0x6b: {  	v20 =	vld [tilespmem:s29+$0xFFFFFFC0]  }
0x6c: {  	v21 =	vld [tilespmem:s29+$0xFFFFFFD0]  }
0x6d: {  	v22 =	vld [tilespmem:s29+$0xFFFFFFE0]  }
0x6e: {  	v23 =	vld [tilespmem:s29+$0xFFFFFFF0]  }
0x6f: {  	v24 =	vld [tilespmem:s29+$0x0]  }
0x70: {  	v25 =	vld [tilespmem:s29+$0x10]  }
0x71: {  	v26 =	vld [tilespmem:s29+$0x20]  }
0x72: {  	v27 =	vld [tilespmem:s29+$0x30]  }
0x73: {  	v28 =	vld [tilespmem:s29+$0x40]  }
0x74: {  	v29 =	vld [tilespmem:s29+$0x50]  }
0x75: {  	v30 =	vld [tilespmem:s29+$0x60]  }
0x76: {  	v1 =	vld.idx.msk [tilespmem:v1+s3+$0x0], $0xffff  }
0x77: {  	v2 =	vld.idx.msk [tilespmem:v2+s3+$0x0], $0xffff  }
0x78: {  	v3 =	vld.idx.msk [tilespmem:v3+s3+$0x0], $0xffff  }
0x79: {  	v4 =	vld.idx.msk [tilespmem:v4+s3+$0x0], $0xffff  }
0x7a: {  	v5 =	vld.idx.msk [tilespmem:v5+s3+$0x0], $0xffff  }
0x7b: {  	v6 =	vld.idx.msk [tilespmem:v6+s3+$0x0], $0xffff  }
0x7c: {  	v8 =	vld.idx.msk [tilespmem:v8+s3+$0x0], $0xffff  }
0x7d: {  	v9 =	vld.idx.msk [tilespmem:v9+s3+$0x0], $0xffff  }
0x7e: {  	v15 =	vld.idx.msk [tilespmem:v15+s3+$0x0], $0xffff  }
0x7f: {  	v10 =	vld.idx.msk [tilespmem:v10+s3+$0x0], $0xffff  }
0x80: {  	v11 =	vld.idx.msk [tilespmem:v11+s3+$0x0], $0xffff  }
0x81: {  	v12 =	vld.idx.msk [tilespmem:v12+s3+$0x0], $0xffff  }
0x82: {  	v13 =	vld.idx.msk [tilespmem:v13+s3+$0x0], $0xffff  }
0x83: {  	v14 =	vld.idx.msk [tilespmem:v14+s3+$0x0], $0xffff  }
0x84: {  	[tilespmem:v7+s24+$0x0] =	vst.idx.add.f32.msk $0xffff, v1  }
0x85: {  	v1 =	vld [tilespmem:s31+$0x40]  }
0x86: {  	v7 =	vld.idx.msk [tilespmem:v63+s3+$0x0], $0xffff  }
0x87: {  	[tilespmem:v16+s24+$0x0] =	vst.idx.add.f32.msk $0xffff, v15  }
0x88: {  	[tilespmem:v17+s24+$0x0] =	vst.idx.add.f32.msk $0xffff, v2  }
0x89: {  	[tilespmem:v18+s24+$0x0] =	vst.idx.add.f32.msk $0xffff, v3  }
0x8a: {  	[tilespmem:v19+s24+$0x0] =	vst.idx.add.f32.msk $0xffff, v4  }
0x8b: {  	[tilespmem:v20+s24+$0x0] =	vst.idx.add.f32.msk $0xffff, v5  }
0x8c: {  	[tilespmem:v21+s24+$0x0] =	vst.idx.add.f32.msk $0xffff, v6  }
0x8d: {  	[tilespmem:v22+s24+$0x0] =	vst.idx.add.f32.msk $0xffff, v8  }
0x8e: {  	[tilespmem:v23+s24+$0x0] =	vst.idx.add.f32.msk $0xffff, v9  }
0x8f: {  	[tilespmem:v24+s24+$0x0] =	vst.idx.add.f32.msk $0xffff, v10  }
0x90: {  	[tilespmem:v25+s24+$0x0] =	vst.idx.add.f32.msk $0xffff, v11  }
0x91: {  	v1 =	vld.idx.msk [tilespmem:v1+s3+$0x0], $0xffff  }
0x92: {  	[tilespmem:v26+s24+$0x0] =	vst.idx.add.f32.msk $0xffff, v12  }
0x93: {  	[tilespmem:v27+s24+$0x0] =	vst.idx.add.f32.msk $0xffff, v13  }
0x94: {  	[tilespmem:v30+s24+$0x0] =	vst.idx.add.f32.msk $0xffff, v14  }
0x95: {  	[tilespmem:v29+s24+$0x0] =	vst.idx.add.f32.msk $0xffff, v7  }
0x96: {  	s30 =	simm.s32 $0x0;
	s31 =	sadd.s32 $0x100, s31;
	[tilespmem:v28+s24+$0x0] =	vst.idx.add.f32.msk $0xffff, v1  }
.LBB2_6:
0x97: {  	v1 =	vld [tilespmem:s31+$0x70];
	s30 =	sadd.s32 $0x10, s30  }
0x98: {  	v2 =	vld [tilespmem:s31+$0xFFFFFF90];
	p1 =	slt.u32 s30, $0x70  }
0x99: {  	v3 =	vld [tilespmem:s31+$0xFFFFFFA0]  }
0x9a: {  	v4 =	vld [tilespmem:s31+$0xFFFFFFB0]  }
0x9b: {  	v5 =	vld [tilespmem:s31+$0xFFFFFFC0]  }
0x9c: {  	s29 =	sadd.s32 $0x100, s29;
	v6 =	vld [tilespmem:s31+$0xFFFFFFD0]  }
0x9d: {  	v7 =	vld [tilespmem:s29+$0x70]  }
0x9e: {  	v8 =	vld [tilespmem:s31+$0xFFFFFFE0]  }
0x9f: {  	v1 =	vld.idx.msk [tilespmem:v1+s3+$0x0], $0xffff  }
0xa0: {  	v9 =	vld [tilespmem:s31+$0xFFFFFFF0]  }
0xa1: {  	v10 =	vld [tilespmem:s31+$0x0]  }
0xa2: {  	v11 =	vld [tilespmem:s31+$0x10]  }
0xa3: {  	v12 =	vld [tilespmem:s31+$0x20]  }
0xa4: {  	v13 =	vld [tilespmem:s31+$0x30]  }
0xa5: {  	[tilespmem:v7+s24+$0x0] =	vst.idx.add.f32.msk $0xffff, v1  }
0xa6: {  	v1 =	vld [tilespmem:s31+$0x40]  }
0xa7: {  	v7 =	vld [tilespmem:s31+$0x50]  }
0xa8: {  	v14 =	vld [tilespmem:s31+$0x60]  }
0xa9: {  	v15 =	vld [tilespmem:s31+$0xFFFFFF80]  }
0xaa: {  	v2 =	vld.idx.msk [tilespmem:v2+s3+$0x0], $0xffff  }
0xab: {  	v3 =	vld.idx.msk [tilespmem:v3+s3+$0x0], $0xffff  }
0xac: {  	v4 =	vld.idx.msk [tilespmem:v4+s3+$0x0], $0xffff  }
0xad: {  	v5 =	vld.idx.msk [tilespmem:v5+s3+$0x0], $0xffff  }
0xae: {  	v6 =	vld.idx.msk [tilespmem:v6+s3+$0x0], $0xffff  }
0xaf: {  	v8 =	vld.idx.msk [tilespmem:v8+s3+$0x0], $0xffff  }
0xb0: {  	v9 =	vld.idx.msk [tilespmem:v9+s3+$0x0], $0xffff  }
0xb1: {  	v15 =	vld.idx.msk [tilespmem:v15+s3+$0x0], $0xffff  }
0xb2: {  	v10 =	vld.idx.msk [tilespmem:v10+s3+$0x0], $0xffff  }
0xb3: {  	v11 =	vld.idx.msk [tilespmem:v11+s3+$0x0], $0xffff  }
0xb4: {  	v12 =	vld.idx.msk [tilespmem:v12+s3+$0x0], $0xffff  }
0xb5: {  	v13 =	vld.idx.msk [tilespmem:v13+s3+$0x0], $0xffff  }
0xb6: {  	v1 =	vld.idx.msk [tilespmem:v1+s3+$0x0], $0xffff  }
0xb7: {  	v7 =	vld.idx.msk [tilespmem:v7+s3+$0x0], $0xffff  }
0xb8: {  	v14 =	vld.idx.msk [tilespmem:v14+s3+$0x0], $0xffff  }
0xb9: {  	v16 =	vld [tilespmem:s29+$0xFFFFFF80]  }
0xba: {  	v17 =	vld [tilespmem:s29+$0xFFFFFF90]  }
0xbb: {  	v18 =	vld [tilespmem:s29+$0xFFFFFFA0]  }
0xbc: {  	v19 =	vld [tilespmem:s29+$0xFFFFFFB0]  }
0xbd: {  	v20 =	vld [tilespmem:s29+$0xFFFFFFC0]  }
0xbe: {  	v21 =	vld [tilespmem:s29+$0xFFFFFFD0]  }
0xbf: {  	v22 =	vld [tilespmem:s29+$0xFFFFFFE0]  }
0xc0: {  	v23 =	vld [tilespmem:s29+$0xFFFFFFF0]  }
0xc1: {  	v24 =	vld [tilespmem:s29+$0x0]  }
0xc2: {  	v25 =	vld [tilespmem:s29+$0x10]  }
0xc3: {  	v26 =	vld [tilespmem:s29+$0x20]  }
0xc4: {  	v27 =	vld [tilespmem:s29+$0x30]  }
0xc5: {  	v28 =	vld [tilespmem:s29+$0x40]  }
0xc6: {  	v29 =	vld [tilespmem:s29+$0x50]  }
0xc7: {  	v30 =	vld [tilespmem:s29+$0x60]  }
0xc8: {  	[tilespmem:v16+s24+$0x0] =	vst.idx.add.f32.msk $0xffff, v15  }
0xc9: {  	[tilespmem:v17+s24+$0x0] =	vst.idx.add.f32.msk $0xffff, v2  }
0xca: {  	[tilespmem:v18+s24+$0x0] =	vst.idx.add.f32.msk $0xffff, v3  }
0xcb: {  	[tilespmem:v19+s24+$0x0] =	vst.idx.add.f32.msk $0xffff, v4  }
0xcc: {  	[tilespmem:v20+s24+$0x0] =	vst.idx.add.f32.msk $0xffff, v5  }
0xcd: {  	[tilespmem:v21+s24+$0x0] =	vst.idx.add.f32.msk $0xffff, v6  }
0xce: {  	[tilespmem:v22+s24+$0x0] =	vst.idx.add.f32.msk $0xffff, v8  }
0xcf: {  	[tilespmem:v23+s24+$0x0] =	vst.idx.add.f32.msk $0xffff, v9  }
0xd0: {  	[tilespmem:v24+s24+$0x0] =	vst.idx.add.f32.msk $0xffff, v10  }
0xd1: {  	[tilespmem:v25+s24+$0x0] =	vst.idx.add.f32.msk $0xffff, v11  }
.Ltmp1:
0xd2: {  	[tilespmem:v26+s24+$0x0] =	vst.idx.add.f32.msk $0xffff, v12;
	(pc) =	sbr.rel @p1 .LBB2_6-.Ltmp1, $4  }
0xd3: {  	[tilespmem:v27+s24+$0x0] =	vst.idx.add.f32.msk $0xffff, v13  }
0xd4: {  	[tilespmem:v28+s24+$0x0] =	vst.idx.add.f32.msk $0xffff, v1  }
0xd5: {  	[tilespmem:v29+s24+$0x0] =	vst.idx.add.f32.msk $0xffff, v7  }
0xd6: {  	s31 =	sadd.s32 $0x100, s31;
	[tilespmem:v30+s24+$0x0] =	vst.idx.add.f32.msk $0xffff, v14  }
0xd7: {  	p1 =	seq.s32 s28, $0x2B  }
.Ltmp2:
0xd8: {  	_ = 	snop;
	(pc) =	sbr.rel @!p1 .LBB2_5-.Ltmp2, $2  }
0xd9: {  	_ =	sdelay $0x2  }
0xda: {  	p0 =	por !p0, !p0  }
0xdb: {  	_ =	swait.ge [sflag:s25], $0x800  }
0xdc: {  	[sflag:s25] =	ssyncset.done $0x0  }
0xdd: {  	[sflag:s25] =	ssyncadd.s32 $0xFFFFF800  }
0xde: {  	_ =	swait.ge [sflag:s25], $0x800  }
0xdf: {  	[sflag:s25] =	ssyncset.done $0x0  }
0xe0: {  	[sflag:s25] =	ssyncadd.s32 $0xFFFFF800  }
0xe1: {  	[bflag:$0x0] =	sbarrier.arrive $0xFFFF  }
0xe2: {  	[hbm4b:s13+s3] =	stream.linear.scatter [tilespmem:s24], [sflag:$0x4], $0x2800, $0x38;
	[tilespmem:$0xD400] =	vst v63  }
0xe3: {  	s26 =	sadd.s32 $0x1, s26;
	_ =	swait.ge [sflag:s18], $0x2800  }
0xe4: {  	p0 =	sne.s32 s26, s12;
	[sflag:s18] =	ssyncset.done $0x0  }
.Ltmp3:
0xe5: {  	[sflag:s18] =	ssyncadd.s32 $0xFFFFD800;
	(pc) =	sbr.rel @p0 .LBB2_1-.Ltmp3, $4  }
0xe6: {  	[hbm:s14], [sflag:s9] =	dma.local [spmem:s17], $0x500  }
0xe7: {  	_ =	swait.ge [sflag:s18], $0x500  }
0xe8: {  	[sflag:s18] =	ssyncset.done $0x0  }
0xe9: {  	[sflag:s18] =	ssyncadd.s32 $0xFFFFFB00  }
0xea: {  	_ =	sfence.sel $0x180000  }
0xeb: {  	[bflag:$0x0] =	sbarrier.arrive $0xFFFF  }
0xec: {  	_ =	strace $0x9000004A  }
0xed: {  	s0 =	stileid.u32;
	[bflag:$0x2] =	sbarrier.arrive $0xFFFF  }
0xee: {  	p0 =	sne.s32 s0, $0x0;
	s0 =	rddreg [dreg:$0x3]  }
0xef: {  	s0 =	sadd.s32 @!p0 $0x100000, s0  }
0xf0: {  	[sflag:s0] =	ssyncadd.tile.s32 @!p0 $0x1;
	_ =	shalt  }
.Lfunc_end2:
_tile_overlayer_lowered:
.L_overlay_start_2:
0xf1: {  	(tag) =	ssettag $0x2  }
0xf2: {  	s0 =	rddreg [dreg:$0x0];
	s2 =	stileid.u32  }
0xf3: {  	s1 =	rddreg [dreg:$0x1];
	p0 =	sne.s32 s2, $0x0  }
0xf4: {  	s3 =	rddreg [dreg:$0x2];
	[bflag:$0x3] =	sbarrier.arrive $0xFFFF;
	s2 =	simm.s32 @!p0 $0x1C04  }
0xf5: {  	[timem:s3], [sflag:s2] =	dma.local @!p0 [hbm:s0], s1  }
0xf6: {  	s0 =	simm.s32 @!p0 $0x4  }
0xf7: {  	_ =	swait.ge @!p0 [sflag:s0], s1  }
0xf8: {  	s1 =	ssub.s32 @!p0 $0x0, s1;
	[sflag:s0] =	ssyncset.done @!p0 $0x0  }
0xf9: {  	[sflag:s0] =	ssyncadd.s32 @!p0 s1  }
0xfa: {  	[bflag:$0x3] =	sbarrier.arrive $0xFFFF  }
0xfb: {  	_ =	shalt  }

// kernel: kernel.14.cloned.1.call-start
scs
__scs_entry_jumppad:
0x0: {  	(pc) =	sbr.rel $0x88, $3  }
0x1: {  	(tag) =	ssettag $0x0;
	lr =	simm.s32 $0x1  }
0x2: {  	[smem:$0x3F9B] =	sst lr;
	_ =	strace $0xD0000000  }
0x3: {  	_ = 	snop  }
0x4: {  	_ = 	snop  }
0x5: {  	_ = 	snop  }
0x6: {  	_ = 	snop  }
0x7: {  	_ = 	snop  }
__scs_overlays_trampoline_lowered:
0x8: {  	[smem:$0x3FAA] =	sst s0  }
0x9: {  	[smem:$0x3FAB] =	sst s1  }
0xa: {  	[smem:$0x3FAC] =	sst s2  }
0xb: {  	[smem:$0x3FAD] =	sst s3  }
0xc: {  	[smem:$0x3FAE] =	sst s4  }
0xd: {  	[smem:$0x3FAF] =	sst s5  }
0xe: {  	[smem:$0x3FB0] =	sst s6  }
0xf: {  	[smem:$0x3FB1] =	sst s7  }
0x10: {  	[smem:$0x3FB2] =	sst s8  }
0x11: {  	[smem:$0x3FB3] =	sst s9;
	s0 =	simm.s32 @!p0 $0x0  }
0x12: {  	s1 =	sld [smem:$0x3F99];
	s0 =	simm.s32 @p0 $0x1  }
0x13: {  	[smem:$0x3FB4] =	sst s0;
	s0 =	simm.s32 @!p1 $0x0  }
0x14: {  	s2 =	sld [smem:$0x3F98];
	s0 =	simm.s32 @p1 $0x1  }
0x15: {  	[smem:$0x3FB5] =	sst s0;
	s0 =	simm.s32 @!p2 $0x0  }
0x16: {  	s3 =	sld [smem:$0x3FDB];
	s0 =	simm.s32 @p2 $0x1  }
0x17: {  	s4 =	simm.s32 $0x1BF5;
	[smem:$0x3FB7] =	sst s0  }
0x18: {  	s0 =	sld [smem:$0x3F9A];
	_ =	swait.ge [sflag:s4], $0x0  }
0x19: {  	s7 =	sld [smem:$0x3F9B]  }
0x1a: {  	s8 =	sadd.s32 $0xFFFFE003, lr  }
0x1b: {  	s9 =	sadd.s32 $0xFFFFFEF7, lr;
	s5 =	simm.s32 $0xFFFFFFFF;
	p2 =	slt.u32 s8, $0xFFFFF086  }
0x1c: {  	p1 =	slt.u32 s9, $0xF7A;
	s5 =	simm.s32 @!p2 $0x0  }
0x1d: {  	s5 =	simm.s32 @p1 $0x1;
	p0 =	seq.s32 s7, s2  }
0x1e: {  	s7 =	smul.u32 @!p0 $0xF7A, s2;
	p2 =	seq.s32 @!p0 s5, $0x0  }
0x1f: {  	s9 =	smul.u32 $0xF7A, s1;
	s8 =	simm.s32 @!p0 $0x1BF5;
	p2 =	por !p2, p0  }
0x20: {  	[sflag:s8] =	ssyncset.s32 @!p0 $0xFFFFF086;
	s6 =	sadd.s32 @!p0 s3, s7;
	s7 =	simm.s32 @!p0 $0x108  }
0x21: {  	s3 =	sadd.s32 s3, s9;
	s6 =	sadd.s32 @!p0 $0x88, s6;
	s7 =	simm.s32 @p2 $0x1082  }
0x22: {  	[simem:s7], [sflag:s8] =	dma.local @!p0 [hbm:s6], $0xF7A  }
0x23: {  	s9 =	sor.u32 $0xD0000000, s2;
	s6 =	simm.s32 $0x108;
	_ =	swait.ge @!p0 [sflag:s8], $0x0  }
0x24: {  	s3 =	sadd.s32 $0x88, s3;
	s6 =	simm.s32 @!p1 $0x1082;
	[sflag:s4] =	ssyncset.s32 $0xFFFFF086  }
0x25: {  	[simem:s6], [sflag:s4] =	dma.local [hbm:s3], $0xF7A  }
0x26: {  	[smem:$0x3F9B] =	sst s1;
	(tag) =	ssettag s2;
	_ =	strace s9  }
0x27: {  	s1 =	sld [smem:$0x3FAB]  }
0x28: {  	s2 =	sld [smem:$0x3FAC]  }
0x29: {  	s4 =	sld [smem:$0x3FAE]  }
0x2a: {  	p0 =	seq.s32 s5, $0x0;
	s5 =	sld [smem:$0x3FAF]  }
0x2b: {  	s6 =	sld [smem:$0x3FB0]  }
0x2c: {  	s7 =	sld [smem:$0x3FB1]  }
0x2d: {  	s3 =	simm.s32 $0x108;
	s8 =	sld [smem:$0x3FB2]  }
0x2e: {  	s3 =	simm.s32 @!p0 $0x1082;
	s9 =	sld [smem:$0x3FB3]  }
0x2f: {  	lr =	sadd.s32 s0, s3;
	s0 =	sld [smem:$0x3FAA]  }
0x30: {  	s3 =	sld [smem:$0x3FAD]  }
0x31: {  	[smem:$0x3FB6] =	sst s10  }
0x32: {  	s10 =	sld [smem:$0x3FB4];
	_ =	sdelay $0x3  }
0x33: {  	p0 =	seq.s32 s10, $0x1;
	s10 =	sld [smem:$0x3FB6];
	_ =	sdelay $0x3  }
0x34: {  	[smem:$0x3FB6] =	sst s10  }
0x35: {  	s10 =	sld [smem:$0x3FB5];
	_ =	sdelay $0x3  }
0x36: {  	p1 =	seq.s32 s10, $0x1;
	s10 =	sld [smem:$0x3FB6];
	_ =	sdelay $0x3  }
0x37: {  	[smem:$0x3FB6] =	sst s10  }
0x38: {  	s10 =	sld [smem:$0x3FB7]  }
0x39: {  	_ = 	snop;
	(pc) =	sbr.ind lr, $3  }
0x3a: {  	_ = 	snop  }
0x3b: {  	_ = 	snop  }
0x3c: {  	p2 =	seq.s32 s10, $0x1;
	s10 =	sld [smem:$0x3FB6]  }
0x3d: {  	_ =	shalt  }
0x3e: {  	_ =	shalt  }
0x3f: {  	_ =	shalt  }
0x40: {  	_ =	shalt  }
0x41: {  	_ =	shalt  }
0x42: {  	_ =	shalt  }
0x43: {  	_ =	shalt  }
0x44: {  	_ =	shalt  }
0x45: {  	_ =	shalt  }
0x46: {  	_ =	shalt  }
0x47: {  	_ =	shalt  }
0x48: {  	_ =	shalt  }
0x49: {  	_ =	shalt  }
0x4a: {  	_ =	shalt  }
0x4b: {  	_ =	shalt  }
0x4c: {  	_ =	shalt  }
0x4d: {  	_ =	shalt  }
0x4e: {  	_ =	shalt  }
0x4f: {  	_ =	shalt  }
0x50: {  	_ =	shalt  }
0x51: {  	_ =	shalt  }
0x52: {  	_ =	shalt  }
0x53: {  	_ =	shalt  }
0x54: {  	_ =	shalt  }
0x55: {  	_ =	shalt  }
0x56: {  	_ =	shalt  }
0x57: {  	_ =	shalt  }
0x58: {  	_ =	shalt  }
0x59: {  	_ =	shalt  }
0x5a: {  	_ =	shalt  }
0x5b: {  	_ =	shalt  }
0x5c: {  	_ =	shalt  }
0x5d: {  	_ =	shalt  }
0x5e: {  	_ =	shalt  }
0x5f: {  	_ =	shalt  }
0x60: {  	_ =	shalt  }
0x61: {  	_ =	shalt  }
0x62: {  	_ =	shalt  }
0x63: {  	_ =	shalt  }
0x64: {  	_ =	shalt  }
0x65: {  	_ =	shalt  }
0x66: {  	_ =	shalt  }
0x67: {  	_ =	shalt  }
0x68: {  	_ =	shalt  }
0x69: {  	_ =	shalt  }
0x6a: {  	_ =	shalt  }
0x6b: {  	_ =	shalt  }
0x6c: {  	_ =	shalt  }
0x6d: {  	_ =	shalt  }
0x6e: {  	_ =	shalt  }
0x6f: {  	_ =	shalt  }
0x70: {  	_ =	shalt  }
0x71: {  	_ =	shalt  }
0x72: {  	_ =	shalt  }
0x73: {  	_ =	shalt  }
0x74: {  	_ =	shalt  }
0x75: {  	_ =	shalt  }
0x76: {  	_ =	shalt  }
0x77: {  	_ =	shalt  }
0x78: {  	_ =	shalt  }
0x79: {  	_ =	shalt  }
0x7a: {  	_ =	shalt  }
0x7b: {  	_ =	shalt  }
0x7c: {  	_ =	shalt  }
0x7d: {  	_ =	shalt  }
0x7e: {  	_ =	shalt  }
0x7f: {  	_ =	shalt  }
0x80: {  	_ =	shalt  }
0x81: {  	_ =	shalt  }
0x82: {  	_ =	shalt  }
0x83: {  	_ =	shalt  }
0x84: {  	_ =	shalt  }
0x85: {  	_ =	shalt  }
0x86: {  	_ =	shalt  }
0x87: {  	_ =	shalt  }
.Lfunc_end0:
.L_simem_size_0:
called_computation.2_lowered:
.L_overlay_start_0:
0x88: {  	s2 =	sld [smem:$0x3FD9]  }
0x89: {  	s3 =	sld [smem:$0x3FFE];
	_ =	sdelay $0x1  }
0x8a: {  	s1 =	srdreg.scid  }
0x8b: {  	s0 =	sand.u32 $0x1, s1  }
0x8c: {  	s17 =	sshll.u32 s0, $0xA;
	s2 =	sadd.s32 s3, s2  }
0x8d: {  	s2 =	sadd.s32 s2, s17  }
0x8e: {  	[smem:$0x3FC2] =	sst s2  }
0x8f: {  	_ = 	snop  }
0x90: {  	s2 =	sld [smem:$0x3FD0];
	(tm) =	ssettm $0x1  }
0x91: {  	s18 =	sld [smem:$0x3FFB];
	_ =	sdelay $0x3  }
0x92: {  	_ =	strace s18  }
0x93: {  	s3 =	sld [smem:$0x3FFC];
	_ =	sdelay $0x3  }
0x94: {  	_ =	strace s3  }
0x95: {  	s3 =	sld [smem:$0x3FFD];
	_ =	sdelay $0x3  }
0x96: {  	_ =	strace s3  }
0x97: {  	_ =	strace $0x8FFFFFFF  }
0x98: {  	s19 =	sld [smem:$0x3FDB];
	_ =	sdelay $0x1  }
0x99: {  	s4 =	simm.s32 $_scs_section_size  }
0x9a: {  	s5 =	simm.s32 $_size__tile_overlayer_lowered;
	s6 =	simm.s32 $_tile_overlayer_lowered  }
0x9b: {  	s22 =	simm.s32 $0x1BFF;
	s21 =	sshll.u32 s6, $0x1;
	s3 =	sadd.s32 s4, s19  }
0x9c: {  	s7 =	simm.s32 $0x0;
	s20 =	sshll.u32 s5, $0x1;
	s5 =	sadd.s32 s21, s3  }
0x9d: {  	[timem:s7], [sflag:s22] =	dma.local [hbm:s5], s20  }
0x9e: {  	_ =	swait.ge [sflag:s22], s20  }
0x9f: {  	s4 =	ssub.s32 $0x0, s20;
	[sflag:s22] =	ssyncset.done $0x0  }
0xa0: {  	[sflag:s22] =	ssyncadd.s32 s4;
	_ =	sdelay $0x1  }
0xa1: {  	s23 =	simm.s32 $0x1B8B  }
0xa2: {  	_ =	swait.ge [sflag:s23], $0x1  }
0xa3: {  	[sflag:s23] =	ssyncset.done $0x0  }
0xa4: {  	s25 =	simm.s32 $0x1B8E;
	s24 =	sld [smem:$0x3FFE];
	[sflag:s23] =	ssyncadd.s32 $0xFFFFFFFF  }
0xa5: {  	s26 =	simm.s32 $execute0_lowered;
	[smem:$0x3FD2] =	sst s25  }
0xa6: {  	s5 =	sshll.u32 s26, $0x1;
	_ =	strace $0x8000004C;
	[dreg:$0x1] =	wrdreg $0xFFFFFFFF  }
0xa7: {  	s28 =	simm.s32 $_size_execute0_lowered;
	s3 =	sadd.s32 s3, s5;
	[dreg:$0x0] =	wrdreg $0x0  }
0xa8: {  	s5 =	sshll.u32 s28, $0x1;
	[dreg:$0x2] =	wrdreg s3  }
0xa9: {  	[dreg:$0x3] =	wrdreg s5  }
0xaa: {  	[dreg:$0x4] =	wrdreg $0xC0  }
0xab: {  	_ =	task [dreg:s7], $0x5FFFF  }
0xac: {  	[dreg:$0x1] =	wrdreg $0xFFFFFFFF  }
0xad: {  	[dreg:$0x0] =	wrdreg $0x60  }
0xae: {  	[dreg:$0x2] =	wrdreg s24  }
0xaf: {  	[dreg:$0x3] =	wrdreg s2  }
0xb0: {  	[dreg:$0x4] =	wrdreg $0xAC000  }
0xb1: {  	[dreg:$0x5] =	wrdreg $0x9  }
0xb2: {  	_ =	task.clear_ibuf [dreg:s7], $0x6FFFF;
	_ =	strace $0x9000004C  }
0xb3: {  	s29 =	simm.s32 $0x9;
	_ =	strace $0x8000004E  }
0xb4: {  	_ =	swait.ge [sflag:s29], $0x1  }
0xb5: {  	[sflag:s29] =	ssyncadd.s32 $0xFFFFFFFF  }
0xb6: {  	_ =	strace $0x9000004E  }
0xb7: {  	_ =	sfence  }
0xb8: {  	s30 =	sld [smem:$0x0];
	_ =	sdelay $0x2  }
0xb9: {  	s31 =	sshll.u32 s1, $0xD;
	s1 =	sshrl.u32 s1, $0x2  }
0xba: {  	s3 =	sand.u32 $0x4000, s31;
	s1 =	sadd.s32 s1, s30  }
0xbb: {  	s0 =	sor.u32 s3, s0;
	s1 =	sshll.u32 s1, $0x11  }
0xbc: {  	s0 =	sor.u32 s1, s0  }
0xbd: {  	s0 =	sadd.s32 $0x8F2B, s0  }
0xbe: {  	[sflag:s0] =	ssyncadd.remote.s32 $0x1  }
0xbf: {  	_ =	sfence.sel $0xFFFF  }
0xc0: {  	[dreg:$0x0] =	wrdreg $0xFFFFFFFF;
	(pc) =	sbr.abs _section_cstart, $3  }
0xc1: {  	[dreg:$0x1] =	wrdreg $0xFFFFFFFF  }
0xc2: {  	_ =	task.clear_ibuf [dreg:s7], $0x2FFFF;
	_ =	strace $0x9FFFFFFF  }
0xc3: {  	(tm) =	ssettm $0x7FFFFFFF  }
tec
execute0_lowered:
.L_overlay_start_1:
0x0: {  	(tag) =	ssettag $0x1  }
0x1: {  	s6 =	rddreg [dreg:$0x0]  }
0x2: {  	s0 =	srdreg.scid;
	s7 =	rddreg [dreg:$0x1]  }
0x3: {  	s28 =	stileid.u32;
	s2 =	rddreg [dreg:$0x2];
	s3 =	simm.s32 $0x0  }
0x4: {  	s21 =	simm.s32 $0x6000;
	s22 =	simm.s32 $0x80;
	s23 =	simm.s32 $0x9400  }
0x5: {  	s24 =	simm.s32 $0x2800;
	s25 =	simm.s32 $0x3;
	s5 =	smul.u32 $0x1200, s28  }
0x6: {  	s26 =	simm.s32 $0x0;
	s12 =	sand.u32 $0x1, s0;
	s13 =	smul.u32 $0x500, s28  }
0x7: {  	[smem:$0x7FF] =	sst s3;
	s14 =	sadd.s32 $0x2C400, s6;
	s30 =	smul.u32 $0x2800, s28  }
0x8: {  	s16 =	sadd.s32 $0x27400, s6;
	s17 =	sadd.s32 $0x22400, s6;
	s4 =	smul.u32 $0x12000, s12  }
0x9: {  	s19 =	sadd.s32 $0x1D400, s6;
	s31 =	sshll.u32 s28, $0x6;
	s8 =	smul.u32 $0x2B00, s12  }
0xa: {  	_ =	strace $0x8000004D;
	s15 =	ssub.s32 $0x2, s12;
	p0 =	seq.s32 s12, $0x1  }
0xb: {  	s10 =	sadd.s32 s13, s6;
	s18 =	sshrl.u32 s15, $0x1;
	s20 =	sadd.s32 s30, s2  }
0xc: {  	s14 =	smov.u32 @p0 s16;
	s17 =	smov.u32 @p0 s19;
	s19 =	simm.s32 $0x1  }
0xd: {  	s5 =	sadd.s32 s5, s4;
	s4 =	sadd.s32 $0x3600, s6;
	s11 =	sadd.s32 s8, s6  }
0xe: {  	s15 =	ssub.s32 s15, s18;
	s18 =	sshrl.u32 s30, $0x3;
	s13 =	sadd.s32 s14, s13  }
0xf: {  	s9 =	sshrl.u32 s5, $0x3;
	s5 =	sadd.s32 $0xD600, s6;
	s12 =	smax.u32 s15, $0x1  }
0x10: {  	s14 =	sadd.s32 s17, s18;
	s15 =	simm.s32 $0x7000;
	s17 =	sshrl.u32 s20, $0x3  }
0x11: {  	s18 =	simm.s32 $0x4;
	s20 =	simm.s32 $0x5000;
	s29 =	sadd.s32 s9, s6  }
0x12: {  	s6 =	sadd.s32 $0x8600, s10;
	s7 =	sadd.s32 s7, s9;
	s9 =	sor.u32 $0x1C04, s31  }
0x13: {  	v0 =	vimm.f32 $0.0e+00;
	s10 =	sadd.s32 $0x17E00, s11;
	s11 =	sadd.s32 $0xE000, s11;
	s8 =	sadd.s32 $0x13600, s29  }
.LBB2_1:
0x14: {  	[tilespmem:s3], [sflag:$0x1] =	stream.linear.gather [hbm4b:s6+s3], $0x2800, $0x38;
	[tilespmem:$0xD400] =	vst v63  }
0x15: {  	_ = 	snop  }
0x16: {  	[tilespmem:s15], [sflag:$0x1] =	stream.linear.gather [hbm4b:s7+s3], $0x1200, $0x38;
	[tilespmem:$0xD400] =	vst v63  }
0x17: {  	s0 =	simm.s32 $0x8200;
	s28 =	simm.s32 $0x0;
	s29 =	simm.s32 $0x200  }
0x18: {  	[tilespmem:s0], [sflag:$0x1] =	stream.linear.gather [hbm4b:s8+s3], $0x1200, $0x38;
	[tilespmem:$0xD400] =	vst v63  }
.LBB2_2:
0x19: {  	p0 =	sne.s32 s29, $0x9E00;
	[tilespmem:s28+$0x2870] =	vst v0  }
0x1a: {  	[tilespmem:s28+$0x2800] =	vst v0  }
0x1b: {  	[tilespmem:s28+$0x2810] =	vst v0  }
.Ltmp0:
0x1c: {  	[tilespmem:s28+$0x2820] =	vst v0;
	(pc) =	sbr.rel @p0 .LBB2_2-.Ltmp0, $4  }
0x1d: {  	[tilespmem:s28+$0x2830] =	vst v0  }
0x1e: {  	[tilespmem:s28+$0x2840] =	vst v0  }
0x1f: {  	[tilespmem:s28+$0x2850] =	vst v0  }
0x20: {  	[tilespmem:s28+$0x2860] =	vst v0;
	s28 =	sshra.s32 s29, $0x2;
	s29 =	sadd.s32 $0x200, s29  }
0x21: {  	[tilespmem:s28+$0x2870] =	vst v0  }
0x22: {  	[tilespmem:s28+$0x2800] =	vst v0  }
0x23: {  	[tilespmem:s28+$0x2810] =	vst v0  }
0x24: {  	[tilespmem:s28+$0x2820] =	vst v0  }
0x25: {  	[tilespmem:s28+$0x2830] =	vst v0  }
0x26: {  	[tilespmem:s28+$0x2840] =	vst v0  }
0x27: {  	[tilespmem:s28+$0x2850] =	vst v0  }
0x28: {  	[tilespmem:s28+$0x2860] =	vst v0  }
0x29: {  	[spmem:s17], [sflag:s9] =	dma.local [hbm:s5], $0x500  }
0x2a: {  	_ =	swait.ge [sflag:s18], $0x500  }
0x2b: {  	[sflag:s18] =	ssyncset.done $0x0  }
0x2c: {  	[sflag:s18] =	ssyncadd.s32 $0xFFFFFB00  }
0x2d: {  	_ =	swait.ge [sflag:s19], $0x2800  }
0x2e: {  	[sflag:s19] =	ssyncset.done $0x0  }
0x2f: {  	[sflag:s19] =	ssyncadd.s32 $0xFFFFD800  }
0x30: {  	_ =	swait.ge [sflag:s19], $0x1200  }
0x31: {  	[sflag:s19] =	ssyncset.done $0x0  }
0x32: {  	[sflag:s19] =	ssyncadd.s32 $0xFFFFEE00  }
0x33: {  	_ =	swait.ge [sflag:s19], $0x1200  }
0x34: {  	[sflag:s19] =	ssyncset.done $0x0  }
0x35: {  	[sflag:s19] =	ssyncadd.s32 $0xFFFFEE00  }
0x36: {  	s28 =	simm.s32 $0x0;
	[bflag:$0x0] =	sbarrier.arrive $0xFFFF  }
0x37: {  	[tilespmem:s20], [sflag:$0x1] =	stream.linear.gather [hbm4b:s10+s28], $0x800, $0x38;
	[tilespmem:$0xD400] =	vst v63  }
0x38: {  	_ = 	snop  }
0x39: {  	[tilespmem:s21], [sflag:$0x1] =	stream.linear.gather [hbm4b:s11+s28], $0x800, $0x38;
	[tilespmem:$0xD400] =	vst v63  }
0x3a: {  	p0 =	por $0x0, $0x0  }
0x3b: {  	[tilespmem:s23], [sflag:$0x2] =	stream.indirect.gather [hbm4b:s4+s22], $0x10, s15, s22, $0xb8;
	[tilespmem:$0xD400] =	vst v63  }
.LBB2_5:
0x3c: {  	_ =	swait.ge [sflag:s19], $0x800  }
0x3d: {  	s29 =	smov.u32 s28;
	s30 =	sshll.u32 s28, $0xB;
	s28 =	sadd.s32 $0x1, s28  }
0x3e: {  	[sflag:s19] =	ssyncset.done $0x0;
	p2 =	seq.s32 s29, $0x2A;
	s30 =	sand.u32 $0x800, s30  }
0x3f: {  	[sflag:s19] =	ssyncadd.s32 $0xFFFFF800;
	s31 =	sshll.u32 @!p2 s28, $0x8;
	p3 =	sgt.u32 @!p2 s29, $0x23  }
0x40: {  	s1 =	ssub.s32 @!p2 $0x5800, s30;
	_ =	swait.ge [sflag:s19], $0x800;
	p1 =	por p3, p2  }
0x41: {  	s16 =	simm.s32 @!p2 $0x0;
	[sflag:s19] =	ssyncset.done $0x0;
	p4 =	slt.u32 @!p1 s29, $0x2  }
0x42: {  	s0 =	sadd.s32 @!p2 s10, s31;
	[sflag:s19] =	ssyncadd.s32 $0xFFFFF800;
	p4 =	por @!p2 p4, p3  }
0x43: {  	[tilespmem:s1], [sflag:$0x1] =	stream.linear.gather @!p2 [hbm4b:s0+s16], $0x800, $0x38;
	[tilespmem:$0xD400] =	vst v63  }
0x44: {  	s0 =	ssub.s32 @!p2 $0x6800, s30;
	s1 =	sadd.s32 @!p2 s11, s31;
	p4 =	por p4, p2  }
0x45: {  	[tilespmem:s0], [sflag:$0x1] =	stream.linear.gather @!p2 [hbm4b:s1+s16], $0x800, $0x38;
	[tilespmem:$0xD400] =	vst v63  }
0x46: {  	s1 =	simm.s32 @!p4 $0x3  }
0x47: {  	s0 =	smul.u32 @!p1 $0xAB, s29;
	_ =	swait.ge @!p4 [sflag:s1], $0x800  }
0x48: {  	[sflag:s1] =	ssyncset.done @!p4 $0x0  }
0x49: {  	s0 =	sshrl.u32 @!p1 s0, $0x9;
	[sflag:s1] =	ssyncadd.s32 @!p4 $0xFFFFF800;
	p4 =	seq.s32 @!p1 s29, $0x23  }
0x4a: {  	s0 =	sand.u32 @!p1 $0x7F, s0;
	s1 =	simm.s32 @!p1 $0x2;
	p3 =	por @!p2 p4, p3  }
0x4b: {  	s0 =	smul.u32 @!p1 $0x3, s0;
	_ =	swait.ge @!p1 [sflag:s1], $0x800;
	p2 =	por p3, p2  }
0x4c: {  	s30 =	simm.s32 $0x1;
	[sflag:s1] =	ssyncset.done @!p1 $0x0;
	s16 =	smul.u32 @!p2 $0xAB, s28  }
0x4d: {  	s0 =	ssub.s32 @!p1 s29, s0;
	[sflag:s1] =	ssyncadd.s32 @!p1 $0xFFFFF800;
	s1 =	sshll.u32 @!p1 s29, $0x7  }
0x4e: {  	s29 =	simm.s32 @!p1 $0x80;
	s0 =	sand.u32 @!p1 $0xFF, s0;
	s16 =	sshrl.u32 @!p2 s16, $0x9  }
0x4f: {  	s1 =	sand.u32 @!p1 $0x3FFFFF80, s1;
	s0 =	sshll.u32 @!p1 s0, $0xB;
	s16 =	sand.u32 @!p2 $0x7F, s16  }
0x50: {  	s1 =	sadd.s32 @!p1 $0x8200, s1;
	s0 =	sadd.s32 @!p1 $0x9400, s0;
	s16 =	smul.u32 @!p2 $0x3, s16  }
0x51: {  	[spmem:s2] =	stream.indirect.scatter.add.f32 @!p1 [tilespmem:s0], [sflag:$0x3], $0x10, s1, s29, $0xb8;
	[tilespmem:$0xD400] =	vst v63  }
0x52: {  	s30 =	simm.s32 @!p0 $0x0;
	s0 =	ssub.s32 @!p2 s28, s16  }
0x53: {  	s1 =	sshll.u32 s30, $0xB;
	s16 =	sshll.u32 @!p2 s28, $0x7;
	s0 =	sand.u32 @!p2 $0xFF, s0  }
0x54: {  	s29 =	simm.s32 @!p2 $0x80;
	s16 =	sand.u32 @!p2 $0x3FFFFF80, s16;
	s0 =	sshll.u32 @!p2 s0, $0xB  }
0x55: {  	s31 =	sor.u32 $0x5080, s1;
	s16 =	sadd.s32 @!p2 $0x7000, s16;
	s0 =	sadd.s32 @!p2 $0x9400, s0  }
0x56: {  	[tilespmem:s0], [sflag:$0x2] =	stream.indirect.gather @!p2 [hbm4b:s4+s29], $0x10, s16, s29, $0xb8;
	[tilespmem:$0xD400] =	vst v63  }
0x57: {  	v1 =	vld [tilespmem:s31+$0x70]  }
0x58: {  	v2 =	vld [tilespmem:s31+$0xFFFFFF90]  }
0x59: {  	v3 =	vld [tilespmem:s31+$0xFFFFFFA0]  }
0x5a: {  	v4 =	vld [tilespmem:s31+$0xFFFFFFB0]  }
0x5b: {  	v5 =	vld [tilespmem:s31+$0xFFFFFFC0]  }
0x5c: {  	s29 =	sor.u32 $0x6080, s1;
	v6 =	vld [tilespmem:s31+$0xFFFFFFD0]  }
0x5d: {  	v7 =	vld [tilespmem:s29+$0x70]  }
0x5e: {  	v8 =	vld [tilespmem:s31+$0xFFFFFFE0]  }
0x5f: {  	v9 =	vld [tilespmem:s31+$0xFFFFFFF0]  }
0x60: {  	v10 =	vld [tilespmem:s31+$0x0]  }
0x61: {  	v11 =	vld [tilespmem:s31+$0x10]  }
0x62: {  	v12 =	vld [tilespmem:s31+$0x20]  }
0x63: {  	v13 =	vld [tilespmem:s31+$0x30]  }
0x64: {  	v63 =	vld [tilespmem:s31+$0x50]  }
0x65: {  	v14 =	vld [tilespmem:s31+$0x60]  }
0x66: {  	v15 =	vld [tilespmem:s31+$0xFFFFFF80]  }
0x67: {  	v16 =	vld [tilespmem:s29+$0xFFFFFF80]  }
0x68: {  	v17 =	vld [tilespmem:s29+$0xFFFFFF90]  }
0x69: {  	v18 =	vld [tilespmem:s29+$0xFFFFFFA0]  }
0x6a: {  	v19 =	vld [tilespmem:s29+$0xFFFFFFB0]  }
0x6b: {  	v20 =	vld [tilespmem:s29+$0xFFFFFFC0]  }
0x6c: {  	v21 =	vld [tilespmem:s29+$0xFFFFFFD0]  }
0x6d: {  	v22 =	vld [tilespmem:s29+$0xFFFFFFE0]  }
0x6e: {  	v23 =	vld [tilespmem:s29+$0xFFFFFFF0]  }
0x6f: {  	v24 =	vld [tilespmem:s29+$0x0]  }
0x70: {  	v25 =	vld [tilespmem:s29+$0x10]  }
0x71: {  	v26 =	vld [tilespmem:s29+$0x20]  }
0x72: {  	v27 =	vld [tilespmem:s29+$0x30]  }
0x73: {  	v28 =	vld [tilespmem:s29+$0x40]  }
0x74: {  	v29 =	vld [tilespmem:s29+$0x50]  }
0x75: {  	v30 =	vld [tilespmem:s29+$0x60]  }
0x76: {  	v1 =	vld.idx.msk [tilespmem:v1+s3+$0x0], $0xffff  }
0x77: {  	v2 =	vld.idx.msk [tilespmem:v2+s3+$0x0], $0xffff  }
0x78: {  	v3 =	vld.idx.msk [tilespmem:v3+s3+$0x0], $0xffff  }
0x79: {  	v4 =	vld.idx.msk [tilespmem:v4+s3+$0x0], $0xffff  }
0x7a: {  	v5 =	vld.idx.msk [tilespmem:v5+s3+$0x0], $0xffff  }
0x7b: {  	v6 =	vld.idx.msk [tilespmem:v6+s3+$0x0], $0xffff  }
0x7c: {  	v8 =	vld.idx.msk [tilespmem:v8+s3+$0x0], $0xffff  }
0x7d: {  	v9 =	vld.idx.msk [tilespmem:v9+s3+$0x0], $0xffff  }
0x7e: {  	v15 =	vld.idx.msk [tilespmem:v15+s3+$0x0], $0xffff  }
0x7f: {  	v10 =	vld.idx.msk [tilespmem:v10+s3+$0x0], $0xffff  }
0x80: {  	v11 =	vld.idx.msk [tilespmem:v11+s3+$0x0], $0xffff  }
0x81: {  	v12 =	vld.idx.msk [tilespmem:v12+s3+$0x0], $0xffff  }
0x82: {  	v13 =	vld.idx.msk [tilespmem:v13+s3+$0x0], $0xffff  }
0x83: {  	v14 =	vld.idx.msk [tilespmem:v14+s3+$0x0], $0xffff  }
0x84: {  	[tilespmem:v7+s24+$0x0] =	vst.idx.add.f32.msk $0xffff, v1  }
0x85: {  	v1 =	vld [tilespmem:s31+$0x40]  }
0x86: {  	v7 =	vld.idx.msk [tilespmem:v63+s3+$0x0], $0xffff  }
0x87: {  	[tilespmem:v16+s24+$0x0] =	vst.idx.add.f32.msk $0xffff, v15  }
0x88: {  	[tilespmem:v17+s24+$0x0] =	vst.idx.add.f32.msk $0xffff, v2  }
0x89: {  	[tilespmem:v18+s24+$0x0] =	vst.idx.add.f32.msk $0xffff, v3  }
0x8a: {  	[tilespmem:v19+s24+$0x0] =	vst.idx.add.f32.msk $0xffff, v4  }
0x8b: {  	[tilespmem:v20+s24+$0x0] =	vst.idx.add.f32.msk $0xffff, v5  }
0x8c: {  	[tilespmem:v21+s24+$0x0] =	vst.idx.add.f32.msk $0xffff, v6  }
0x8d: {  	[tilespmem:v22+s24+$0x0] =	vst.idx.add.f32.msk $0xffff, v8  }
0x8e: {  	[tilespmem:v23+s24+$0x0] =	vst.idx.add.f32.msk $0xffff, v9  }
0x8f: {  	[tilespmem:v24+s24+$0x0] =	vst.idx.add.f32.msk $0xffff, v10  }
0x90: {  	[tilespmem:v25+s24+$0x0] =	vst.idx.add.f32.msk $0xffff, v11  }
0x91: {  	v1 =	vld.idx.msk [tilespmem:v1+s3+$0x0], $0xffff  }
0x92: {  	[tilespmem:v26+s24+$0x0] =	vst.idx.add.f32.msk $0xffff, v12  }
0x93: {  	[tilespmem:v27+s24+$0x0] =	vst.idx.add.f32.msk $0xffff, v13  }
0x94: {  	[tilespmem:v30+s24+$0x0] =	vst.idx.add.f32.msk $0xffff, v14  }
0x95: {  	[tilespmem:v29+s24+$0x0] =	vst.idx.add.f32.msk $0xffff, v7  }
0x96: {  	s30 =	simm.s32 $0x0;
	s31 =	sadd.s32 $0x100, s31;
	[tilespmem:v28+s24+$0x0] =	vst.idx.add.f32.msk $0xffff, v1  }
.LBB2_6:
0x97: {  	v1 =	vld [tilespmem:s31+$0x70];
	s30 =	sadd.s32 $0x10, s30  }
0x98: {  	v2 =	vld [tilespmem:s31+$0xFFFFFF90];
	p1 =	slt.u32 s30, $0x70  }
0x99: {  	v3 =	vld [tilespmem:s31+$0xFFFFFFA0]  }
0x9a: {  	v4 =	vld [tilespmem:s31+$0xFFFFFFB0]  }
0x9b: {  	v5 =	vld [tilespmem:s31+$0xFFFFFFC0]  }
0x9c: {  	s29 =	sadd.s32 $0x100, s29;
	v6 =	vld [tilespmem:s31+$0xFFFFFFD0]  }
0x9d: {  	v7 =	vld [tilespmem:s29+$0x70]  }
0x9e: {  	v8 =	vld [tilespmem:s31+$0xFFFFFFE0]  }
0x9f: {  	v1 =	vld.idx.msk [tilespmem:v1+s3+$0x0], $0xffff  }
0xa0: {  	v9 =	vld [tilespmem:s31+$0xFFFFFFF0]  }
0xa1: {  	v10 =	vld [tilespmem:s31+$0x0]  }
0xa2: {  	v11 =	vld [tilespmem:s31+$0x10]  }
0xa3: {  	v12 =	vld [tilespmem:s31+$0x20]  }
0xa4: {  	v13 =	vld [tilespmem:s31+$0x30]  }
0xa5: {  	[tilespmem:v7+s24+$0x0] =	vst.idx.add.f32.msk $0xffff, v1  }
0xa6: {  	v1 =	vld [tilespmem:s31+$0x40]  }
0xa7: {  	v7 =	vld [tilespmem:s31+$0x50]  }
0xa8: {  	v14 =	vld [tilespmem:s31+$0x60]  }
0xa9: {  	v15 =	vld [tilespmem:s31+$0xFFFFFF80]  }
0xaa: {  	v2 =	vld.idx.msk [tilespmem:v2+s3+$0x0], $0xffff  }
0xab: {  	v3 =	vld.idx.msk [tilespmem:v3+s3+$0x0], $0xffff  }
0xac: {  	v4 =	vld.idx.msk [tilespmem:v4+s3+$0x0], $0xffff  }
0xad: {  	v5 =	vld.idx.msk [tilespmem:v5+s3+$0x0], $0xffff  }
0xae: {  	v6 =	vld.idx.msk [tilespmem:v6+s3+$0x0], $0xffff  }
0xaf: {  	v8 =	vld.idx.msk [tilespmem:v8+s3+$0x0], $0xffff  }
0xb0: {  	v9 =	vld.idx.msk [tilespmem:v9+s3+$0x0], $0xffff  }
0xb1: {  	v15 =	vld.idx.msk [tilespmem:v15+s3+$0x0], $0xffff  }
0xb2: {  	v10 =	vld.idx.msk [tilespmem:v10+s3+$0x0], $0xffff  }
0xb3: {  	v11 =	vld.idx.msk [tilespmem:v11+s3+$0x0], $0xffff  }
0xb4: {  	v12 =	vld.idx.msk [tilespmem:v12+s3+$0x0], $0xffff  }
0xb5: {  	v13 =	vld.idx.msk [tilespmem:v13+s3+$0x0], $0xffff  }
0xb6: {  	v1 =	vld.idx.msk [tilespmem:v1+s3+$0x0], $0xffff  }
0xb7: {  	v7 =	vld.idx.msk [tilespmem:v7+s3+$0x0], $0xffff  }
0xb8: {  	v14 =	vld.idx.msk [tilespmem:v14+s3+$0x0], $0xffff  }
0xb9: {  	v16 =	vld [tilespmem:s29+$0xFFFFFF80]  }
0xba: {  	v17 =	vld [tilespmem:s29+$0xFFFFFF90]  }
0xbb: {  	v18 =	vld [tilespmem:s29+$0xFFFFFFA0]  }
0xbc: {  	v19 =	vld [tilespmem:s29+$0xFFFFFFB0]  }
0xbd: {  	v20 =	vld [tilespmem:s29+$0xFFFFFFC0]  }
0xbe: {  	v21 =	vld [tilespmem:s29+$0xFFFFFFD0]  }
0xbf: {  	v22 =	vld [tilespmem:s29+$0xFFFFFFE0]  }
0xc0: {  	v23 =	vld [tilespmem:s29+$0xFFFFFFF0]  }
0xc1: {  	v24 =	vld [tilespmem:s29+$0x0]  }
0xc2: {  	v25 =	vld [tilespmem:s29+$0x10]  }
0xc3: {  	v26 =	vld [tilespmem:s29+$0x20]  }
0xc4: {  	v27 =	vld [tilespmem:s29+$0x30]  }
0xc5: {  	v28 =	vld [tilespmem:s29+$0x40]  }
0xc6: {  	v29 =	vld [tilespmem:s29+$0x50]  }
0xc7: {  	v30 =	vld [tilespmem:s29+$0x60]  }
0xc8: {  	[tilespmem:v16+s24+$0x0] =	vst.idx.add.f32.msk $0xffff, v15  }
0xc9: {  	[tilespmem:v17+s24+$0x0] =	vst.idx.add.f32.msk $0xffff, v2  }
0xca: {  	[tilespmem:v18+s24+$0x0] =	vst.idx.add.f32.msk $0xffff, v3  }
0xcb: {  	[tilespmem:v19+s24+$0x0] =	vst.idx.add.f32.msk $0xffff, v4  }
0xcc: {  	[tilespmem:v20+s24+$0x0] =	vst.idx.add.f32.msk $0xffff, v5  }
0xcd: {  	[tilespmem:v21+s24+$0x0] =	vst.idx.add.f32.msk $0xffff, v6  }
0xce: {  	[tilespmem:v22+s24+$0x0] =	vst.idx.add.f32.msk $0xffff, v8  }
0xcf: {  	[tilespmem:v23+s24+$0x0] =	vst.idx.add.f32.msk $0xffff, v9  }
0xd0: {  	[tilespmem:v24+s24+$0x0] =	vst.idx.add.f32.msk $0xffff, v10  }
0xd1: {  	[tilespmem:v25+s24+$0x0] =	vst.idx.add.f32.msk $0xffff, v11  }
.Ltmp1:
0xd2: {  	[tilespmem:v26+s24+$0x0] =	vst.idx.add.f32.msk $0xffff, v12;
	(pc) =	sbr.rel @p1 .LBB2_6-.Ltmp1, $4  }
0xd3: {  	[tilespmem:v27+s24+$0x0] =	vst.idx.add.f32.msk $0xffff, v13  }
0xd4: {  	[tilespmem:v28+s24+$0x0] =	vst.idx.add.f32.msk $0xffff, v1  }
0xd5: {  	[tilespmem:v29+s24+$0x0] =	vst.idx.add.f32.msk $0xffff, v7  }
0xd6: {  	s31 =	sadd.s32 $0x100, s31;
	[tilespmem:v30+s24+$0x0] =	vst.idx.add.f32.msk $0xffff, v14  }
0xd7: {  	p1 =	seq.s32 s28, $0x2B  }
.Ltmp2:
0xd8: {  	_ = 	snop;
	(pc) =	sbr.rel @!p1 .LBB2_5-.Ltmp2, $2  }
0xd9: {  	_ =	sdelay $0x2  }
0xda: {  	p0 =	por !p0, !p0  }
0xdb: {  	_ =	swait.ge [sflag:s25], $0x800  }
0xdc: {  	[sflag:s25] =	ssyncset.done $0x0  }
0xdd: {  	[sflag:s25] =	ssyncadd.s32 $0xFFFFF800  }
0xde: {  	_ =	swait.ge [sflag:s25], $0x800  }
0xdf: {  	[sflag:s25] =	ssyncset.done $0x0  }
0xe0: {  	[sflag:s25] =	ssyncadd.s32 $0xFFFFF800  }
0xe1: {  	[bflag:$0x0] =	sbarrier.arrive $0xFFFF  }
0xe2: {  	[hbm4b:s13+s3] =	stream.linear.scatter [tilespmem:s24], [sflag:$0x4], $0x2800, $0x38;
	[tilespmem:$0xD400] =	vst v63  }
0xe3: {  	s26 =	sadd.s32 $0x1, s26;
	_ =	swait.ge [sflag:s18], $0x2800  }
0xe4: {  	p0 =	sne.s32 s26, s12;
	[sflag:s18] =	ssyncset.done $0x0  }
.Ltmp3:
0xe5: {  	[sflag:s18] =	ssyncadd.s32 $0xFFFFD800;
	(pc) =	sbr.rel @p0 .LBB2_1-.Ltmp3, $4  }
0xe6: {  	[hbm:s14], [sflag:s9] =	dma.local [spmem:s17], $0x500  }
0xe7: {  	_ =	swait.ge [sflag:s18], $0x500  }
0xe8: {  	[sflag:s18] =	ssyncset.done $0x0  }
0xe9: {  	[sflag:s18] =	ssyncadd.s32 $0xFFFFFB00  }
0xea: {  	_ =	sfence.sel $0x180000  }
0xeb: {  	[bflag:$0x0] =	sbarrier.arrive $0xFFFF  }
0xec: {  	_ =	strace $0x9000004D  }
0xed: {  	s0 =	stileid.u32;
	[bflag:$0x2] =	sbarrier.arrive $0xFFFF  }
0xee: {  	p0 =	sne.s32 s0, $0x0;
	s0 =	rddreg [dreg:$0x3]  }
0xef: {  	s0 =	sadd.s32 @!p0 $0x100000, s0  }
0xf0: {  	[sflag:s0] =	ssyncadd.tile.s32 @!p0 $0x1;
	_ =	shalt  }
.Lfunc_end2:
_tile_overlayer_lowered:
.L_overlay_start_2:
0xf1: {  	(tag) =	ssettag $0x2  }
0xf2: {  	s0 =	rddreg [dreg:$0x0];
	s2 =	stileid.u32  }
0xf3: {  	s1 =	rddreg [dreg:$0x1];
	p0 =	sne.s32 s2, $0x0  }
0xf4: {  	s3 =	rddreg [dreg:$0x2];
	[bflag:$0x3] =	sbarrier.arrive $0xFFFF;
	s2 =	simm.s32 @!p0 $0x1C04  }
0xf5: {  	[timem:s3], [sflag:s2] =	dma.local @!p0 [hbm:s0], s1  }
0xf6: {  	s0 =	simm.s32 @!p0 $0x4  }
0xf7: {  	_ =	swait.ge @!p0 [sflag:s0], s1  }
0xf8: {  	s1 =	ssub.s32 @!p0 $0x0, s1;
	[sflag:s0] =	ssyncset.done @!p0 $0x0  }
0xf9: {  	[sflag:s0] =	ssyncadd.s32 @!p0 s1  }
0xfa: {  	[bflag:$0x3] =	sbarrier.arrive $0xFFFF  }
0xfb: {  	_ =	shalt  }

// kernel: kernel.8.cloned.1.call-start
scs
__scs_entry_jumppad:
0x0: {  	(pc) =	sbr.rel $0x88, $3  }
0x1: {  	(tag) =	ssettag $0x0;
	lr =	simm.s32 $0x1  }
0x2: {  	[smem:$0x3F9B] =	sst lr;
	_ =	strace $0xD0000000  }
0x3: {  	_ = 	snop  }
0x4: {  	_ = 	snop  }
0x5: {  	_ = 	snop  }
0x6: {  	_ = 	snop  }
0x7: {  	_ = 	snop  }
__scs_overlays_trampoline_lowered:
0x8: {  	[smem:$0x3FAA] =	sst s0  }
0x9: {  	[smem:$0x3FAB] =	sst s1  }
0xa: {  	[smem:$0x3FAC] =	sst s2  }
0xb: {  	[smem:$0x3FAD] =	sst s3  }
0xc: {  	[smem:$0x3FAE] =	sst s4  }
0xd: {  	[smem:$0x3FAF] =	sst s5  }
0xe: {  	[smem:$0x3FB0] =	sst s6  }
0xf: {  	[smem:$0x3FB1] =	sst s7  }
0x10: {  	[smem:$0x3FB2] =	sst s8  }
0x11: {  	[smem:$0x3FB3] =	sst s9;
	s0 =	simm.s32 @!p0 $0x0  }
0x12: {  	s1 =	sld [smem:$0x3F99];
	s0 =	simm.s32 @p0 $0x1  }
0x13: {  	[smem:$0x3FB4] =	sst s0;
	s0 =	simm.s32 @!p1 $0x0  }
0x14: {  	s2 =	sld [smem:$0x3F98];
	s0 =	simm.s32 @p1 $0x1  }
0x15: {  	[smem:$0x3FB5] =	sst s0;
	s0 =	simm.s32 @!p2 $0x0  }
0x16: {  	s3 =	sld [smem:$0x3FDB];
	s0 =	simm.s32 @p2 $0x1  }
0x17: {  	s4 =	simm.s32 $0x1BF5;
	[smem:$0x3FB7] =	sst s0  }
0x18: {  	s0 =	sld [smem:$0x3F9A];
	_ =	swait.ge [sflag:s4], $0x0  }
0x19: {  	s7 =	sld [smem:$0x3F9B]  }
0x1a: {  	s8 =	sadd.s32 $0xFFFFE003, lr  }
0x1b: {  	s9 =	sadd.s32 $0xFFFFFEF7, lr;
	s5 =	simm.s32 $0xFFFFFFFF;
	p2 =	slt.u32 s8, $0xFFFFF086  }
0x1c: {  	p1 =	slt.u32 s9, $0xF7A;
	s5 =	simm.s32 @!p2 $0x0  }
0x1d: {  	s5 =	simm.s32 @p1 $0x1;
	p0 =	seq.s32 s7, s2  }
0x1e: {  	s7 =	smul.u32 @!p0 $0xF7A, s2;
	p2 =	seq.s32 @!p0 s5, $0x0  }
0x1f: {  	s9 =	smul.u32 $0xF7A, s1;
	s8 =	simm.s32 @!p0 $0x1BF5;
	p2 =	por !p2, p0  }
0x20: {  	[sflag:s8] =	ssyncset.s32 @!p0 $0xFFFFF086;
	s6 =	sadd.s32 @!p0 s3, s7;
	s7 =	simm.s32 @!p0 $0x108  }
0x21: {  	s3 =	sadd.s32 s3, s9;
	s6 =	sadd.s32 @!p0 $0x88, s6;
	s7 =	simm.s32 @p2 $0x1082  }
0x22: {  	[simem:s7], [sflag:s8] =	dma.local @!p0 [hbm:s6], $0xF7A  }
0x23: {  	s9 =	sor.u32 $0xD0000000, s2;
	s6 =	simm.s32 $0x108;
	_ =	swait.ge @!p0 [sflag:s8], $0x0  }
0x24: {  	s3 =	sadd.s32 $0x88, s3;
	s6 =	simm.s32 @!p1 $0x1082;
	[sflag:s4] =	ssyncset.s32 $0xFFFFF086  }
0x25: {  	[simem:s6], [sflag:s4] =	dma.local [hbm:s3], $0xF7A  }
0x26: {  	[smem:$0x3F9B] =	sst s1;
	(tag) =	ssettag s2;
	_ =	strace s9  }
0x27: {  	s1 =	sld [smem:$0x3FAB]  }
0x28: {  	s2 =	sld [smem:$0x3FAC]  }
0x29: {  	s4 =	sld [smem:$0x3FAE]  }
0x2a: {  	p0 =	seq.s32 s5, $0x0;
	s5 =	sld [smem:$0x3FAF]  }
0x2b: {  	s6 =	sld [smem:$0x3FB0]  }
0x2c: {  	s7 =	sld [smem:$0x3FB1]  }
0x2d: {  	s3 =	simm.s32 $0x108;
	s8 =	sld [smem:$0x3FB2]  }
0x2e: {  	s3 =	simm.s32 @!p0 $0x1082;
	s9 =	sld [smem:$0x3FB3]  }
0x2f: {  	lr =	sadd.s32 s0, s3;
	s0 =	sld [smem:$0x3FAA]  }
0x30: {  	s3 =	sld [smem:$0x3FAD]  }
0x31: {  	[smem:$0x3FB6] =	sst s10  }
0x32: {  	s10 =	sld [smem:$0x3FB4];
	_ =	sdelay $0x3  }
0x33: {  	p0 =	seq.s32 s10, $0x1;
	s10 =	sld [smem:$0x3FB6];
	_ =	sdelay $0x3  }
0x34: {  	[smem:$0x3FB6] =	sst s10  }
0x35: {  	s10 =	sld [smem:$0x3FB5];
	_ =	sdelay $0x3  }
0x36: {  	p1 =	seq.s32 s10, $0x1;
	s10 =	sld [smem:$0x3FB6];
	_ =	sdelay $0x3  }
0x37: {  	[smem:$0x3FB6] =	sst s10  }
0x38: {  	s10 =	sld [smem:$0x3FB7]  }
0x39: {  	_ = 	snop;
	(pc) =	sbr.ind lr, $3  }
0x3a: {  	_ = 	snop  }
0x3b: {  	_ = 	snop  }
0x3c: {  	p2 =	seq.s32 s10, $0x1;
	s10 =	sld [smem:$0x3FB6]  }
0x3d: {  	_ =	shalt  }
0x3e: {  	_ =	shalt  }
0x3f: {  	_ =	shalt  }
0x40: {  	_ =	shalt  }
0x41: {  	_ =	shalt  }
0x42: {  	_ =	shalt  }
0x43: {  	_ =	shalt  }
0x44: {  	_ =	shalt  }
0x45: {  	_ =	shalt  }
0x46: {  	_ =	shalt  }
0x47: {  	_ =	shalt  }
0x48: {  	_ =	shalt  }
0x49: {  	_ =	shalt  }
0x4a: {  	_ =	shalt  }
0x4b: {  	_ =	shalt  }
0x4c: {  	_ =	shalt  }
0x4d: {  	_ =	shalt  }
0x4e: {  	_ =	shalt  }
0x4f: {  	_ =	shalt  }
0x50: {  	_ =	shalt  }
0x51: {  	_ =	shalt  }
0x52: {  	_ =	shalt  }
0x53: {  	_ =	shalt  }
0x54: {  	_ =	shalt  }
0x55: {  	_ =	shalt  }
0x56: {  	_ =	shalt  }
0x57: {  	_ =	shalt  }
0x58: {  	_ =	shalt  }
0x59: {  	_ =	shalt  }
0x5a: {  	_ =	shalt  }
0x5b: {  	_ =	shalt  }
0x5c: {  	_ =	shalt  }
0x5d: {  	_ =	shalt  }
0x5e: {  	_ =	shalt  }
0x5f: {  	_ =	shalt  }
0x60: {  	_ =	shalt  }
0x61: {  	_ =	shalt  }
0x62: {  	_ =	shalt  }
0x63: {  	_ =	shalt  }
0x64: {  	_ =	shalt  }
0x65: {  	_ =	shalt  }
0x66: {  	_ =	shalt  }
0x67: {  	_ =	shalt  }
0x68: {  	_ =	shalt  }
0x69: {  	_ =	shalt  }
0x6a: {  	_ =	shalt  }
0x6b: {  	_ =	shalt  }
0x6c: {  	_ =	shalt  }
0x6d: {  	_ =	shalt  }
0x6e: {  	_ =	shalt  }
0x6f: {  	_ =	shalt  }
0x70: {  	_ =	shalt  }
0x71: {  	_ =	shalt  }
0x72: {  	_ =	shalt  }
0x73: {  	_ =	shalt  }
0x74: {  	_ =	shalt  }
0x75: {  	_ =	shalt  }
0x76: {  	_ =	shalt  }
0x77: {  	_ =	shalt  }
0x78: {  	_ =	shalt  }
0x79: {  	_ =	shalt  }
0x7a: {  	_ =	shalt  }
0x7b: {  	_ =	shalt  }
0x7c: {  	_ =	shalt  }
0x7d: {  	_ =	shalt  }
0x7e: {  	_ =	shalt  }
0x7f: {  	_ =	shalt  }
0x80: {  	_ =	shalt  }
0x81: {  	_ =	shalt  }
0x82: {  	_ =	shalt  }
0x83: {  	_ =	shalt  }
0x84: {  	_ =	shalt  }
0x85: {  	_ =	shalt  }
0x86: {  	_ =	shalt  }
0x87: {  	_ =	shalt  }
.Lfunc_end0:
.L_simem_size_0:
called_computation_lowered:
.L_overlay_start_0:
0x88: {  	s2 =	sld [smem:$0x3FD9]  }
0x89: {  	s3 =	sld [smem:$0x3FFE];
	_ =	sdelay $0x1  }
0x8a: {  	s1 =	srdreg.scid  }
0x8b: {  	s0 =	sand.u32 $0x1, s1  }
0x8c: {  	s16 =	sshll.u32 s0, $0xA;
	s2 =	sadd.s32 s3, s2  }
0x8d: {  	s2 =	sadd.s32 s2, s16  }
0x8e: {  	[smem:$0x3FC2] =	sst s2  }
0x8f: {  	_ = 	snop  }
0x90: {  	(tm) =	ssettm $0x1  }
0x91: {  	s17 =	sld [smem:$0x3FFB];
	_ =	sdelay $0x3  }
0x92: {  	_ =	strace s17  }
0x93: {  	s2 =	sld [smem:$0x3FFC];
	_ =	sdelay $0x3  }
0x94: {  	_ =	strace s2  }
0x95: {  	s2 =	sld [smem:$0x3FFD];
	_ =	sdelay $0x3  }
0x96: {  	_ =	strace s2  }
0x97: {  	_ =	strace $0x8FFFFFFF  }
0x98: {  	s18 =	sld [smem:$0x3FDB];
	_ =	sdelay $0x1  }
0x99: {  	s19 =	simm.s32 $_scs_section_size  }
0x9a: {  	s4 =	simm.s32 $_size__tile_overlayer_lowered;
	s5 =	simm.s32 $_tile_overlayer_lowered  }
0x9b: {  	s22 =	simm.s32 $0x1BFF;
	s21 =	sshll.u32 s5, $0x1;
	s2 =	sadd.s32 s19, s18  }
0x9c: {  	s6 =	simm.s32 $0x0;
	s20 =	sshll.u32 s4, $0x1;
	s4 =	sadd.s32 s21, s2  }
0x9d: {  	[timem:s6], [sflag:s22] =	dma.local [hbm:s4], s20  }
0x9e: {  	_ =	swait.ge [sflag:s22], s20  }
0x9f: {  	s3 =	ssub.s32 $0x0, s20;
	[sflag:s22] =	ssyncset.done $0x0  }
0xa0: {  	[sflag:s22] =	ssyncadd.s32 s3;
	_ =	sdelay $0x1  }
0xa1: {  	s23 =	simm.s32 $0x1B8B  }
0xa2: {  	_ =	swait.ge [sflag:s23], $0x1  }
0xa3: {  	[sflag:s23] =	ssyncset.done $0x0  }
0xa4: {  	s25 =	simm.s32 $0x1B8E;
	s24 =	sld [smem:$0x3FFE];
	[sflag:s23] =	ssyncadd.s32 $0xFFFFFFFF  }
0xa5: {  	s26 =	simm.s32 $execute0_lowered;
	[smem:$0x3FD2] =	sst s25  }
0xa6: {  	s4 =	sshll.u32 s26, $0x1;
	_ =	strace $0x80000046;
	[dreg:$0x1] =	wrdreg $0xFFFFFFFF  }
0xa7: {  	s28 =	simm.s32 $_size_execute0_lowered;
	s2 =	sadd.s32 s2, s4;
	[dreg:$0x0] =	wrdreg $0x0  }
0xa8: {  	s4 =	sshll.u32 s28, $0x1;
	[dreg:$0x2] =	wrdreg s2  }
0xa9: {  	[dreg:$0x3] =	wrdreg s4  }
0xaa: {  	[dreg:$0x4] =	wrdreg $0xC0  }
0xab: {  	_ =	task [dreg:s6], $0x5FFFF  }
0xac: {  	[dreg:$0x1] =	wrdreg $0xFFFFFFFF  }
0xad: {  	[dreg:$0x0] =	wrdreg $0x60  }
0xae: {  	[dreg:$0x2] =	wrdreg s24  }
0xaf: {  	[dreg:$0x3] =	wrdreg $0x0  }
0xb0: {  	[dreg:$0x4] =	wrdreg $0x9  }
0xb1: {  	_ =	task.clear_ibuf [dreg:s6], $0x5FFFF;
	_ =	strace $0x90000046  }
0xb2: {  	s29 =	simm.s32 $0x9;
	_ =	strace $0x80000048  }
0xb3: {  	_ =	swait.ge [sflag:s29], $0x1  }
0xb4: {  	[sflag:s29] =	ssyncadd.s32 $0xFFFFFFFF  }
0xb5: {  	_ =	strace $0x90000048  }
0xb6: {  	_ =	sfence  }
0xb7: {  	s30 =	sld [smem:$0x0];
	_ =	sdelay $0x2  }
0xb8: {  	s31 =	sshll.u32 s1, $0xD;
	s1 =	sshrl.u32 s1, $0x2  }
0xb9: {  	s3 =	sand.u32 $0x4000, s31;
	s1 =	sadd.s32 s1, s30  }
0xba: {  	s0 =	sor.u32 s3, s0;
	s1 =	sshll.u32 s1, $0x11  }
0xbb: {  	s0 =	sor.u32 s1, s0  }
0xbc: {  	s0 =	sadd.s32 $0x8F2B, s0  }
0xbd: {  	[sflag:s0] =	ssyncadd.remote.s32 $0x1  }
0xbe: {  	_ =	sfence.sel $0xFFFF  }
0xbf: {  	[dreg:$0x0] =	wrdreg $0xFFFFFFFF;
	(pc) =	sbr.abs _section_cstart, $3  }
0xc0: {  	[dreg:$0x1] =	wrdreg $0xFFFFFFFF  }
0xc1: {  	_ =	task.clear_ibuf [dreg:s6], $0x2FFFF;
	_ =	strace $0x9FFFFFFF  }
0xc2: {  	(tm) =	ssettm $0x7FFFFFFF  }
0xc3: {  	_ =	shalt  }
tec
execute0_lowered:
.L_overlay_start_1:
0x0: {  	(tag) =	ssettag $0x1  }
0x1: {  	s5 =	rddreg [dreg:$0x0]  }
0x2: {  	s1 =	rddreg [dreg:$0x1]  }
0x3: {  	s2 =	srdreg.scid;
	s0 =	rddreg [dreg:$0x2];
	s3 =	simm.s32 $0x0  }
0x4: {  	s10 =	simm.s32 $0xDA00;
	s11 =	simm.s32 $0x80;
	s12 =	simm.s32 $0x1  }
0x5: {  	s15 =	simm.s32 $0x0;
	s4 =	sand.u32 $0x1, s2;
	s2 =	stileid.u32  }
0x6: {  	[smem:$0x7FF] =	sst s3;
	s6 =	sshll.u32 s4, $0x4;
	s7 =	ssub.s32 $0x2, s4  }
0x7: {  	_ =	strace $0x80000047;
	s9 =	smul.u32 $0x280, s2;
	p0 =	seq.s32 s4, $0x1  }
0x8: {  	s13 =	sshll.u32 s2, $0x6;
	s6 =	sor.u32 s2, s6;
	s8 =	sshrl.u32 s7, $0x1  }
0x9: {  	s10 =	simm.s32 @!p0 $0xD400;
	s13 =	sor.u32 $0x1C02, s13;
	s6 =	smul.u32 $0x4F0, s6  }
0xa: {  	s7 =	ssub.s32 s7, s8;
	s4 =	sadd.s32 s9, s1;
	s30 =	sshrl.u32 s9, $0x3  }
0xb: {  	s31 =	sadd.s32 s10, s5;
	s8 =	simm.s32 $0x2A00;
	s9 =	simm.s32 $0x2  }
0xc: {  	s10 =	simm.s32 $0x280;
	s14 =	sshrl.u32 s4, $0x3;
	s6 =	sadd.s32 s6, s5  }
0xd: {  	v0 =	vimm.f32 $1.000000000e+00;
	s5 =	sadd.s32 $0x3600, s6;
	s6 =	smax.u32 s7, $0x1;
	s7 =	sadd.s32 s31, s30  }
.LBB2_1:
0xe: {  	[tilespmem:$0x2A00] =	vst v0  }
0xf: {  	[tilespmem:$0x2A10] =	vst v0  }
0x10: {  	[tilespmem:$0x2A20] =	vst v0  }
0x11: {  	[tilespmem:$0x2A30] =	vst v0  }
0x12: {  	[tilespmem:$0x2A40] =	vst v0  }
0x13: {  	[tilespmem:$0x2A50] =	vst v0  }
0x14: {  	[tilespmem:$0x2A60] =	vst v0  }
0x15: {  	[tilespmem:$0x2A70] =	vst v0  }
0x16: {  	[tilespmem:$0x2A80] =	vst v0  }
0x17: {  	[tilespmem:$0x2A90] =	vst v0  }
0x18: {  	[tilespmem:$0x2AA0] =	vst v0  }
0x19: {  	[tilespmem:$0x2AB0] =	vst v0  }
0x1a: {  	[tilespmem:$0x2AC0] =	vst v0  }
0x1b: {  	[tilespmem:$0x2AD0] =	vst v0  }
0x1c: {  	[tilespmem:$0x2AE0] =	vst v0  }
0x1d: {  	[tilespmem:$0x2AF0] =	vst v0  }
0x1e: {  	[tilespmem:$0x2B00] =	vst v0  }
0x1f: {  	[tilespmem:$0x2B10] =	vst v0  }
0x20: {  	[tilespmem:$0x2B20] =	vst v0  }
0x21: {  	[tilespmem:$0x2B30] =	vst v0  }
0x22: {  	[tilespmem:$0x2B40] =	vst v0  }
0x23: {  	[tilespmem:$0x2B50] =	vst v0  }
0x24: {  	[tilespmem:$0x2B60] =	vst v0  }
0x25: {  	[tilespmem:$0x2B70] =	vst v0  }
0x26: {  	[tilespmem:$0x2B80] =	vst v0  }
0x27: {  	[tilespmem:$0x2B90] =	vst v0  }
0x28: {  	[tilespmem:$0x2BA0] =	vst v0  }
0x29: {  	[tilespmem:$0x2BB0] =	vst v0  }
0x2a: {  	[tilespmem:$0x2BC0] =	vst v0  }
0x2b: {  	[tilespmem:$0x2BD0] =	vst v0  }
0x2c: {  	[tilespmem:$0x2BE0] =	vst v0  }
0x2d: {  	[tilespmem:$0x2BF0] =	vst v0  }
0x2e: {  	[tilespmem:$0x2C00] =	vst v0  }
0x2f: {  	[tilespmem:$0x2C10] =	vst v0  }
0x30: {  	[tilespmem:$0x2C20] =	vst v0  }
0x31: {  	[tilespmem:$0x2C30] =	vst v0  }
0x32: {  	[tilespmem:$0x2C40] =	vst v0  }
0x33: {  	[tilespmem:$0x2C50] =	vst v0  }
0x34: {  	[tilespmem:$0x2C60] =	vst v0  }
0x35: {  	[tilespmem:$0x2C70] =	vst v0  }
0x36: {  	[spmem:s4] =	stream.linear.scatter [tilespmem:s8], [sflag:$0x2], $0x280, $0x38;
	[tilespmem:$0x2C80] =	vst v63  }
0x37: {  	_ =	swait.ge [sflag:s9], $0x280  }
0x38: {  	[sflag:s9] =	ssyncset.done $0x0  }
0x39: {  	[sflag:s9] =	ssyncadd.s32 $0xFFFFFD80  }
0x3a: {  	[tilespmem:s10], [sflag:$0x2] =	stream.linear.gather [hbm4b:s5+s3], $0x2780, $0x38;
	[tilespmem:$0x2C80] =	vst v63  }
0x3b: {  	_ =	swait.ge [sflag:s9], $0x2780  }
0x3c: {  	[sflag:s9] =	ssyncset.done $0x0  }
0x3d: {  	[sflag:s9] =	ssyncadd.s32 $0xFFFFD880  }
0x3e: {  	s16 =	simm.s32 $0x0;
	[bflag:$0x0] =	sbarrier.arrive $0xFFFF  }
.LBB2_2:
0x3f: {  	p0 =	sne.s32 s16, $0x9C00  }
.Ltmp0:
0x40: {  	_ = 	snop;
	(pc) =	sbr.rel @p0 .LBB2_2-.Ltmp0, $4  }
0x41: {  	_ = 	snop  }
0x42: {  	s17 =	sshra.s32 s16, $0x2  }
0x43: {  	s16 =	sadd.s32 $0x200, s16;
	s17 =	sadd.s32 $0x280, s17  }
0x44: {  	[spmem:s1] =	stream.indirect.scatter.add.f32 [tilespmem:s8], [sflag:$0x1], $0x1, s17, s11, $0xb8;
	[tilespmem:$0x2C80] =	vst v63  }
0x45: {  	_ =	swait.ge [sflag:s12], $0x80  }
0x46: {  	s16 =	simm.s32 $0x4E;
	[sflag:s12] =	ssyncset.done $0x0  }
.LBB2_4:
0x47: {  	p0 =	sne.s32 s16, $0x1;
	s16 =	sadd.s32 $0xFFFFFFFF, s16;
	[sflag:s12] =	ssyncadd.s32 $0xFFFFFF80  }
.Ltmp1:
0x48: {  	(pc) =	sbr.rel @p0 .LBB2_4-.Ltmp1, $3  }
0x49: {  	_ =	sdelay $0x1  }
0x4a: {  	_ =	swait.ge [sflag:s12], $0x80  }
0x4b: {  	[sflag:s12] =	ssyncset.done $0x0  }
0x4c: {  	s15 =	sadd.s32 $0x1, s15  }
0x4d: {  	[sflag:s12] =	ssyncadd.s32 $0xFFFFFF80;
	p0 =	sne.s32 s15, s6  }
.Ltmp2:
0x4e: {  	[bflag:$0x0] =	sbarrier.arrive $0xFFFF;
	(pc) =	sbr.rel @p0 .LBB2_1-.Ltmp2, $4  }
0x4f: {  	[hbm:s7], [sflag:s13] =	dma.local [spmem:s14], $0x50  }
0x50: {  	_ =	swait.ge [sflag:s9], $0x50  }
0x51: {  	[sflag:s9] =	ssyncset.done $0x0  }
0x52: {  	[sflag:s9] =	ssyncadd.s32 $0xFFFFFFB0  }
0x53: {  	_ =	sfence.sel $0x180000  }
0x54: {  	[bflag:$0x0] =	sbarrier.arrive $0xFFFF  }
0x55: {  	p0 =	sne.s32 s2, $0x0;
	_ =	strace $0x90000047  }
0x56: {  	s0 =	sadd.s32 @!p0 $0x100000, s0;
	[bflag:$0x2] =	sbarrier.arrive $0xFFFF  }
0x57: {  	[sflag:s0] =	ssyncadd.tile.s32 @!p0 $0x1;
	_ =	shalt  }
.Lfunc_end2:
_tile_overlayer_lowered:
.L_overlay_start_2:
0x58: {  	(tag) =	ssettag $0x2  }
0x59: {  	s0 =	rddreg [dreg:$0x0];
	s2 =	stileid.u32  }
0x5a: {  	s1 =	rddreg [dreg:$0x1];
	p0 =	sne.s32 s2, $0x0  }
0x5b: {  	s3 =	rddreg [dreg:$0x2];
	[bflag:$0x3] =	sbarrier.arrive $0xFFFF;
	s2 =	simm.s32 @!p0 $0x1C02  }
0x5c: {  	[timem:s3], [sflag:s2] =	dma.local @!p0 [hbm:s0], s1  }
0x5d: {  	s0 =	simm.s32 @!p0 $0x2  }
0x5e: {  	_ =	swait.ge @!p0 [sflag:s0], s1  }
0x5f: {  	s1 =	ssub.s32 @!p0 $0x0, s1;
	[sflag:s0] =	ssyncset.done @!p0 $0x0  }
0x60: {  	[sflag:s0] =	ssyncadd.s32 @!p0 s1  }
0x61: {  	[bflag:$0x3] =	sbarrier.arrive $0xFFFF  }
0x62: {  	_ =	shalt  }

</sc_bundles>
